<compile_context>
chip_gen: v7x
topology: tpu7x:2x2x1
jax: 0.10.2.dev20260603
libtpu: 0.0.44.dev20260713+nightly
codegen_flags: <defaults>
</compile_context>

<pallas_src>
import functools

import jax
import jax.numpy as jnp
import numpy as np
from jax import lax
from jax.experimental import pallas as pl
from jax.experimental.pallas import tpu as pltpu
from jax.experimental.pallas import tpu_sc as plsc

S = 32
B = 64
D = 8192
MIX = 8
NUM_ONES = 128

_rng = np.random.RandomState(0)
_PAIRS = []
for _t in range(MIX):
    _ij = _rng.choice(D, 2, replace=False)
    _PAIRS.append((int(_ij[0]), int(_ij[1])))

_UCOLS = []
for _i, _j in _PAIRS:
    for _c in (_i, _j):
        if _c not in _UCOLS:
            _UCOLS.append(_c)
_NU = len(_UCOLS)
assert _NU <= 16
_KI = [_UCOLS.index(i) for i, _ in _PAIRS]
_KJ = [_UCOLS.index(j) for _, j in _PAIRS]

_NC = 2
_NS = 16
_L = 16
_BCH = B // _L
_RPG = 4
_NGRP = B // _RPG
_NBUF = 3

_mesh = plsc.VectorSubcoreMesh(core_axis_name="c", subcore_axis_name="s")


@functools.partial(
    pl.kernel,
    out_type=jax.ShapeDtypeStruct((S * B, D), jnp.float32),
    mesh=_mesh,
    scratch_types=[
        pltpu.VMEM((MIX * 4 * B,), jnp.float32),
        pltpu.VMEM((2 * MIX * B + 2 * MIX * _L,), jnp.float32),
        pltpu.VMEM((_L,), jnp.int32),
        pltpu.VMEM((B * _L,), jnp.float32),
        pltpu.VMEM((_RPG, D), jnp.float32),
        pltpu.VMEM((_RPG, D), jnp.float32),
        pltpu.VMEM((_RPG, D), jnp.float32),
        pltpu.SemaphoreType.DMA,
        pltpu.SemaphoreType.DMA,
        pltpu.SemaphoreType.DMA,
    ],
    compiler_params=pltpu.CompilerParams(needs_layout_passes=False),
)
def _sc_gibbs(g_hbm, aux_hbm, cols_hbm, pat_hbm,
              out_hbm, g_v, aux_v, cols_v, vals_v,
              buf0, buf1, buf2, sem0, sem1, sem2):
    sid = lax.axis_index("s") * _NC + lax.axis_index("c")
    bufs = (buf0, buf1, buf2)
    sems = (sem0, sem1, sem2)

    fills = [pltpu.async_copy(pat_hbm, bufs[k], sems[k]) for k in range(_NBUF)]

    pltpu.sync_copy(g_hbm.at[sid], g_v)
    pltpu.sync_copy(aux_hbm, aux_v)
    pltpu.sync_copy(cols_hbm, cols_v)

    _ZJ0 = MIX * B
    _TI0 = 2 * MIX * B
    _TJ0 = 2 * MIX * B + MIX * _L
    lane = lax.iota(jnp.int32, _L)

    for t in range(MIX):
        thi = aux_v[pl.ds(_TI0 + t * _L, _L)]
        thj = aux_v[pl.ds(_TJ0 + t * _L, _L)]
        for c in range(_BCH):
            boff = c * _L
            l2 = aux_v[pl.ds(t * B + boff, _L)] * thi
            l1 = aux_v[pl.ds(_ZJ0 + t * B + boff, _L)] * thj
            g0 = g_v[pl.ds((t * 4 + 0) * B + boff, _L)]
            g1 = g_v[pl.ds((t * 4 + 1) * B + boff, _L)]
            g2 = g_v[pl.ds((t * 4 + 2) * B + boff, _L)]
            g3 = g_v[pl.ds((t * 4 + 3) * B + boff, _L)]
            best = g0
            bidx = jnp.zeros((_L,), jnp.int32)
            for val, n in ((g1 + l1, 1), (g2 + l2, 2), (g3 + l1 + l2, 3)):
                upd = val > best
                bidx = jnp.where(upd, jnp.full((_L,), n, jnp.int32), bidx)
                best = jnp.maximum(best, val)
            iv = jnp.where(bidx >= 2, 1.0, 0.0).astype(jnp.float32)
            jv = jnp.where((bidx & 1) == 1, 1.0, 0.0).astype(jnp.float32)
            bvec = lane + boff
            plsc.store_scatter(vals_v, [bvec * _L + _KI[t]], iv)
            plsc.store_scatter(vals_v, [bvec * _L + _KJ[t]], jv)

    slot_mask = lane < _NU if _NU < _L else None
    cols = cols_v[...]
    copies = []
    for g in range(_NGRP):
        buf = bufs[g % _NBUF]
        sem = sems[g % _NBUF]
        if g < _NBUF:
            fills[g].wait()
        else:
            copies[g - _NBUF].wait()
        for r in range(_RPG):
            b = g * _RPG + r
            valrow = vals_v[pl.ds(b * _L, _L)]
            plsc.store_scatter(
                buf, [jnp.full((_L,), r, jnp.int32), cols], valrow,
                mask=slot_mask)
        copies.append(
            pltpu.async_copy(buf, out_hbm.at[pl.ds(sid * B + g * _RPG, _RPG)],
                             sem))
    for k in range(_NBUF):
        copies[_NGRP - _NBUF + k].wait()


def kernel(z, theta):
    iarr = jnp.array([p[0] for p in _PAIRS], dtype=jnp.int32)
    jarr = jnp.array([p[1] for p in _PAIRS], dtype=jnp.int32)

    key = jax.random.key(1)
    keys = jax.vmap(lambda t: jax.random.fold_in(key, t))(
        jnp.arange(MIX, dtype=jnp.uint32))
    g = jax.vmap(lambda k: jax.random.gumbel(k, (S, B, 4), jnp.float32))(
        keys)
    g = jnp.transpose(g, (1, 0, 3, 2)).reshape(S, MIX * 4 * B)

    aux = jnp.concatenate([
        jnp.transpose(z[:, iarr]).reshape(MIX * B),
        jnp.transpose(z[:, jarr]).reshape(MIX * B),
        jnp.broadcast_to(theta[iarr][:, None], (MIX, _L)).reshape(-1),
        jnp.broadcast_to(theta[jarr][:, None], (MIX, _L)).reshape(-1),
    ])
    cols = jnp.array(_UCOLS + [0] * (_L - _NU), dtype=jnp.int32)

    pat = jnp.broadcast_to(
        (jnp.arange(D) < NUM_ONES).astype(jnp.float32)[None, :], (_RPG, D))

    out = _sc_gibbs(g, aux, cols, pat)
    return out.reshape(S, B, D)

# --- scband reference (transcript-rebuilt; emitter-appended) ---
"""Pipeline reference for scband-batched-conditional-double-gibbs-sampler-46686294507911 (READ-ONLY COPY).

The authoritative reference and input builder live on the scoring server;
editing this copy changes nothing except your own understanding.
"""

import jax, jax.numpy as jnp
import numpy as np

S = 32   # num_samples
B = 64   # batch_size
D = 8192 # dim
MIX = 8  # mixing_time
NUM_ONES = 128


def setup_inputs(seed: int = 0) -> dict:
    key = jax.random.key(seed)
    kz, kt = jax.random.split(key)
    z = jax.random.uniform(kz, (B, D), dtype=jnp.float32)
    # learned params of the joint distribution: elementwise coupling theta
    # unnormalized_log_probs_a_given_b_double_batched(w, z) = sum_d w*z*theta
    theta = jax.random.normal(kt, (D,), dtype=jnp.float32) * 0.1
    return {"z": z, "theta": theta}


def _logp(w, zc, theta):
    # returns [S, B, 1] unnormalized log prob, matching double-batched API
    return jnp.sum(w * zc * theta, axis=-1, keepdims=True)


def _run_batched_gibbs(z, theta):
    x = jnp.zeros((S, B, D), dtype=jnp.float32).at[..., :NUM_ONES].set(1.0)
    zc = jnp.broadcast_to(z[None, :, :], (S, B, D))
    rng = np.random.RandomState(0)  # deterministic stand-in for random.sample
    key = jax.random.key(1)
    for t in range(MIX):
        ij = rng.choice(D, 2, replace=False)
        i, j = int(ij[0]), int(ij[1])
        x00 = x.at[..., i].set(0.0).at[..., j].set(0.0)
        x01 = x.at[..., i].set(0.0).at[..., j].set(1.0)
        x10 = x.at[..., i].set(1.0).at[..., j].set(0.0)
        x11 = x.at[..., i].set(1.0).at[..., j].set(1.0)
        logits = jnp.concatenate([
            _logp(x00, zc, theta),
            _logp(x01, zc, theta),
            _logp(x10, zc, theta),
            _logp(x11, zc, theta),
        ], axis=2)  # [S, B, 4]
        s = jax.random.categorical(jax.random.fold_in(key, t),
                                   jax.lax.stop_gradient(logits), axis=-1)  # [S, B]
        iv = (s // 2).astype(jnp.float32)
        jv = (s % 2).astype(jnp.float32)
        x = x.at[..., i].set(iv).at[..., j].set(jv)
    return x


def reference(z, theta):
    return _run_batched_gibbs(z, theta)

if __name__ == "__main__":
    import jax
    _d = setup_inputs()
    print(jax.jit(kernel)(*tuple(_d.values())))

</pallas_src>

<mosaic_0001>
#map = affine_map<(d0, d1) -> (0, 0)>
#map1 = affine_map<(d0, d1) -> (0)>
module attributes {stable_mosaic.version = 14 : i64} {
  func.func @_sc_gibbs(%arg0: i32, %arg1: i32, %arg2: memref<32x2048xf32, #tpu.memory_space<hbm>>, %arg3: memref<1280xf32, #tpu.memory_space<hbm>>, %arg4: memref<16xi32, #tpu.memory_space<hbm>>, %arg5: memref<4x8192xf32, #tpu.memory_space<hbm>>, %arg6: memref<2048x8192xf32, #tpu.memory_space<hbm>>, %arg7: memref<2048xf32, #tpu.memory_space<vmem>>, %arg8: memref<1280xf32, #tpu.memory_space<vmem>>, %arg9: memref<16xi32, #tpu.memory_space<vmem>>, %arg10: memref<1024xf32, #tpu.memory_space<vmem>>, %arg11: memref<4x8192xf32, #tpu.memory_space<vmem>>, %arg12: memref<4x8192xf32, #tpu.memory_space<vmem>>, %arg13: memref<4x8192xf32, #tpu.memory_space<vmem>>, %arg14: memref<!tpu.dma_semaphore, #tpu.memory_space<semaphore_mem>>, %arg15: memref<!tpu.dma_semaphore, #tpu.memory_space<semaphore_mem>>, %arg16: memref<!tpu.dma_semaphore, #tpu.memory_space<semaphore_mem>>) attributes {dimension_semantics = [#tpu.dimension_semantics<core_parallel>, #tpu.dimension_semantics<subcore_parallel>], iteration_bounds = array<i64: 2, 16>, scalar_prefetch = 0 : i64, scratch_operands = 10 : i64, tpu.core_type = #tpu.core_type<sc_vector_subcore>, window_params = [{transform_indices = #map}, {transform_indices = #map1}, {transform_indices = #map1}, {transform_indices = #map}, {transform_indices = #map}]} {
    %mul3A = arith.constant 2 : i32
    %mul3A_0 = arith.muli %arg1, %mul3A : i32
    %add3A = arith.addi %mul3A_0, %arg0 : i32
    tpu.enqueue_dma source(%arg5 : memref<4x8192xf32, #tpu.memory_space<hbm>>) target(%arg11 : memref<4x8192xf32, #tpu.memory_space<vmem>>) target_semaphore(%arg14 : memref<!tpu.dma_semaphore, #tpu.memory_space<semaphore_mem>>)
    tpu.enqueue_dma source(%arg5 : memref<4x8192xf32, #tpu.memory_space<hbm>>) target(%arg12 : memref<4x8192xf32, #tpu.memory_space<vmem>>) target_semaphore(%arg15 : memref<!tpu.dma_semaphore, #tpu.memory_space<semaphore_mem>>)
    tpu.enqueue_dma source(%arg5 : memref<4x8192xf32, #tpu.memory_space<hbm>>) target(%arg13 : memref<4x8192xf32, #tpu.memory_space<vmem>>) target_semaphore(%arg16 : memref<!tpu.dma_semaphore, #tpu.memory_space<semaphore_mem>>)
    "tpu.region"() ({
      %run_scoped3A = tpu.sem_alloc : memref<!tpu.dma_semaphore, #tpu.memory_space<semaphore_mem>>
      %dma_start3A_2680 = arith.constant 0 : i32
      %dma_start3A_2681 = tpu.memref_slice %arg2[%add3A, %dma_start3A_2680] : memref<32x2048xf32, #tpu.memory_space<hbm>> -> memref<1x2048xf32, #tpu.memory_space<hbm>>
      %dma_start3A_2682 = tpu.memref_squeeze %dma_start3A_2681 : memref<1x2048xf32, #tpu.memory_space<hbm>> -> memref<2048xf32, #tpu.memory_space<hbm>>
      %dma_start3A_2683 = arith.constant 0 : i32
      %dma_start3A_2684 = tpu.memref_slice %arg2[%add3A, %dma_start3A_2683] : memref<32x2048xf32, #tpu.memory_space<hbm>> -> memref<1x2048xf32, #tpu.memory_space<hbm>>
      %dma_start3A_2685 = tpu.memref_squeeze %dma_start3A_2684 : memref<1x2048xf32, #tpu.memory_space<hbm>> -> memref<2048xf32, #tpu.memory_space<hbm>>
      tpu.enqueue_dma source(%dma_start3A_2685 : memref<2048xf32, #tpu.memory_space<hbm>>) target(%arg7 : memref<2048xf32, #tpu.memory_space<vmem>>) target_semaphore(%run_scoped3A : memref<!tpu.dma_semaphore, #tpu.memory_space<semaphore_mem>>)
      %dma_wait3A_2686 = arith.constant 0 : i32
      %dma_wait3A_2687 = tpu.memref_slice %arg2[%add3A, %dma_wait3A_2686] : memref<32x2048xf32, #tpu.memory_space<hbm>> -> memref<1x2048xf32, #tpu.memory_space<hbm>>
      %dma_wait3A_2688 = tpu.memref_squeeze %dma_wait3A_2687 : memref<1x2048xf32, #tpu.memory_space<hbm>> -> memref<2048xf32, #tpu.memory_space<hbm>>
      %dma_wait3A_2689 = arith.constant 0 : i32
      %dma_wait3A_2690 = tpu.memref_slice %arg2[%add3A, %dma_wait3A_2689] : memref<32x2048xf32, #tpu.memory_space<hbm>> -> memref<1x2048xf32, #tpu.memory_space<hbm>>
      %dma_wait3A_2691 = tpu.memref_squeeze %dma_wait3A_2690 : memref<1x2048xf32, #tpu.memory_space<hbm>> -> memref<2048xf32, #tpu.memory_space<hbm>>
      tpu.wait_dma2 semaphore(%run_scoped3A : memref<!tpu.dma_semaphore, #tpu.memory_space<semaphore_mem>>) src(%dma_wait3A_2691 : memref<2048xf32, #tpu.memory_space<hbm>>) dst(%arg7 : memref<2048xf32, #tpu.memory_space<vmem>>)
      tpu.yield
    }) : () -> ()
    "tpu.region"() ({
      %run_scoped3A = tpu.sem_alloc : memref<!tpu.dma_semaphore, #tpu.memory_space<semaphore_mem>>
      tpu.enqueue_dma source(%arg3 : memref<1280xf32, #tpu.memory_space<hbm>>) target(%arg8 : memref<1280xf32, #tpu.memory_space<vmem>>) target_semaphore(%run_scoped3A : memref<!tpu.dma_semaphore, #tpu.memory_space<semaphore_mem>>)
      tpu.wait_dma2 semaphore(%run_scoped3A : memref<!tpu.dma_semaphore, #tpu.memory_space<semaphore_mem>>) src(%arg3 : memref<1280xf32, #tpu.memory_space<hbm>>) dst(%arg8 : memref<1280xf32, #tpu.memory_space<vmem>>)
      tpu.yield
    }) : () -> ()
    "tpu.region"() ({
      %run_scoped3A = tpu.sem_alloc : memref<!tpu.dma_semaphore, #tpu.memory_space<semaphore_mem>>
      tpu.enqueue_dma source(%arg4 : memref<16xi32, #tpu.memory_space<hbm>>) target(%arg9 : memref<16xi32, #tpu.memory_space<vmem>>) target_semaphore(%run_scoped3A : memref<!tpu.dma_semaphore, #tpu.memory_space<semaphore_mem>>)
      tpu.wait_dma2 semaphore(%run_scoped3A : memref<!tpu.dma_semaphore, #tpu.memory_space<semaphore_mem>>) src(%arg4 : memref<16xi32, #tpu.memory_space<hbm>>) dst(%arg9 : memref<16xi32, #tpu.memory_space<vmem>>)
      tpu.yield
    }) : () -> ()
    %iota3A = tpu.iota {dimensions = array<i32: 0>} : vector<16xi32>
    %get3A = arith.constant 1024 : index
    %get3A_1 = tpu.vector_load %arg8[%get3A] {strides = array<i32>} : memref<1280xf32, #tpu.memory_space<vmem>>, vector<16xf32>,
    %get3A_2 = arith.constant 1152 : index
    %get3A_3 = tpu.vector_load %arg8[%get3A_2] {strides = array<i32>} : memref<1280xf32, #tpu.memory_space<vmem>>, vector<16xf32>,
    %get3A_4 = arith.constant 0 : index
    %get3A_5 = tpu.vector_load %arg8[%get3A_4] {strides = array<i32>} : memref<1280xf32, #tpu.memory_space<vmem>>, vector<16xf32>,
    %mul3A_6 = arith.mulf %get3A_5, %get3A_1 : vector<16xf32>
    %get3A_7 = arith.constant 512 : index
    %get3A_8 = tpu.vector_load %arg8[%get3A_7] {strides = array<i32>} : memref<1280xf32, #tpu.memory_space<vmem>>, vector<16xf32>,
    %mul3A_9 = arith.mulf %get3A_8, %get3A_3 : vector<16xf32>
    %get3A_10 = arith.constant 0 : index
    %get3A_11 = tpu.vector_load %arg7[%get3A_10] {strides = array<i32>} : memref<2048xf32, #tpu.memory_space<vmem>>, vector<16xf32>,
    %get3A_12 = arith.constant 64 : index
    %get3A_13 = tpu.vector_load %arg7[%get3A_12] {strides = array<i32>} : memref<2048xf32, #tpu.memory_space<vmem>>, vector<16xf32>,
    %get3A_14 = arith.constant 128 : index
    %get3A_15 = tpu.vector_load %arg7[%get3A_14] {strides = array<i32>} : memref<2048xf32, #tpu.memory_space<vmem>>, vector<16xf32>,
    %get3A_16 = arith.constant 192 : index
    %get3A_17 = tpu.vector_load %arg7[%get3A_16] {strides = array<i32>} : memref<2048xf32, #tpu.memory_space<vmem>>, vector<16xf32>,
    %broadcast_in_dim3A = arith.constant 0 : i32
    %broadcast_in_dim3A_18 = vector.broadcast %broadcast_in_dim3A : i32 to vector<16xi32>
    %add3A_19 = arith.addf %get3A_13, %mul3A_9 : vector<16xf32>
    %add3A_20 = arith.addf %get3A_15, %mul3A_6 : vector<16xf32>
    %add3A_21 = arith.addf %get3A_17, %mul3A_9 : vector<16xf32>
    %add3A_22 = arith.addf %add3A_21, %mul3A_6 : vector<16xf32>
    %gt3A = arith.cmpf ogt, %add3A_19, %get3A_11 : vector<16xf32>
    %broadcast_in_dim3A_23 = arith.constant 1 : i32
    %broadcast_in_dim3A_24 = vector.broadcast %broadcast_in_dim3A_23 : i32 to vector<16xi32>
    %select_n3A = arith.select %gt3A, %broadcast_in_dim3A_24, %broadcast_in_dim3A_18 : vector<16xi1>, vector<16xi32>
    %max3A = arith.maximumf %get3A_11, %add3A_19 : vector<16xf32>
    %gt3A_25 = arith.cmpf ogt, %add3A_20, %max3A : vector<16xf32>
    %broadcast_in_dim3A_26 = arith.constant 2 : i32
    %broadcast_in_dim3A_27 = vector.broadcast %broadcast_in_dim3A_26 : i32 to vector<16xi32>
    %select_n3A_28 = arith.select %gt3A_25, %broadcast_in_dim3A_27, %select_n3A : vector<16xi1>, vector<16xi32>
    %max3A_29 = arith.maximumf %max3A, %add3A_20 : vector<16xf32>
    %gt3A_30 = arith.cmpf ogt, %add3A_22, %max3A_29 : vector<16xf32>
    %broadcast_in_dim3A_31 = arith.constant 3 : i32
    %broadcast_in_dim3A_32 = vector.broadcast %broadcast_in_dim3A_31 : i32 to vector<16xi32>
    %select_n3A_33 = arith.select %gt3A_30, %broadcast_in_dim3A_32, %select_n3A_28 : vector<16xi1>, vector<16xi32>
    %max3A_34 = arith.maximumf %max3A_29, %add3A_22 : vector<16xf32>
    %ge3A = arith.constant 2 : i32
    %ge3A_35 = vector.broadcast %ge3A : i32 to vector<16xi32>
    %ge3A_36 = arith.cmpi sge, %select_n3A_33, %ge3A_35 : vector<16xi32>
    %jit3A = arith.constant 1.000000e+00 : f32
    %jit3A_37 = arith.constant 0.000000e+00 : f32
    %broadcast_in_dim3A_38 = vector.broadcast %jit3A : f32 to vector<16xf32>
    %broadcast_in_dim3A_39 = vector.broadcast %jit3A_37 : f32 to vector<16xf32>
    %select_n3A_40 = arith.select %ge3A_36, %broadcast_in_dim3A_38, %broadcast_in_dim3A_39 : vector<16xi1>, vector<16xf32>
    %and3A = arith.constant 1 : i32
    %and3A_41 = vector.broadcast %and3A : i32 to vector<16xi32>
    %and3A_42 = arith.andi %select_n3A_33, %and3A_41 : vector<16xi32>
    %eq3A = arith.constant 1 : i32
    %eq3A_43 = vector.broadcast %eq3A : i32 to vector<16xi32>
    %eq3A_44 = arith.cmpi eq, %and3A_42, %eq3A_43 : vector<16xi32>
    %jit3A_45 = arith.constant 1.000000e+00 : f32
    %jit3A_46 = arith.constant 0.000000e+00 : f32
    %broadcast_in_dim3A_47 = vector.broadcast %jit3A_45 : f32 to vector<16xf32>
    %broadcast_in_dim3A_48 = vector.broadcast %jit3A_46 : f32 to vector<16xf32>
    %select_n3A_49 = arith.select %eq3A_44, %broadcast_in_dim3A_47, %broadcast_in_dim3A_48 : vector<16xi1>, vector<16xf32>
    %add3A_50 = arith.constant 0 : i32
    %add3A_51 = vector.broadcast %add3A_50 : i32 to vector<16xi32>
    %add3A_52 = arith.addi %iota3A, %add3A_51 : vector<16xi32>
    %mul3A_53 = arith.constant 16 : i32
    %mul3A_54 = vector.broadcast %mul3A_53 : i32 to vector<16xi32>
    %mul3A_55 = arith.muli %add3A_52, %mul3A_54 : vector<16xi32>
    %add3A_56 = arith.constant 0 : i32
    %add3A_57 = vector.broadcast %add3A_56 : i32 to vector<16xi32>
    %add3A_58 = arith.addi %mul3A_55, %add3A_57 : vector<16xi32>
    tpu.vector_store_idx %arg10[%add3A_58], %select_n3A_40 : memref<1024xf32, #tpu.memory_space<vmem>>[vector<16xi32>], vector<16xf32>,
    %mul3A_59 = arith.constant 16 : i32
    %mul3A_60 = vector.broadcast %mul3A_59 : i32 to vector<16xi32>
    %mul3A_61 = arith.muli %add3A_52, %mul3A_60 : vector<16xi32>
    %add3A_62 = arith.constant 1 : i32
    %add3A_63 = vector.broadcast %add3A_62 : i32 to vector<16xi32>
    %add3A_64 = arith.addi %mul3A_61, %add3A_63 : vector<16xi32>
    tpu.vector_store_idx %arg10[%add3A_64], %select_n3A_49 : memref<1024xf32, #tpu.memory_space<vmem>>[vector<16xi32>], vector<16xf32>,
    %get3A_65 = arith.constant 16 : index
    %get3A_66 = tpu.vector_load %arg8[%get3A_65] {strides = array<i32>} : memref<1280xf32, #tpu.memory_space<vmem>>, vector<16xf32>,
    %mul3A_67 = arith.mulf %get3A_66, %get3A_1 : vector<16xf32>
    %get3A_68 = arith.constant 528 : index
    %get3A_69 = tpu.vector_load %arg8[%get3A_68] {strides = array<i32>} : memref<1280xf32, #tpu.memory_space<vmem>>, vector<16xf32>,
    %mul3A_70 = arith.mulf %get3A_69, %get3A_3 : vector<16xf32>
    %get3A_71 = arith.constant 16 : index
    %get3A_72 = tpu.vector_load %arg7[%get3A_71] {strides = array<i32>} : memref<2048xf32, #tpu.memory_space<vmem>>, vector<16xf32>,
    %get3A_73 = arith.constant 80 : index
    %get3A_74 = tpu.vector_load %arg7[%get3A_73] {strides = array<i32>} : memref<2048xf32, #tpu.memory_space<vmem>>, vector<16xf32>,
    %get3A_75 = arith.constant 144 : index
    %get3A_76 = tpu.vector_load %arg7[%get3A_75] {strides = array<i32>} : memref<2048xf32, #tpu.memory_space<vmem>>, vector<16xf32>,
    %get3A_77 = arith.constant 208 : index
    %get3A_78 = tpu.vector_load %arg7[%get3A_77] {strides = array<i32>} : memref<2048xf32, #tpu.memory_space<vmem>>, vector<16xf32>,
    %broadcast_in_dim3A_79 = arith.constant 0 : i32
    %broadcast_in_dim3A_80 = vector.broadcast %broadcast_in_dim3A_79 : i32 to vector<16xi32>
    %add3A_81 = arith.addf %get3A_74, %mul3A_70 : vector<16xf32>
    %add3A_82 = arith.addf %get3A_76, %mul3A_67 : vector<16xf32>
    %add3A_83 = arith.addf %get3A_78, %mul3A_70 : vector<16xf32>
    %add3A_84 = arith.addf %add3A_83, %mul3A_67 : vector<16xf32>
    %gt3A_85 = arith.cmpf ogt, %add3A_81, %get3A_72 : vector<16xf32>
    %broadcast_in_dim3A_86 = arith.constant 1 : i32
    %broadcast_in_dim3A_87 = vector.broadcast %broadcast_in_dim3A_86 : i32 to vector<16xi32>
    %select_n3A_88 = arith.select %gt3A_85, %broadcast_in_dim3A_87, %broadcast_in_dim3A_80 : vector<16xi1>, vector<16xi32>
    %max3A_89 = arith.maximumf %get3A_72, %add3A_81 : vector<16xf32>
    %gt3A_90 = arith.cmpf ogt, %add3A_82, %max3A_89 : vector<16xf32>
    %broadcast_in_dim3A_91 = arith.constant 2 : i32
    %broadcast_in_dim3A_92 = vector.broadcast %broadcast_in_dim3A_91 : i32 to vector<16xi32>
    %select_n3A_93 = arith.select %gt3A_90, %broadcast_in_dim3A_92, %select_n3A_88 : vector<16xi1>, vector<16xi32>
    %max3A_94 = arith.maximumf %max3A_89, %add3A_82 : vector<16xf32>
    %gt3A_95 = arith.cmpf ogt, %add3A_84, %max3A_94 : vector<16xf32>
    %broadcast_in_dim3A_96 = arith.constant 3 : i32
    %broadcast_in_dim3A_97 = vector.broadcast %broadcast_in_dim3A_96 : i32 to vector<16xi32>
    %select_n3A_98 = arith.select %gt3A_95, %broadcast_in_dim3A_97, %select_n3A_93 : vector<16xi1>, vector<16xi32>
    %max3A_99 = arith.maximumf %max3A_94, %add3A_84 : vector<16xf32>
    %ge3A_100 = arith.constant 2 : i32
    %ge3A_101 = vector.broadcast %ge3A_100 : i32 to vector<16xi32>
    %ge3A_102 = arith.cmpi sge, %select_n3A_98, %ge3A_101 : vector<16xi32>
    %jit3A_103 = arith.constant 1.000000e+00 : f32
    %jit3A_104 = arith.constant 0.000000e+00 : f32
    %broadcast_in_dim3A_105 = vector.broadcast %jit3A_103 : f32 to vector<16xf32>
    %broadcast_in_dim3A_106 = vector.broadcast %jit3A_104 : f32 to vector<16xf32>
    %select_n3A_107 = arith.select %ge3A_102, %broadcast_in_dim3A_105, %broadcast_in_dim3A_106 : vector<16xi1>, vector<16xf32>
    %and3A_108 = arith.constant 1 : i32
    %and3A_109 = vector.broadcast %and3A_108 : i32 to vector<16xi32>
    %and3A_110 = arith.andi %select_n3A_98, %and3A_109 : vector<16xi32>
    %eq3A_111 = arith.constant 1 : i32
    %eq3A_112 = vector.broadcast %eq3A_111 : i32 to vector<16xi32>
    %eq3A_113 = arith.cmpi eq, %and3A_110, %eq3A_112 : vector<16xi32>
    %jit3A_114 = arith.constant 1.000000e+00 : f32
    %jit3A_115 = arith.constant 0.000000e+00 : f32
    %broadcast_in_dim3A_116 = vector.broadcast %jit3A_114 : f32 to vector<16xf32>
    %broadcast_in_dim3A_117 = vector.broadcast %jit3A_115 : f32 to vector<16xf32>
    %select_n3A_118 = arith.select %eq3A_113, %broadcast_in_dim3A_116, %broadcast_in_dim3A_117 : vector<16xi1>, vector<16xf32>
    %add3A_119 = arith.constant 16 : i32
    %add3A_120 = vector.broadcast %add3A_119 : i32 to vector<16xi32>
    %add3A_121 = arith.addi %iota3A, %add3A_120 : vector<16xi32>
    %mul3A_122 = arith.constant 16 : i32
    %mul3A_123 = vector.broadcast %mul3A_122 : i32 to vector<16xi32>
    %mul3A_124 = arith.muli %add3A_121, %mul3A_123 : vector<16xi32>
    %add3A_125 = arith.constant 0 : i32
    %add3A_126 = vector.broadcast %add3A_125 : i32 to vector<16xi32>
    %add3A_127 = arith.addi %mul3A_124, %add3A_126 : vector<16xi32>
    tpu.vector_store_idx %arg10[%add3A_127], %select_n3A_107 : memref<1024xf32, #tpu.memory_space<vmem>>[vector<16xi32>], vector<16xf32>,
    %mul3A_128 = arith.constant 16 : i32
    %mul3A_129 = vector.broadcast %mul3A_128 : i32 to vector<16xi32>
    %mul3A_130 = arith.muli %add3A_121, %mul3A_129 : vector<16xi32>
    %add3A_131 = arith.constant 1 : i32
    %add3A_132 = vector.broadcast %add3A_131 : i32 to vector<16xi32>
    %add3A_133 = arith.addi %mul3A_130, %add3A_132 : vector<16xi32>
    tpu.vector_store_idx %arg10[%add3A_133], %select_n3A_118 : memref<1024xf32, #tpu.memory_space<vmem>>[vector<16xi32>], vector<16xf32>,
    %get3A_134 = arith.constant 32 : index
    %get3A_135 = tpu.vector_load %arg8[%get3A_134] {strides = array<i32>} : memref<1280xf32, #tpu.memory_space<vmem>>, vector<16xf32>,
    %mul3A_136 = arith.mulf %get3A_135, %get3A_1 : vector<16xf32>
    %get3A_137 = arith.constant 544 : index
    %get3A_138 = tpu.vector_load %arg8[%get3A_137] {strides = array<i32>} : memref<1280xf32, #tpu.memory_space<vmem>>, vector<16xf32>,
    %mul3A_139 = arith.mulf %get3A_138, %get3A_3 : vector<16xf32>
    %get3A_140 = arith.constant 32 : index
    %get3A_141 = tpu.vector_load %arg7[%get3A_140] {strides = array<i32>} : memref<2048xf32, #tpu.memory_space<vmem>>, vector<16xf32>,
    %get3A_142 = arith.constant 96 : index
    %get3A_143 = tpu.vector_load %arg7[%get3A_142] {strides = array<i32>} : memref<2048xf32, #tpu.memory_space<vmem>>, vector<16xf32>,
    %get3A_144 = arith.constant 160 : index
    %get3A_145 = tpu.vector_load %arg7[%get3A_144] {strides = array<i32>} : memref<2048xf32, #tpu.memory_space<vmem>>, vector<16xf32>,
    %get3A_146 = arith.constant 224 : index
    %get3A_147 = tpu.vector_load %arg7[%get3A_146] {strides = array<i32>} : memref<2048xf32, #tpu.memory_space<vmem>>, vector<16xf32>,
    %broadcast_in_dim3A_148 = arith.constant 0 : i32
    %broadcast_in_dim3A_149 = vector.broadcast %broadcast_in_dim3A_148 : i32 to vector<16xi32>
    %add3A_150 = arith.addf %get3A_143, %mul3A_139 : vector<16xf32>
    %add3A_151 = arith.addf %get3A_145, %mul3A_136 : vector<16xf32>
    %add3A_152 = arith.addf %get3A_147, %mul3A_139 : vector<16xf32>
    %add3A_153 = arith.addf %add3A_152, %mul3A_136 : vector<16xf32>
    %gt3A_154 = arith.cmpf ogt, %add3A_150, %get3A_141 : vector<16xf32>
    %broadcast_in_dim3A_155 = arith.constant 1 : i32
    %broadcast_in_dim3A_156 = vector.broadcast %broadcast_in_dim3A_155 : i32 to vector<16xi32>
    %select_n3A_157 = arith.select %gt3A_154, %broadcast_in_dim3A_156, %broadcast_in_dim3A_149 : vector<16xi1>, vector<16xi32>
    %max3A_158 = arith.maximumf %get3A_141, %add3A_150 : vector<16xf32>
    %gt3A_159 = arith.cmpf ogt, %add3A_151, %max3A_158 : vector<16xf32>
    %broadcast_in_dim3A_160 = arith.constant 2 : i32
    %broadcast_in_dim3A_161 = vector.broadcast %broadcast_in_dim3A_160 : i32 to vector<16xi32>
    %select_n3A_162 = arith.select %gt3A_159, %broadcast_in_dim3A_161, %select_n3A_157 : vector<16xi1>, vector<16xi32>
    %max3A_163 = arith.maximumf %max3A_158, %add3A_151 : vector<16xf32>
    %gt3A_164 = arith.cmpf ogt, %add3A_153, %max3A_163 : vector<16xf32>
    %broadcast_in_dim3A_165 = arith.constant 3 : i32
    %broadcast_in_dim3A_166 = vector.broadcast %broadcast_in_dim3A_165 : i32 to vector<16xi32>
    %select_n3A_167 = arith.select %gt3A_164, %broadcast_in_dim3A_166, %select_n3A_162 : vector<16xi1>, vector<16xi32>
    %max3A_168 = arith.maximumf %max3A_163, %add3A_153 : vector<16xf32>
    %ge3A_169 = arith.constant 2 : i32
    %ge3A_170 = vector.broadcast %ge3A_169 : i32 to vector<16xi32>
    %ge3A_171 = arith.cmpi sge, %select_n3A_167, %ge3A_170 : vector<16xi32>
    %jit3A_172 = arith.constant 1.000000e+00 : f32
    %jit3A_173 = arith.constant 0.000000e+00 : f32
    %broadcast_in_dim3A_174 = vector.broadcast %jit3A_172 : f32 to vector<16xf32>
    %broadcast_in_dim3A_175 = vector.broadcast %jit3A_173 : f32 to vector<16xf32>
    %select_n3A_176 = arith.select %ge3A_171, %broadcast_in_dim3A_174, %broadcast_in_dim3A_175 : vector<16xi1>, vector<16xf32>
    %and3A_177 = arith.constant 1 : i32
    %and3A_178 = vector.broadcast %and3A_177 : i32 to vector<16xi32>
    %and3A_179 = arith.andi %select_n3A_167, %and3A_178 : vector<16xi32>
    %eq3A_180 = arith.constant 1 : i32
    %eq3A_181 = vector.broadcast %eq3A_180 : i32 to vector<16xi32>
    %eq3A_182 = arith.cmpi eq, %and3A_179, %eq3A_181 : vector<16xi32>
    %jit3A_183 = arith.constant 1.000000e+00 : f32
    %jit3A_184 = arith.constant 0.000000e+00 : f32
    %broadcast_in_dim3A_185 = vector.broadcast %jit3A_183 : f32 to vector<16xf32>
    %broadcast_in_dim3A_186 = vector.broadcast %jit3A_184 : f32 to vector<16xf32>
    %select_n3A_187 = arith.select %eq3A_182, %broadcast_in_dim3A_185, %broadcast_in_dim3A_186 : vector<16xi1>, vector<16xf32>
    %add3A_188 = arith.constant 32 : i32
    %add3A_189 = vector.broadcast %add3A_188 : i32 to vector<16xi32>
    %add3A_190 = arith.addi %iota3A, %add3A_189 : vector<16xi32>
    %mul3A_191 = arith.constant 16 : i32
    %mul3A_192 = vector.broadcast %mul3A_191 : i32 to vector<16xi32>
    %mul3A_193 = arith.muli %add3A_190, %mul3A_192 : vector<16xi32>
    %add3A_194 = arith.constant 0 : i32
    %add3A_195 = vector.broadcast %add3A_194 : i32 to vector<16xi32>
    %add3A_196 = arith.addi %mul3A_193, %add3A_195 : vector<16xi32>
    tpu.vector_store_idx %arg10[%add3A_196], %select_n3A_176 : memref<1024xf32, #tpu.memory_space<vmem>>[vector<16xi32>], vector<16xf32>,
    %mul3A_197 = arith.constant 16 : i32
    %mul3A_198 = vector.broadcast %mul3A_197 : i32 to vector<16xi32>
    %mul3A_199 = arith.muli %add3A_190, %mul3A_198 : vector<16xi32>
    %add3A_200 = arith.constant 1 : i32
    %add3A_201 = vector.broadcast %add3A_200 : i32 to vector<16xi32>
    %add3A_202 = arith.addi %mul3A_199, %add3A_201 : vector<16xi32>
    tpu.vector_store_idx %arg10[%add3A_202], %select_n3A_187 : memref<1024xf32, #tpu.memory_space<vmem>>[vector<16xi32>], vector<16xf32>,
    %get3A_203 = arith.constant 48 : index
    %get3A_204 = tpu.vector_load %arg8[%get3A_203] {strides = array<i32>} : memref<1280xf32, #tpu.memory_space<vmem>>, vector<16xf32>,
    %mul3A_205 = arith.mulf %get3A_204, %get3A_1 : vector<16xf32>
    %get3A_206 = arith.constant 560 : index
    %get3A_207 = tpu.vector_load %arg8[%get3A_206] {strides = array<i32>} : memref<1280xf32, #tpu.memory_space<vmem>>, vector<16xf32>,
    %mul3A_208 = arith.mulf %get3A_207, %get3A_3 : vector<16xf32>
    %get3A_209 = arith.constant 48 : index
    %get3A_210 = tpu.vector_load %arg7[%get3A_209] {strides = array<i32>} : memref<2048xf32, #tpu.memory_space<vmem>>, vector<16xf32>,
    %get3A_211 = arith.constant 112 : index
    %get3A_212 = tpu.vector_load %arg7[%get3A_211] {strides = array<i32>} : memref<2048xf32, #tpu.memory_space<vmem>>, vector<16xf32>,
    %get3A_213 = arith.constant 176 : index
    %get3A_214 = tpu.vector_load %arg7[%get3A_213] {strides = array<i32>} : memref<2048xf32, #tpu.memory_space<vmem>>, vector<16xf32>,
    %get3A_215 = arith.constant 240 : index
    %get3A_216 = tpu.vector_load %arg7[%get3A_215] {strides = array<i32>} : memref<2048xf32, #tpu.memory_space<vmem>>, vector<16xf32>,
    %broadcast_in_dim3A_217 = arith.constant 0 : i32
    %broadcast_in_dim3A_218 = vector.broadcast %broadcast_in_dim3A_217 : i32 to vector<16xi32>
    %add3A_219 = arith.addf %get3A_212, %mul3A_208 : vector<16xf32>
    %add3A_220 = arith.addf %get3A_214, %mul3A_205 : vector<16xf32>
    %add3A_221 = arith.addf %get3A_216, %mul3A_208 : vector<16xf32>
    %add3A_222 = arith.addf %add3A_221, %mul3A_205 : vector<16xf32>
    %gt3A_223 = arith.cmpf ogt, %add3A_219, %get3A_210 : vector<16xf32>
    %broadcast_in_dim3A_224 = arith.constant 1 : i32
    %broadcast_in_dim3A_225 = vector.broadcast %broadcast_in_dim3A_224 : i32 to vector<16xi32>
    %select_n3A_226 = arith.select %gt3A_223, %broadcast_in_dim3A_225, %broadcast_in_dim3A_218 : vector<16xi1>, vector<16xi32>
    %max3A_227 = arith.maximumf %get3A_210, %add3A_219 : vector<16xf32>
    %gt3A_228 = arith.cmpf ogt, %add3A_220, %max3A_227 : vector<16xf32>
    %broadcast_in_dim3A_229 = arith.constant 2 : i32
    %broadcast_in_dim3A_230 = vector.broadcast %broadcast_in_dim3A_229 : i32 to vector<16xi32>
    %select_n3A_231 = arith.select %gt3A_228, %broadcast_in_dim3A_230, %select_n3A_226 : vector<16xi1>, vector<16xi32>
    %max3A_232 = arith.maximumf %max3A_227, %add3A_220 : vector<16xf32>
    %gt3A_233 = arith.cmpf ogt, %add3A_222, %max3A_232 : vector<16xf32>
    %broadcast_in_dim3A_234 = arith.constant 3 : i32
    %broadcast_in_dim3A_235 = vector.broadcast %broadcast_in_dim3A_234 : i32 to vector<16xi32>
    %select_n3A_236 = arith.select %gt3A_233, %broadcast_in_dim3A_235, %select_n3A_231 : vector<16xi1>, vector<16xi32>
    %max3A_237 = arith.maximumf %max3A_232, %add3A_222 : vector<16xf32>
    %ge3A_238 = arith.constant 2 : i32
    %ge3A_239 = vector.broadcast %ge3A_238 : i32 to vector<16xi32>
    %ge3A_240 = arith.cmpi sge, %select_n3A_236, %ge3A_239 : vector<16xi32>
    %jit3A_241 = arith.constant 1.000000e+00 : f32
    %jit3A_242 = arith.constant 0.000000e+00 : f32
    %broadcast_in_dim3A_243 = vector.broadcast %jit3A_241 : f32 to vector<16xf32>
    %broadcast_in_dim3A_244 = vector.broadcast %jit3A_242 : f32 to vector<16xf32>
    %select_n3A_245 = arith.select %ge3A_240, %broadcast_in_dim3A_243, %broadcast_in_dim3A_244 : vector<16xi1>, vector<16xf32>
    %and3A_246 = arith.constant 1 : i32
    %and3A_247 = vector.broadcast %and3A_246 : i32 to vector<16xi32>
    %and3A_248 = arith.andi %select_n3A_236, %and3A_247 : vector<16xi32>
    %eq3A_249 = arith.constant 1 : i32
    %eq3A_250 = vector.broadcast %eq3A_249 : i32 to vector<16xi32>
    %eq3A_251 = arith.cmpi eq, %and3A_248, %eq3A_250 : vector<16xi32>
    %jit3A_252 = arith.constant 1.000000e+00 : f32
    %jit3A_253 = arith.constant 0.000000e+00 : f32
    %broadcast_in_dim3A_254 = vector.broadcast %jit3A_252 : f32 to vector<16xf32>
    %broadcast_in_dim3A_255 = vector.broadcast %jit3A_253 : f32 to vector<16xf32>
    %select_n3A_256 = arith.select %eq3A_251, %broadcast_in_dim3A_254, %broadcast_in_dim3A_255 : vector<16xi1>, vector<16xf32>
    %add3A_257 = arith.constant 48 : i32
    %add3A_258 = vector.broadcast %add3A_257 : i32 to vector<16xi32>
    %add3A_259 = arith.addi %iota3A, %add3A_258 : vector<16xi32>
    %mul3A_260 = arith.constant 16 : i32
    %mul3A_261 = vector.broadcast %mul3A_260 : i32 to vector<16xi32>
    %mul3A_262 = arith.muli %add3A_259, %mul3A_261 : vector<16xi32>
    %add3A_263 = arith.constant 0 : i32
    %add3A_264 = vector.broadcast %add3A_263 : i32 to vector<16xi32>
    %add3A_265 = arith.addi %mul3A_262, %add3A_264 : vector<16xi32>
    tpu.vector_store_idx %arg10[%add3A_265], %select_n3A_245 : memref<1024xf32, #tpu.memory_space<vmem>>[vector<16xi32>], vector<16xf32>,
    %mul3A_266 = arith.constant 16 : i32
    %mul3A_267 = vector.broadcast %mul3A_266 : i32 to vector<16xi32>
    %mul3A_268 = arith.muli %add3A_259, %mul3A_267 : vector<16xi32>
    %add3A_269 = arith.constant 1 : i32
    %add3A_270 = vector.broadcast %add3A_269 : i32 to vector<16xi32>
    %add3A_271 = arith.addi %mul3A_268, %add3A_270 : vector<16xi32>
    tpu.vector_store_idx %arg10[%add3A_271], %select_n3A_256 : memref<1024xf32, #tpu.memory_space<vmem>>[vector<16xi32>], vector<16xf32>,
    %get3A_272 = arith.constant 1040 : index
    %get3A_273 = tpu.vector_load %arg8[%get3A_272] {strides = array<i32>} : memref<1280xf32, #tpu.memory_space<vmem>>, vector<16xf32>,
    %get3A_274 = arith.constant 1168 : index
    %get3A_275 = tpu.vector_load %arg8[%get3A_274] {strides = array<i32>} : memref<1280xf32, #tpu.memory_space<vmem>>, vector<16xf32>,
    %get3A_276 = arith.constant 64 : index
    %get3A_277 = tpu.vector_load %arg8[%get3A_276] {strides = array<i32>} : memref<1280xf32, #tpu.memory_space<vmem>>, vector<16xf32>,
    %mul3A_278 = arith.mulf %get3A_277, %get3A_273 : vector<16xf32>
    %get3A_279 = arith.constant 576 : index
    %get3A_280 = tpu.vector_load %arg8[%get3A_279] {strides = array<i32>} : memref<1280xf32, #tpu.memory_space<vmem>>, vector<16xf32>,
    %mul3A_281 = arith.mulf %get3A_280, %get3A_275 : vector<16xf32>
    %get3A_282 = arith.constant 256 : index
    %get3A_283 = tpu.vector_load %arg7[%get3A_282] {strides = array<i32>} : memref<2048xf32, #tpu.memory_space<vmem>>, vector<16xf32>,
    %get3A_284 = arith.constant 320 : index
    %get3A_285 = tpu.vector_load %arg7[%get3A_284] {strides = array<i32>} : memref<2048xf32, #tpu.memory_space<vmem>>, vector<16xf32>,
    %get3A_286 = arith.constant 384 : index
    %get3A_287 = tpu.vector_load %arg7[%get3A_286] {strides = array<i32>} : memref<2048xf32, #tpu.memory_space<vmem>>, vector<16xf32>,
    %get3A_288 = arith.constant 448 : index
    %get3A_289 = tpu.vector_load %arg7[%get3A_288] {strides = array<i32>} : memref<2048xf32, #tpu.memory_space<vmem>>, vector<16xf32>,
    %broadcast_in_dim3A_290 = arith.constant 0 : i32
    %broadcast_in_dim3A_291 = vector.broadcast %broadcast_in_dim3A_290 : i32 to vector<16xi32>
    %add3A_292 = arith.addf %get3A_285, %mul3A_281 : vector<16xf32>
    %add3A_293 = arith.addf %get3A_287, %mul3A_278 : vector<16xf32>
    %add3A_294 = arith.addf %get3A_289, %mul3A_281 : vector<16xf32>
    %add3A_295 = arith.addf %add3A_294, %mul3A_278 : vector<16xf32>
    %gt3A_296 = arith.cmpf ogt, %add3A_292, %get3A_283 : vector<16xf32>
    %broadcast_in_dim3A_297 = arith.constant 1 : i32
    %broadcast_in_dim3A_298 = vector.broadcast %broadcast_in_dim3A_297 : i32 to vector<16xi32>
    %select_n3A_299 = arith.select %gt3A_296, %broadcast_in_dim3A_298, %broadcast_in_dim3A_291 : vector<16xi1>, vector<16xi32>
    %max3A_300 = arith.maximumf %get3A_283, %add3A_292 : vector<16xf32>
    %gt3A_301 = arith.cmpf ogt, %add3A_293, %max3A_300 : vector<16xf32>
    %broadcast_in_dim3A_302 = arith.constant 2 : i32
    %broadcast_in_dim3A_303 = vector.broadcast %broadcast_in_dim3A_302 : i32 to vector<16xi32>
    %select_n3A_304 = arith.select %gt3A_301, %broadcast_in_dim3A_303, %select_n3A_299 : vector<16xi1>, vector<16xi32>
    %max3A_305 = arith.maximumf %max3A_300, %add3A_293 : vector<16xf32>
    %gt3A_306 = arith.cmpf ogt, %add3A_295, %max3A_305 : vector<16xf32>
    %broadcast_in_dim3A_307 = arith.constant 3 : i32
    %broadcast_in_dim3A_308 = vector.broadcast %broadcast_in_dim3A_307 : i32 to vector<16xi32>
    %select_n3A_309 = arith.select %gt3A_306, %broadcast_in_dim3A_308, %select_n3A_304 : vector<16xi1>, vector<16xi32>
    %max3A_310 = arith.maximumf %max3A_305, %add3A_295 : vector<16xf32>
    %ge3A_311 = arith.constant 2 : i32
    %ge3A_312 = vector.broadcast %ge3A_311 : i32 to vector<16xi32>
    %ge3A_313 = arith.cmpi sge, %select_n3A_309, %ge3A_312 : vector<16xi32>
    %jit3A_314 = arith.constant 1.000000e+00 : f32
    %jit3A_315 = arith.constant 0.000000e+00 : f32
    %broadcast_in_dim3A_316 = vector.broadcast %jit3A_314 : f32 to vector<16xf32>
    %broadcast_in_dim3A_317 = vector.broadcast %jit3A_315 : f32 to vector<16xf32>
    %select_n3A_318 = arith.select %ge3A_313, %broadcast_in_dim3A_316, %broadcast_in_dim3A_317 : vector<16xi1>, vector<16xf32>
    %and3A_319 = arith.constant 1 : i32
    %and3A_320 = vector.broadcast %and3A_319 : i32 to vector<16xi32>
    %and3A_321 = arith.andi %select_n3A_309, %and3A_320 : vector<16xi32>
    %eq3A_322 = arith.constant 1 : i32
    %eq3A_323 = vector.broadcast %eq3A_322 : i32 to vector<16xi32>
    %eq3A_324 = arith.cmpi eq, %and3A_321, %eq3A_323 : vector<16xi32>
    %jit3A_325 = arith.constant 1.000000e+00 : f32
    %jit3A_326 = arith.constant 0.000000e+00 : f32
    %broadcast_in_dim3A_327 = vector.broadcast %jit3A_325 : f32 to vector<16xf32>
    %broadcast_in_dim3A_328 = vector.broadcast %jit3A_326 : f32 to vector<16xf32>
    %select_n3A_329 = arith.select %eq3A_324, %broadcast_in_dim3A_327, %broadcast_in_dim3A_328 : vector<16xi1>, vector<16xf32>
    %add3A_330 = arith.constant 0 : i32
    %add3A_331 = vector.broadcast %add3A_330 : i32 to vector<16xi32>
    %add3A_332 = arith.addi %iota3A, %add3A_331 : vector<16xi32>
    %mul3A_333 = arith.constant 16 : i32
    %mul3A_334 = vector.broadcast %mul3A_333 : i32 to vector<16xi32>
    %mul3A_335 = arith.muli %add3A_332, %mul3A_334 : vector<16xi32>
    %add3A_336 = arith.constant 2 : i32
    %add3A_337 = vector.broadcast %add3A_336 : i32 to vector<16xi32>
    %add3A_338 = arith.addi %mul3A_335, %add3A_337 : vector<16xi32>
    tpu.vector_store_idx %arg10[%add3A_338], %select_n3A_318 : memref<1024xf32, #tpu.memory_space<vmem>>[vector<16xi32>], vector<16xf32>,
    %mul3A_339 = arith.constant 16 : i32
    %mul3A_340 = vector.broadcast %mul3A_339 : i32 to vector<16xi32>
    %mul3A_341 = arith.muli %add3A_332, %mul3A_340 : vector<16xi32>
    %add3A_342 = arith.constant 3 : i32
    %add3A_343 = vector.broadcast %add3A_342 : i32 to vector<16xi32>
    %add3A_344 = arith.addi %mul3A_341, %add3A_343 : vector<16xi32>
    tpu.vector_store_idx %arg10[%add3A_344], %select_n3A_329 : memref<1024xf32, #tpu.memory_space<vmem>>[vector<16xi32>], vector<16xf32>,
    %get3A_345 = arith.constant 80 : index
    %get3A_346 = tpu.vector_load %arg8[%get3A_345] {strides = array<i32>} : memref<1280xf32, #tpu.memory_space<vmem>>, vector<16xf32>,
    %mul3A_347 = arith.mulf %get3A_346, %get3A_273 : vector<16xf32>
    %get3A_348 = arith.constant 592 : index
    %get3A_349 = tpu.vector_load %arg8[%get3A_348] {strides = array<i32>} : memref<1280xf32, #tpu.memory_space<vmem>>, vector<16xf32>,
    %mul3A_350 = arith.mulf %get3A_349, %get3A_275 : vector<16xf32>
    %get3A_351 = arith.constant 272 : index
    %get3A_352 = tpu.vector_load %arg7[%get3A_351] {strides = array<i32>} : memref<2048xf32, #tpu.memory_space<vmem>>, vector<16xf32>,
    %get3A_353 = arith.constant 336 : index
    %get3A_354 = tpu.vector_load %arg7[%get3A_353] {strides = array<i32>} : memref<2048xf32, #tpu.memory_space<vmem>>, vector<16xf32>,
    %get3A_355 = arith.constant 400 : index
    %get3A_356 = tpu.vector_load %arg7[%get3A_355] {strides = array<i32>} : memref<2048xf32, #tpu.memory_space<vmem>>, vector<16xf32>,
    %get3A_357 = arith.constant 464 : index
    %get3A_358 = tpu.vector_load %arg7[%get3A_357] {strides = array<i32>} : memref<2048xf32, #tpu.memory_space<vmem>>, vector<16xf32>,
    %broadcast_in_dim3A_359 = arith.constant 0 : i32
    %broadcast_in_dim3A_360 = vector.broadcast %broadcast_in_dim3A_359 : i32 to vector<16xi32>
    %add3A_361 = arith.addf %get3A_354, %mul3A_350 : vector<16xf32>
    %add3A_362 = arith.addf %get3A_356, %mul3A_347 : vector<16xf32>
    %add3A_363 = arith.addf %get3A_358, %mul3A_350 : vector<16xf32>
    %add3A_364 = arith.addf %add3A_363, %mul3A_347 : vector<16xf32>
    %gt3A_365 = arith.cmpf ogt, %add3A_361, %get3A_352 : vector<16xf32>
    %broadcast_in_dim3A_366 = arith.constant 1 : i32
    %broadcast_in_dim3A_367 = vector.broadcast %broadcast_in_dim3A_366 : i32 to vector<16xi32>
    %select_n3A_368 = arith.select %gt3A_365, %broadcast_in_dim3A_367, %broadcast_in_dim3A_360 : vector<16xi1>, vector<16xi32>
    %max3A_369 = arith.maximumf %get3A_352, %add3A_361 : vector<16xf32>
    %gt3A_370 = arith.cmpf ogt, %add3A_362, %max3A_369 : vector<16xf32>
    %broadcast_in_dim3A_371 = arith.constant 2 : i32
    %broadcast_in_dim3A_372 = vector.broadcast %broadcast_in_dim3A_371 : i32 to vector<16xi32>
    %select_n3A_373 = arith.select %gt3A_370, %broadcast_in_dim3A_372, %select_n3A_368 : vector<16xi1>, vector<16xi32>
    %max3A_374 = arith.maximumf %max3A_369, %add3A_362 : vector<16xf32>
    %gt3A_375 = arith.cmpf ogt, %add3A_364, %max3A_374 : vector<16xf32>
    %broadcast_in_dim3A_376 = arith.constant 3 : i32
    %broadcast_in_dim3A_377 = vector.broadcast %broadcast_in_dim3A_376 : i32 to vector<16xi32>
    %select_n3A_378 = arith.select %gt3A_375, %broadcast_in_dim3A_377, %select_n3A_373 : vector<16xi1>, vector<16xi32>
    %max3A_379 = arith.maximumf %max3A_374, %add3A_364 : vector<16xf32>
    %ge3A_380 = arith.constant 2 : i32
    %ge3A_381 = vector.broadcast %ge3A_380 : i32 to vector<16xi32>
    %ge3A_382 = arith.cmpi sge, %select_n3A_378, %ge3A_381 : vector<16xi32>
    %jit3A_383 = arith.constant 1.000000e+00 : f32
    %jit3A_384 = arith.constant 0.000000e+00 : f32
    %broadcast_in_dim3A_385 = vector.broadcast %jit3A_383 : f32 to vector<16xf32>
    %broadcast_in_dim3A_386 = vector.broadcast %jit3A_384 : f32 to vector<16xf32>
    %select_n3A_387 = arith.select %ge3A_382, %broadcast_in_dim3A_385, %broadcast_in_dim3A_386 : vector<16xi1>, vector<16xf32>
    %and3A_388 = arith.constant 1 : i32
    %and3A_389 = vector.broadcast %and3A_388 : i32 to vector<16xi32>
    %and3A_390 = arith.andi %select_n3A_378, %and3A_389 : vector<16xi32>
    %eq3A_391 = arith.constant 1 : i32
    %eq3A_392 = vector.broadcast %eq3A_391 : i32 to vector<16xi32>
    %eq3A_393 = arith.cmpi eq, %and3A_390, %eq3A_392 : vector<16xi32>
    %jit3A_394 = arith.constant 1.000000e+00 : f32
    %jit3A_395 = arith.constant 0.000000e+00 : f32
    %broadcast_in_dim3A_396 = vector.broadcast %jit3A_394 : f32 to vector<16xf32>
    %broadcast_in_dim3A_397 = vector.broadcast %jit3A_395 : f32 to vector<16xf32>
    %select_n3A_398 = arith.select %eq3A_393, %broadcast_in_dim3A_396, %broadcast_in_dim3A_397 : vector<16xi1>, vector<16xf32>
    %add3A_399 = arith.constant 16 : i32
    %add3A_400 = vector.broadcast %add3A_399 : i32 to vector<16xi32>
    %add3A_401 = arith.addi %iota3A, %add3A_400 : vector<16xi32>
    %mul3A_402 = arith.constant 16 : i32
    %mul3A_403 = vector.broadcast %mul3A_402 : i32 to vector<16xi32>
    %mul3A_404 = arith.muli %add3A_401, %mul3A_403 : vector<16xi32>
    %add3A_405 = arith.constant 2 : i32
    %add3A_406 = vector.broadcast %add3A_405 : i32 to vector<16xi32>
    %add3A_407 = arith.addi %mul3A_404, %add3A_406 : vector<16xi32>
    tpu.vector_store_idx %arg10[%add3A_407], %select_n3A_387 : memref<1024xf32, #tpu.memory_space<vmem>>[vector<16xi32>], vector<16xf32>,
    %mul3A_408 = arith.constant 16 : i32
    %mul3A_409 = vector.broadcast %mul3A_408 : i32 to vector<16xi32>
    %mul3A_410 = arith.muli %add3A_401, %mul3A_409 : vector<16xi32>
    %add3A_411 = arith.constant 3 : i32
    %add3A_412 = vector.broadcast %add3A_411 : i32 to vector<16xi32>
    %add3A_413 = arith.addi %mul3A_410, %add3A_412 : vector<16xi32>
    tpu.vector_store_idx %arg10[%add3A_413], %select_n3A_398 : memref<1024xf32, #tpu.memory_space<vmem>>[vector<16xi32>], vector<16xf32>,
    %get3A_414 = arith.constant 96 : index
    %get3A_415 = tpu.vector_load %arg8[%get3A_414] {strides = array<i32>} : memref<1280xf32, #tpu.memory_space<vmem>>, vector<16xf32>,
    %mul3A_416 = arith.mulf %get3A_415, %get3A_273 : vector<16xf32>
    %get3A_417 = arith.constant 608 : index
    %get3A_418 = tpu.vector_load %arg8[%get3A_417] {strides = array<i32>} : memref<1280xf32, #tpu.memory_space<vmem>>, vector<16xf32>,
    %mul3A_419 = arith.mulf %get3A_418, %get3A_275 : vector<16xf32>
    %get3A_420 = arith.constant 288 : index
    %get3A_421 = tpu.vector_load %arg7[%get3A_420] {strides = array<i32>} : memref<2048xf32, #tpu.memory_space<vmem>>, vector<16xf32>,
    %get3A_422 = arith.constant 352 : index
    %get3A_423 = tpu.vector_load %arg7[%get3A_422] {strides = array<i32>} : memref<2048xf32, #tpu.memory_space<vmem>>, vector<16xf32>,
    %get3A_424 = arith.constant 416 : index
    %get3A_425 = tpu.vector_load %arg7[%get3A_424] {strides = array<i32>} : memref<2048xf32, #tpu.memory_space<vmem>>, vector<16xf32>,
    %get3A_426 = arith.constant 480 : index
    %get3A_427 = tpu.vector_load %arg7[%get3A_426] {strides = array<i32>} : memref<2048xf32, #tpu.memory_space<vmem>>, vector<16xf32>,
    %broadcast_in_dim3A_428 = arith.constant 0 : i32
    %broadcast_in_dim3A_429 = vector.broadcast %broadcast_in_dim3A_428 : i32 to vector<16xi32>
    %add3A_430 = arith.addf %get3A_423, %mul3A_419 : vector<16xf32>
    %add3A_431 = arith.addf %get3A_425, %mul3A_416 : vector<16xf32>
    %add3A_432 = arith.addf %get3A_427, %mul3A_419 : vector<16xf32>
    %add3A_433 = arith.addf %add3A_432, %mul3A_416 : vector<16xf32>
    %gt3A_434 = arith.cmpf ogt, %add3A_430, %get3A_421 : vector<16xf32>
    %broadcast_in_dim3A_435 = arith.constant 1 : i32
    %broadcast_in_dim3A_436 = vector.broadcast %broadcast_in_dim3A_435 : i32 to vector<16xi32>
    %select_n3A_437 = arith.select %gt3A_434, %broadcast_in_dim3A_436, %broadcast_in_dim3A_429 : vector<16xi1>, vector<16xi32>
    %max3A_438 = arith.maximumf %get3A_421, %add3A_430 : vector<16xf32>
    %gt3A_439 = arith.cmpf ogt, %add3A_431, %max3A_438 : vector<16xf32>
    %broadcast_in_dim3A_440 = arith.constant 2 : i32
    %broadcast_in_dim3A_441 = vector.broadcast %broadcast_in_dim3A_440 : i32 to vector<16xi32>
    %select_n3A_442 = arith.select %gt3A_439, %broadcast_in_dim3A_441, %select_n3A_437 : vector<16xi1>, vector<16xi32>
    %max3A_443 = arith.maximumf %max3A_438, %add3A_431 : vector<16xf32>
    %gt3A_444 = arith.cmpf ogt, %add3A_433, %max3A_443 : vector<16xf32>
    %broadcast_in_dim3A_445 = arith.constant 3 : i32
    %broadcast_in_dim3A_446 = vector.broadcast %broadcast_in_dim3A_445 : i32 to vector<16xi32>
    %select_n3A_447 = arith.select %gt3A_444, %broadcast_in_dim3A_446, %select_n3A_442 : vector<16xi1>, vector<16xi32>
    %max3A_448 = arith.maximumf %max3A_443, %add3A_433 : vector<16xf32>
    %ge3A_449 = arith.constant 2 : i32
    %ge3A_450 = vector.broadcast %ge3A_449 : i32 to vector<16xi32>
    %ge3A_451 = arith.cmpi sge, %select_n3A_447, %ge3A_450 : vector<16xi32>
    %jit3A_452 = arith.constant 1.000000e+00 : f32
    %jit3A_453 = arith.constant 0.000000e+00 : f32
    %broadcast_in_dim3A_454 = vector.broadcast %jit3A_452 : f32 to vector<16xf32>
    %broadcast_in_dim3A_455 = vector.broadcast %jit3A_453 : f32 to vector<16xf32>
    %select_n3A_456 = arith.select %ge3A_451, %broadcast_in_dim3A_454, %broadcast_in_dim3A_455 : vector<16xi1>, vector<16xf32>
    %and3A_457 = arith.constant 1 : i32
    %and3A_458 = vector.broadcast %and3A_457 : i32 to vector<16xi32>
    %and3A_459 = arith.andi %select_n3A_447, %and3A_458 : vector<16xi32>
    %eq3A_460 = arith.constant 1 : i32
    %eq3A_461 = vector.broadcast %eq3A_460 : i32 to vector<16xi32>
    %eq3A_462 = arith.cmpi eq, %and3A_459, %eq3A_461 : vector<16xi32>
    %jit3A_463 = arith.constant 1.000000e+00 : f32
    %jit3A_464 = arith.constant 0.000000e+00 : f32
    %broadcast_in_dim3A_465 = vector.broadcast %jit3A_463 : f32 to vector<16xf32>
    %broadcast_in_dim3A_466 = vector.broadcast %jit3A_464 : f32 to vector<16xf32>
    %select_n3A_467 = arith.select %eq3A_462, %broadcast_in_dim3A_465, %broadcast_in_dim3A_466 : vector<16xi1>, vector<16xf32>
    %add3A_468 = arith.constant 32 : i32
    %add3A_469 = vector.broadcast %add3A_468 : i32 to vector<16xi32>
    %add3A_470 = arith.addi %iota3A, %add3A_469 : vector<16xi32>
    %mul3A_471 = arith.constant 16 : i32
    %mul3A_472 = vector.broadcast %mul3A_471 : i32 to vector<16xi32>
    %mul3A_473 = arith.muli %add3A_470, %mul3A_472 : vector<16xi32>
    %add3A_474 = arith.constant 2 : i32
    %add3A_475 = vector.broadcast %add3A_474 : i32 to vector<16xi32>
    %add3A_476 = arith.addi %mul3A_473, %add3A_475 : vector<16xi32>
    tpu.vector_store_idx %arg10[%add3A_476], %select_n3A_456 : memref<1024xf32, #tpu.memory_space<vmem>>[vector<16xi32>], vector<16xf32>,
    %mul3A_477 = arith.constant 16 : i32
    %mul3A_478 = vector.broadcast %mul3A_477 : i32 to vector<16xi32>
    %mul3A_479 = arith.muli %add3A_470, %mul3A_478 : vector<16xi32>
    %add3A_480 = arith.constant 3 : i32
    %add3A_481 = vector.broadcast %add3A_480 : i32 to vector<16xi32>
    %add3A_482 = arith.addi %mul3A_479, %add3A_481 : vector<16xi32>
    tpu.vector_store_idx %arg10[%add3A_482], %select_n3A_467 : memref<1024xf32, #tpu.memory_space<vmem>>[vector<16xi32>], vector<16xf32>,
    %get3A_483 = arith.constant 112 : index
    %get3A_484 = tpu.vector_load %arg8[%get3A_483] {strides = array<i32>} : memref<1280xf32, #tpu.memory_space<vmem>>, vector<16xf32>,
    %mul3A_485 = arith.mulf %get3A_484, %get3A_273 : vector<16xf32>
    %get3A_486 = arith.constant 624 : index
    %get3A_487 = tpu.vector_load %arg8[%get3A_486] {strides = array<i32>} : memref<1280xf32, #tpu.memory_space<vmem>>, vector<16xf32>,
    %mul3A_488 = arith.mulf %get3A_487, %get3A_275 : vector<16xf32>
    %get3A_489 = arith.constant 304 : index
    %get3A_490 = tpu.vector_load %arg7[%get3A_489] {strides = array<i32>} : memref<2048xf32, #tpu.memory_space<vmem>>, vector<16xf32>,
    %get3A_491 = arith.constant 368 : index
    %get3A_492 = tpu.vector_load %arg7[%get3A_491] {strides = array<i32>} : memref<2048xf32, #tpu.memory_space<vmem>>, vector<16xf32>,
    %get3A_493 = arith.constant 432 : index
    %get3A_494 = tpu.vector_load %arg7[%get3A_493] {strides = array<i32>} : memref<2048xf32, #tpu.memory_space<vmem>>, vector<16xf32>,
    %get3A_495 = arith.constant 496 : index
    %get3A_496 = tpu.vector_load %arg7[%get3A_495] {strides = array<i32>} : memref<2048xf32, #tpu.memory_space<vmem>>, vector<16xf32>,
    %broadcast_in_dim3A_497 = arith.constant 0 : i32
    %broadcast_in_dim3A_498 = vector.broadcast %broadcast_in_dim3A_497 : i32 to vector<16xi32>
    %add3A_499 = arith.addf %get3A_492, %mul3A_488 : vector<16xf32>
    %add3A_500 = arith.addf %get3A_494, %mul3A_485 : vector<16xf32>
    %add3A_501 = arith.addf %get3A_496, %mul3A_488 : vector<16xf32>
    %add3A_502 = arith.addf %add3A_501, %mul3A_485 : vector<16xf32>
    %gt3A_503 = arith.cmpf ogt, %add3A_499, %get3A_490 : vector<16xf32>
    %broadcast_in_dim3A_504 = arith.constant 1 : i32
    %broadcast_in_dim3A_505 = vector.broadcast %broadcast_in_dim3A_504 : i32 to vector<16xi32>
    %select_n3A_506 = arith.select %gt3A_503, %broadcast_in_dim3A_505, %broadcast_in_dim3A_498 : vector<16xi1>, vector<16xi32>
    %max3A_507 = arith.maximumf %get3A_490, %add3A_499 : vector<16xf32>
    %gt3A_508 = arith.cmpf ogt, %add3A_500, %max3A_507 : vector<16xf32>
    %broadcast_in_dim3A_509 = arith.constant 2 : i32
    %broadcast_in_dim3A_510 = vector.broadcast %broadcast_in_dim3A_509 : i32 to vector<16xi32>
    %select_n3A_511 = arith.select %gt3A_508, %broadcast_in_dim3A_510, %select_n3A_506 : vector<16xi1>, vector<16xi32>
    %max3A_512 = arith.maximumf %max3A_507, %add3A_500 : vector<16xf32>
    %gt3A_513 = arith.cmpf ogt, %add3A_502, %max3A_512 : vector<16xf32>
    %broadcast_in_dim3A_514 = arith.constant 3 : i32
    %broadcast_in_dim3A_515 = vector.broadcast %broadcast_in_dim3A_514 : i32 to vector<16xi32>
    %select_n3A_516 = arith.select %gt3A_513, %broadcast_in_dim3A_515, %select_n3A_511 : vector<16xi1>, vector<16xi32>
    %max3A_517 = arith.maximumf %max3A_512, %add3A_502 : vector<16xf32>
    %ge3A_518 = arith.constant 2 : i32
    %ge3A_519 = vector.broadcast %ge3A_518 : i32 to vector<16xi32>
    %ge3A_520 = arith.cmpi sge, %select_n3A_516, %ge3A_519 : vector<16xi32>
    %jit3A_521 = arith.constant 1.000000e+00 : f32
    %jit3A_522 = arith.constant 0.000000e+00 : f32
    %broadcast_in_dim3A_523 = vector.broadcast %jit3A_521 : f32 to vector<16xf32>
    %broadcast_in_dim3A_524 = vector.broadcast %jit3A_522 : f32 to vector<16xf32>
    %select_n3A_525 = arith.select %ge3A_520, %broadcast_in_dim3A_523, %broadcast_in_dim3A_524 : vector<16xi1>, vector<16xf32>
    %and3A_526 = arith.constant 1 : i32
    %and3A_527 = vector.broadcast %and3A_526 : i32 to vector<16xi32>
    %and3A_528 = arith.andi %select_n3A_516, %and3A_527 : vector<16xi32>
    %eq3A_529 = arith.constant 1 : i32
    %eq3A_530 = vector.broadcast %eq3A_529 : i32 to vector<16xi32>
    %eq3A_531 = arith.cmpi eq, %and3A_528, %eq3A_530 : vector<16xi32>
    %jit3A_532 = arith.constant 1.000000e+00 : f32
    %jit3A_533 = arith.constant 0.000000e+00 : f32
    %broadcast_in_dim3A_534 = vector.broadcast %jit3A_532 : f32 to vector<16xf32>
    %broadcast_in_dim3A_535 = vector.broadcast %jit3A_533 : f32 to vector<16xf32>
    %select_n3A_536 = arith.select %eq3A_531, %broadcast_in_dim3A_534, %broadcast_in_dim3A_535 : vector<16xi1>, vector<16xf32>
    %add3A_537 = arith.constant 48 : i32
    %add3A_538 = vector.broadcast %add3A_537 : i32 to vector<16xi32>
    %add3A_539 = arith.addi %iota3A, %add3A_538 : vector<16xi32>
    %mul3A_540 = arith.constant 16 : i32
    %mul3A_541 = vector.broadcast %mul3A_540 : i32 to vector<16xi32>
    %mul3A_542 = arith.muli %add3A_539, %mul3A_541 : vector<16xi32>
    %add3A_543 = arith.constant 2 : i32
    %add3A_544 = vector.broadcast %add3A_543 : i32 to vector<16xi32>
    %add3A_545 = arith.addi %mul3A_542, %add3A_544 : vector<16xi32>
    tpu.vector_store_idx %arg10[%add3A_545], %select_n3A_525 : memref<1024xf32, #tpu.memory_space<vmem>>[vector<16xi32>], vector<16xf32>,
    %mul3A_546 = arith.constant 16 : i32
    %mul3A_547 = vector.broadcast %mul3A_546 : i32 to vector<16xi32>
    %mul3A_548 = arith.muli %add3A_539, %mul3A_547 : vector<16xi32>
    %add3A_549 = arith.constant 3 : i32
    %add3A_550 = vector.broadcast %add3A_549 : i32 to vector<16xi32>
    %add3A_551 = arith.addi %mul3A_548, %add3A_550 : vector<16xi32>
    tpu.vector_store_idx %arg10[%add3A_551], %select_n3A_536 : memref<1024xf32, #tpu.memory_space<vmem>>[vector<16xi32>], vector<16xf32>,
    %get3A_552 = arith.constant 1056 : index
    %get3A_553 = tpu.vector_load %arg8[%get3A_552] {strides = array<i32>} : memref<1280xf32, #tpu.memory_space<vmem>>, vector<16xf32>,
    %get3A_554 = arith.constant 1184 : index
    %get3A_555 = tpu.vector_load %arg8[%get3A_554] {strides = array<i32>} : memref<1280xf32, #tpu.memory_space<vmem>>, vector<16xf32>,
    %get3A_556 = arith.constant 128 : index
    %get3A_557 = tpu.vector_load %arg8[%get3A_556] {strides = array<i32>} : memref<1280xf32, #tpu.memory_space<vmem>>, vector<16xf32>,
    %mul3A_558 = arith.mulf %get3A_557, %get3A_553 : vector<16xf32>
    %get3A_559 = arith.constant 640 : index
    %get3A_560 = tpu.vector_load %arg8[%get3A_559] {strides = array<i32>} : memref<1280xf32, #tpu.memory_space<vmem>>, vector<16xf32>,
    %mul3A_561 = arith.mulf %get3A_560, %get3A_555 : vector<16xf32>
    %get3A_562 = arith.constant 512 : index
    %get3A_563 = tpu.vector_load %arg7[%get3A_562] {strides = array<i32>} : memref<2048xf32, #tpu.memory_space<vmem>>, vector<16xf32>,
    %get3A_564 = arith.constant 576 : index
    %get3A_565 = tpu.vector_load %arg7[%get3A_564] {strides = array<i32>} : memref<2048xf32, #tpu.memory_space<vmem>>, vector<16xf32>,
    %get3A_566 = arith.constant 640 : index
    %get3A_567 = tpu.vector_load %arg7[%get3A_566] {strides = array<i32>} : memref<2048xf32, #tpu.memory_space<vmem>>, vector<16xf32>,
    %get3A_568 = arith.constant 704 : index
    %get3A_569 = tpu.vector_load %arg7[%get3A_568] {strides = array<i32>} : memref<2048xf32, #tpu.memory_space<vmem>>, vector<16xf32>,
    %broadcast_in_dim3A_570 = arith.constant 0 : i32
    %broadcast_in_dim3A_571 = vector.broadcast %broadcast_in_dim3A_570 : i32 to vector<16xi32>
    %add3A_572 = arith.addf %get3A_565, %mul3A_561 : vector<16xf32>
    %add3A_573 = arith.addf %get3A_567, %mul3A_558 : vector<16xf32>
    %add3A_574 = arith.addf %get3A_569, %mul3A_561 : vector<16xf32>
    %add3A_575 = arith.addf %add3A_574, %mul3A_558 : vector<16xf32>
    %gt3A_576 = arith.cmpf ogt, %add3A_572, %get3A_563 : vector<16xf32>
    %broadcast_in_dim3A_577 = arith.constant 1 : i32
    %broadcast_in_dim3A_578 = vector.broadcast %broadcast_in_dim3A_577 : i32 to vector<16xi32>
    %select_n3A_579 = arith.select %gt3A_576, %broadcast_in_dim3A_578, %broadcast_in_dim3A_571 : vector<16xi1>, vector<16xi32>
    %max3A_580 = arith.maximumf %get3A_563, %add3A_572 : vector<16xf32>
    %gt3A_581 = arith.cmpf ogt, %add3A_573, %max3A_580 : vector<16xf32>
    %broadcast_in_dim3A_582 = arith.constant 2 : i32
    %broadcast_in_dim3A_583 = vector.broadcast %broadcast_in_dim3A_582 : i32 to vector<16xi32>
    %select_n3A_584 = arith.select %gt3A_581, %broadcast_in_dim3A_583, %select_n3A_579 : vector<16xi1>, vector<16xi32>
    %max3A_585 = arith.maximumf %max3A_580, %add3A_573 : vector<16xf32>
    %gt3A_586 = arith.cmpf ogt, %add3A_575, %max3A_585 : vector<16xf32>
    %broadcast_in_dim3A_587 = arith.constant 3 : i32
    %broadcast_in_dim3A_588 = vector.broadcast %broadcast_in_dim3A_587 : i32 to vector<16xi32>
    %select_n3A_589 = arith.select %gt3A_586, %broadcast_in_dim3A_588, %select_n3A_584 : vector<16xi1>, vector<16xi32>
    %max3A_590 = arith.maximumf %max3A_585, %add3A_575 : vector<16xf32>
    %ge3A_591 = arith.constant 2 : i32
    %ge3A_592 = vector.broadcast %ge3A_591 : i32 to vector<16xi32>
    %ge3A_593 = arith.cmpi sge, %select_n3A_589, %ge3A_592 : vector<16xi32>
    %jit3A_594 = arith.constant 1.000000e+00 : f32
    %jit3A_595 = arith.constant 0.000000e+00 : f32
    %broadcast_in_dim3A_596 = vector.broadcast %jit3A_594 : f32 to vector<16xf32>
    %broadcast_in_dim3A_597 = vector.broadcast %jit3A_595 : f32 to vector<16xf32>
    %select_n3A_598 = arith.select %ge3A_593, %broadcast_in_dim3A_596, %broadcast_in_dim3A_597 : vector<16xi1>, vector<16xf32>
    %and3A_599 = arith.constant 1 : i32
    %and3A_600 = vector.broadcast %and3A_599 : i32 to vector<16xi32>
    %and3A_601 = arith.andi %select_n3A_589, %and3A_600 : vector<16xi32>
    %eq3A_602 = arith.constant 1 : i32
    %eq3A_603 = vector.broadcast %eq3A_602 : i32 to vector<16xi32>
    %eq3A_604 = arith.cmpi eq, %and3A_601, %eq3A_603 : vector<16xi32>
    %jit3A_605 = arith.constant 1.000000e+00 : f32
    %jit3A_606 = arith.constant 0.000000e+00 : f32
    %broadcast_in_dim3A_607 = vector.broadcast %jit3A_605 : f32 to vector<16xf32>
    %broadcast_in_dim3A_608 = vector.broadcast %jit3A_606 : f32 to vector<16xf32>
    %select_n3A_609 = arith.select %eq3A_604, %broadcast_in_dim3A_607, %broadcast_in_dim3A_608 : vector<16xi1>, vector<16xf32>
    %add3A_610 = arith.constant 0 : i32
    %add3A_611 = vector.broadcast %add3A_610 : i32 to vector<16xi32>
    %add3A_612 = arith.addi %iota3A, %add3A_611 : vector<16xi32>
    %mul3A_613 = arith.constant 16 : i32
    %mul3A_614 = vector.broadcast %mul3A_613 : i32 to vector<16xi32>
    %mul3A_615 = arith.muli %add3A_612, %mul3A_614 : vector<16xi32>
    %add3A_616 = arith.constant 4 : i32
    %add3A_617 = vector.broadcast %add3A_616 : i32 to vector<16xi32>
    %add3A_618 = arith.addi %mul3A_615, %add3A_617 : vector<16xi32>
    tpu.vector_store_idx %arg10[%add3A_618], %select_n3A_598 : memref<1024xf32, #tpu.memory_space<vmem>>[vector<16xi32>], vector<16xf32>,
    %mul3A_619 = arith.constant 16 : i32
    %mul3A_620 = vector.broadcast %mul3A_619 : i32 to vector<16xi32>
    %mul3A_621 = arith.muli %add3A_612, %mul3A_620 : vector<16xi32>
    %add3A_622 = arith.constant 5 : i32
    %add3A_623 = vector.broadcast %add3A_622 : i32 to vector<16xi32>
    %add3A_624 = arith.addi %mul3A_621, %add3A_623 : vector<16xi32>
    tpu.vector_store_idx %arg10[%add3A_624], %select_n3A_609 : memref<1024xf32, #tpu.memory_space<vmem>>[vector<16xi32>], vector<16xf32>,
    %get3A_625 = arith.constant 144 : index
    %get3A_626 = tpu.vector_load %arg8[%get3A_625] {strides = array<i32>} : memref<1280xf32, #tpu.memory_space<vmem>>, vector<16xf32>,
    %mul3A_627 = arith.mulf %get3A_626, %get3A_553 : vector<16xf32>
    %get3A_628 = arith.constant 656 : index
    %get3A_629 = tpu.vector_load %arg8[%get3A_628] {strides = array<i32>} : memref<1280xf32, #tpu.memory_space<vmem>>, vector<16xf32>,
    %mul3A_630 = arith.mulf %get3A_629, %get3A_555 : vector<16xf32>
    %get3A_631 = arith.constant 528 : index
    %get3A_632 = tpu.vector_load %arg7[%get3A_631] {strides = array<i32>} : memref<2048xf32, #tpu.memory_space<vmem>>, vector<16xf32>,
    %get3A_633 = arith.constant 592 : index
    %get3A_634 = tpu.vector_load %arg7[%get3A_633] {strides = array<i32>} : memref<2048xf32, #tpu.memory_space<vmem>>, vector<16xf32>,
    %get3A_635 = arith.constant 656 : index
    %get3A_636 = tpu.vector_load %arg7[%get3A_635] {strides = array<i32>} : memref<2048xf32, #tpu.memory_space<vmem>>, vector<16xf32>,
    %get3A_637 = arith.constant 720 : index
    %get3A_638 = tpu.vector_load %arg7[%get3A_637] {strides = array<i32>} : memref<2048xf32, #tpu.memory_space<vmem>>, vector<16xf32>,
    %broadcast_in_dim3A_639 = arith.constant 0 : i32
    %broadcast_in_dim3A_640 = vector.broadcast %broadcast_in_dim3A_639 : i32 to vector<16xi32>
    %add3A_641 = arith.addf %get3A_634, %mul3A_630 : vector<16xf32>
    %add3A_642 = arith.addf %get3A_636, %mul3A_627 : vector<16xf32>
    %add3A_643 = arith.addf %get3A_638, %mul3A_630 : vector<16xf32>
    %add3A_644 = arith.addf %add3A_643, %mul3A_627 : vector<16xf32>
    %gt3A_645 = arith.cmpf ogt, %add3A_641, %get3A_632 : vector<16xf32>
    %broadcast_in_dim3A_646 = arith.constant 1 : i32
    %broadcast_in_dim3A_647 = vector.broadcast %broadcast_in_dim3A_646 : i32 to vector<16xi32>
    %select_n3A_648 = arith.select %gt3A_645, %broadcast_in_dim3A_647, %broadcast_in_dim3A_640 : vector<16xi1>, vector<16xi32>
    %max3A_649 = arith.maximumf %get3A_632, %add3A_641 : vector<16xf32>
    %gt3A_650 = arith.cmpf ogt, %add3A_642, %max3A_649 : vector<16xf32>
    %broadcast_in_dim3A_651 = arith.constant 2 : i32
    %broadcast_in_dim3A_652 = vector.broadcast %broadcast_in_dim3A_651 : i32 to vector<16xi32>
    %select_n3A_653 = arith.select %gt3A_650, %broadcast_in_dim3A_652, %select_n3A_648 : vector<16xi1>, vector<16xi32>
    %max3A_654 = arith.maximumf %max3A_649, %add3A_642 : vector<16xf32>
    %gt3A_655 = arith.cmpf ogt, %add3A_644, %max3A_654 : vector<16xf32>
    %broadcast_in_dim3A_656 = arith.constant 3 : i32
    %broadcast_in_dim3A_657 = vector.broadcast %broadcast_in_dim3A_656 : i32 to vector<16xi32>
    %select_n3A_658 = arith.select %gt3A_655, %broadcast_in_dim3A_657, %select_n3A_653 : vector<16xi1>, vector<16xi32>
    %max3A_659 = arith.maximumf %max3A_654, %add3A_644 : vector<16xf32>
    %ge3A_660 = arith.constant 2 : i32
    %ge3A_661 = vector.broadcast %ge3A_660 : i32 to vector<16xi32>
    %ge3A_662 = arith.cmpi sge, %select_n3A_658, %ge3A_661 : vector<16xi32>
    %jit3A_663 = arith.constant 1.000000e+00 : f32
    %jit3A_664 = arith.constant 0.000000e+00 : f32
    %broadcast_in_dim3A_665 = vector.broadcast %jit3A_663 : f32 to vector<16xf32>
    %broadcast_in_dim3A_666 = vector.broadcast %jit3A_664 : f32 to vector<16xf32>
    %select_n3A_667 = arith.select %ge3A_662, %broadcast_in_dim3A_665, %broadcast_in_dim3A_666 : vector<16xi1>, vector<16xf32>
    %and3A_668 = arith.constant 1 : i32
    %and3A_669 = vector.broadcast %and3A_668 : i32 to vector<16xi32>
    %and3A_670 = arith.andi %select_n3A_658, %and3A_669 : vector<16xi32>
    %eq3A_671 = arith.constant 1 : i32
    %eq3A_672 = vector.broadcast %eq3A_671 : i32 to vector<16xi32>
    %eq3A_673 = arith.cmpi eq, %and3A_670, %eq3A_672 : vector<16xi32>
    %jit3A_674 = arith.constant 1.000000e+00 : f32
    %jit3A_675 = arith.constant 0.000000e+00 : f32
    %broadcast_in_dim3A_676 = vector.broadcast %jit3A_674 : f32 to vector<16xf32>
    %broadcast_in_dim3A_677 = vector.broadcast %jit3A_675 : f32 to vector<16xf32>
    %select_n3A_678 = arith.select %eq3A_673, %broadcast_in_dim3A_676, %broadcast_in_dim3A_677 : vector<16xi1>, vector<16xf32>
    %add3A_679 = arith.constant 16 : i32
    %add3A_680 = vector.broadcast %add3A_679 : i32 to vector<16xi32>
    %add3A_681 = arith.addi %iota3A, %add3A_680 : vector<16xi32>
    %mul3A_682 = arith.constant 16 : i32
    %mul3A_683 = vector.broadcast %mul3A_682 : i32 to vector<16xi32>
    %mul3A_684 = arith.muli %add3A_681, %mul3A_683 : vector<16xi32>
    %add3A_685 = arith.constant 4 : i32
    %add3A_686 = vector.broadcast %add3A_685 : i32 to vector<16xi32>
    %add3A_687 = arith.addi %mul3A_684, %add3A_686 : vector<16xi32>
    tpu.vector_store_idx %arg10[%add3A_687], %select_n3A_667 : memref<1024xf32, #tpu.memory_space<vmem>>[vector<16xi32>], vector<16xf32>,
    %mul3A_688 = arith.constant 16 : i32
    %mul3A_689 = vector.broadcast %mul3A_688 : i32 to vector<16xi32>
    %mul3A_690 = arith.muli %add3A_681, %mul3A_689 : vector<16xi32>
    %add3A_691 = arith.constant 5 : i32
    %add3A_692 = vector.broadcast %add3A_691 : i32 to vector<16xi32>
    %add3A_693 = arith.addi %mul3A_690, %add3A_692 : vector<16xi32>
    tpu.vector_store_idx %arg10[%add3A_693], %select_n3A_678 : memref<1024xf32, #tpu.memory_space<vmem>>[vector<16xi32>], vector<16xf32>,
    %get3A_694 = arith.constant 160 : index
    %get3A_695 = tpu.vector_load %arg8[%get3A_694] {strides = array<i32>} : memref<1280xf32, #tpu.memory_space<vmem>>, vector<16xf32>,
    %mul3A_696 = arith.mulf %get3A_695, %get3A_553 : vector<16xf32>
    %get3A_697 = arith.constant 672 : index
    %get3A_698 = tpu.vector_load %arg8[%get3A_697] {strides = array<i32>} : memref<1280xf32, #tpu.memory_space<vmem>>, vector<16xf32>,
    %mul3A_699 = arith.mulf %get3A_698, %get3A_555 : vector<16xf32>
    %get3A_700 = arith.constant 544 : index
    %get3A_701 = tpu.vector_load %arg7[%get3A_700] {strides = array<i32>} : memref<2048xf32, #tpu.memory_space<vmem>>, vector<16xf32>,
    %get3A_702 = arith.constant 608 : index
    %get3A_703 = tpu.vector_load %arg7[%get3A_702] {strides = array<i32>} : memref<2048xf32, #tpu.memory_space<vmem>>, vector<16xf32>,
    %get3A_704 = arith.constant 672 : index
    %get3A_705 = tpu.vector_load %arg7[%get3A_704] {strides = array<i32>} : memref<2048xf32, #tpu.memory_space<vmem>>, vector<16xf32>,
    %get3A_706 = arith.constant 736 : index
    %get3A_707 = tpu.vector_load %arg7[%get3A_706] {strides = array<i32>} : memref<2048xf32, #tpu.memory_space<vmem>>, vector<16xf32>,
    %broadcast_in_dim3A_708 = arith.constant 0 : i32
    %broadcast_in_dim3A_709 = vector.broadcast %broadcast_in_dim3A_708 : i32 to vector<16xi32>
    %add3A_710 = arith.addf %get3A_703, %mul3A_699 : vector<16xf32>
    %add3A_711 = arith.addf %get3A_705, %mul3A_696 : vector<16xf32>
    %add3A_712 = arith.addf %get3A_707, %mul3A_699 : vector<16xf32>
    %add3A_713 = arith.addf %add3A_712, %mul3A_696 : vector<16xf32>
    %gt3A_714 = arith.cmpf ogt, %add3A_710, %get3A_701 : vector<16xf32>
    %broadcast_in_dim3A_715 = arith.constant 1 : i32
    %broadcast_in_dim3A_716 = vector.broadcast %broadcast_in_dim3A_715 : i32 to vector<16xi32>
    %select_n3A_717 = arith.select %gt3A_714, %broadcast_in_dim3A_716, %broadcast_in_dim3A_709 : vector<16xi1>, vector<16xi32>
    %max3A_718 = arith.maximumf %get3A_701, %add3A_710 : vector<16xf32>
    %gt3A_719 = arith.cmpf ogt, %add3A_711, %max3A_718 : vector<16xf32>
    %broadcast_in_dim3A_720 = arith.constant 2 : i32
    %broadcast_in_dim3A_721 = vector.broadcast %broadcast_in_dim3A_720 : i32 to vector<16xi32>
    %select_n3A_722 = arith.select %gt3A_719, %broadcast_in_dim3A_721, %select_n3A_717 : vector<16xi1>, vector<16xi32>
    %max3A_723 = arith.maximumf %max3A_718, %add3A_711 : vector<16xf32>
    %gt3A_724 = arith.cmpf ogt, %add3A_713, %max3A_723 : vector<16xf32>
    %broadcast_in_dim3A_725 = arith.constant 3 : i32
    %broadcast_in_dim3A_726 = vector.broadcast %broadcast_in_dim3A_725 : i32 to vector<16xi32>
    %select_n3A_727 = arith.select %gt3A_724, %broadcast_in_dim3A_726, %select_n3A_722 : vector<16xi1>, vector<16xi32>
    %max3A_728 = arith.maximumf %max3A_723, %add3A_713 : vector<16xf32>
    %ge3A_729 = arith.constant 2 : i32
    %ge3A_730 = vector.broadcast %ge3A_729 : i32 to vector<16xi32>
    %ge3A_731 = arith.cmpi sge, %select_n3A_727, %ge3A_730 : vector<16xi32>
    %jit3A_732 = arith.constant 1.000000e+00 : f32
    %jit3A_733 = arith.constant 0.000000e+00 : f32
    %broadcast_in_dim3A_734 = vector.broadcast %jit3A_732 : f32 to vector<16xf32>
    %broadcast_in_dim3A_735 = vector.broadcast %jit3A_733 : f32 to vector<16xf32>
    %select_n3A_736 = arith.select %ge3A_731, %broadcast_in_dim3A_734, %broadcast_in_dim3A_735 : vector<16xi1>, vector<16xf32>
    %and3A_737 = arith.constant 1 : i32
    %and3A_738 = vector.broadcast %and3A_737 : i32 to vector<16xi32>
    %and3A_739 = arith.andi %select_n3A_727, %and3A_738 : vector<16xi32>
    %eq3A_740 = arith.constant 1 : i32
    %eq3A_741 = vector.broadcast %eq3A_740 : i32 to vector<16xi32>
    %eq3A_742 = arith.cmpi eq, %and3A_739, %eq3A_741 : vector<16xi32>
    %jit3A_743 = arith.constant 1.000000e+00 : f32
    %jit3A_744 = arith.constant 0.000000e+00 : f32
    %broadcast_in_dim3A_745 = vector.broadcast %jit3A_743 : f32 to vector<16xf32>
    %broadcast_in_dim3A_746 = vector.broadcast %jit3A_744 : f32 to vector<16xf32>
    %select_n3A_747 = arith.select %eq3A_742, %broadcast_in_dim3A_745, %broadcast_in_dim3A_746 : vector<16xi1>, vector<16xf32>
    %add3A_748 = arith.constant 32 : i32
    %add3A_749 = vector.broadcast %add3A_748 : i32 to vector<16xi32>
    %add3A_750 = arith.addi %iota3A, %add3A_749 : vector<16xi32>
    %mul3A_751 = arith.constant 16 : i32
    %mul3A_752 = vector.broadcast %mul3A_751 : i32 to vector<16xi32>
    %mul3A_753 = arith.muli %add3A_750, %mul3A_752 : vector<16xi32>
    %add3A_754 = arith.constant 4 : i32
    %add3A_755 = vector.broadcast %add3A_754 : i32 to vector<16xi32>
    %add3A_756 = arith.addi %mul3A_753, %add3A_755 : vector<16xi32>
    tpu.vector_store_idx %arg10[%add3A_756], %select_n3A_736 : memref<1024xf32, #tpu.memory_space<vmem>>[vector<16xi32>], vector<16xf32>,
    %mul3A_757 = arith.constant 16 : i32
    %mul3A_758 = vector.broadcast %mul3A_757 : i32 to vector<16xi32>
    %mul3A_759 = arith.muli %add3A_750, %mul3A_758 : vector<16xi32>
    %add3A_760 = arith.constant 5 : i32
    %add3A_761 = vector.broadcast %add3A_760 : i32 to vector<16xi32>
    %add3A_762 = arith.addi %mul3A_759, %add3A_761 : vector<16xi32>
    tpu.vector_store_idx %arg10[%add3A_762], %select_n3A_747 : memref<1024xf32, #tpu.memory_space<vmem>>[vector<16xi32>], vector<16xf32>,
    %get3A_763 = arith.constant 176 : index
    %get3A_764 = tpu.vector_load %arg8[%get3A_763] {strides = array<i32>} : memref<1280xf32, #tpu.memory_space<vmem>>, vector<16xf32>,
    %mul3A_765 = arith.mulf %get3A_764, %get3A_553 : vector<16xf32>
    %get3A_766 = arith.constant 688 : index
    %get3A_767 = tpu.vector_load %arg8[%get3A_766] {strides = array<i32>} : memref<1280xf32, #tpu.memory_space<vmem>>, vector<16xf32>,
    %mul3A_768 = arith.mulf %get3A_767, %get3A_555 : vector<16xf32>
    %get3A_769 = arith.constant 560 : index
    %get3A_770 = tpu.vector_load %arg7[%get3A_769] {strides = array<i32>} : memref<2048xf32, #tpu.memory_space<vmem>>, vector<16xf32>,
    %get3A_771 = arith.constant 624 : index
    %get3A_772 = tpu.vector_load %arg7[%get3A_771] {strides = array<i32>} : memref<2048xf32, #tpu.memory_space<vmem>>, vector<16xf32>,
    %get3A_773 = arith.constant 688 : index
    %get3A_774 = tpu.vector_load %arg7[%get3A_773] {strides = array<i32>} : memref<2048xf32, #tpu.memory_space<vmem>>, vector<16xf32>,
    %get3A_775 = arith.constant 752 : index
    %get3A_776 = tpu.vector_load %arg7[%get3A_775] {strides = array<i32>} : memref<2048xf32, #tpu.memory_space<vmem>>, vector<16xf32>,
    %broadcast_in_dim3A_777 = arith.constant 0 : i32
    %broadcast_in_dim3A_778 = vector.broadcast %broadcast_in_dim3A_777 : i32 to vector<16xi32>
    %add3A_779 = arith.addf %get3A_772, %mul3A_768 : vector<16xf32>
    %add3A_780 = arith.addf %get3A_774, %mul3A_765 : vector<16xf32>
    %add3A_781 = arith.addf %get3A_776, %mul3A_768 : vector<16xf32>
    %add3A_782 = arith.addf %add3A_781, %mul3A_765 : vector<16xf32>
    %gt3A_783 = arith.cmpf ogt, %add3A_779, %get3A_770 : vector<16xf32>
    %broadcast_in_dim3A_784 = arith.constant 1 : i32
    %broadcast_in_dim3A_785 = vector.broadcast %broadcast_in_dim3A_784 : i32 to vector<16xi32>
    %select_n3A_786 = arith.select %gt3A_783, %broadcast_in_dim3A_785, %broadcast_in_dim3A_778 : vector<16xi1>, vector<16xi32>
    %max3A_787 = arith.maximumf %get3A_770, %add3A_779 : vector<16xf32>
    %gt3A_788 = arith.cmpf ogt, %add3A_780, %max3A_787 : vector<16xf32>
    %broadcast_in_dim3A_789 = arith.constant 2 : i32
    %broadcast_in_dim3A_790 = vector.broadcast %broadcast_in_dim3A_789 : i32 to vector<16xi32>
    %select_n3A_791 = arith.select %gt3A_788, %broadcast_in_dim3A_790, %select_n3A_786 : vector<16xi1>, vector<16xi32>
    %max3A_792 = arith.maximumf %max3A_787, %add3A_780 : vector<16xf32>
    %gt3A_793 = arith.cmpf ogt, %add3A_782, %max3A_792 : vector<16xf32>
    %broadcast_in_dim3A_794 = arith.constant 3 : i32
    %broadcast_in_dim3A_795 = vector.broadcast %broadcast_in_dim3A_794 : i32 to vector<16xi32>
    %select_n3A_796 = arith.select %gt3A_793, %broadcast_in_dim3A_795, %select_n3A_791 : vector<16xi1>, vector<16xi32>
    %max3A_797 = arith.maximumf %max3A_792, %add3A_782 : vector<16xf32>
    %ge3A_798 = arith.constant 2 : i32
    %ge3A_799 = vector.broadcast %ge3A_798 : i32 to vector<16xi32>
    %ge3A_800 = arith.cmpi sge, %select_n3A_796, %ge3A_799 : vector<16xi32>
    %jit3A_801 = arith.constant 1.000000e+00 : f32
    %jit3A_802 = arith.constant 0.000000e+00 : f32
    %broadcast_in_dim3A_803 = vector.broadcast %jit3A_801 : f32 to vector<16xf32>
    %broadcast_in_dim3A_804 = vector.broadcast %jit3A_802 : f32 to vector<16xf32>
    %select_n3A_805 = arith.select %ge3A_800, %broadcast_in_dim3A_803, %broadcast_in_dim3A_804 : vector<16xi1>, vector<16xf32>
    %and3A_806 = arith.constant 1 : i32
    %and3A_807 = vector.broadcast %and3A_806 : i32 to vector<16xi32>
    %and3A_808 = arith.andi %select_n3A_796, %and3A_807 : vector<16xi32>
    %eq3A_809 = arith.constant 1 : i32
    %eq3A_810 = vector.broadcast %eq3A_809 : i32 to vector<16xi32>
    %eq3A_811 = arith.cmpi eq, %and3A_808, %eq3A_810 : vector<16xi32>
    %jit3A_812 = arith.constant 1.000000e+00 : f32
    %jit3A_813 = arith.constant 0.000000e+00 : f32
    %broadcast_in_dim3A_814 = vector.broadcast %jit3A_812 : f32 to vector<16xf32>
    %broadcast_in_dim3A_815 = vector.broadcast %jit3A_813 : f32 to vector<16xf32>
    %select_n3A_816 = arith.select %eq3A_811, %broadcast_in_dim3A_814, %broadcast_in_dim3A_815 : vector<16xi1>, vector<16xf32>
    %add3A_817 = arith.constant 48 : i32
    %add3A_818 = vector.broadcast %add3A_817 : i32 to vector<16xi32>
    %add3A_819 = arith.addi %iota3A, %add3A_818 : vector<16xi32>
    %mul3A_820 = arith.constant 16 : i32
    %mul3A_821 = vector.broadcast %mul3A_820 : i32 to vector<16xi32>
    %mul3A_822 = arith.muli %add3A_819, %mul3A_821 : vector<16xi32>
    %add3A_823 = arith.constant 4 : i32
    %add3A_824 = vector.broadcast %add3A_823 : i32 to vector<16xi32>
    %add3A_825 = arith.addi %mul3A_822, %add3A_824 : vector<16xi32>
    tpu.vector_store_idx %arg10[%add3A_825], %select_n3A_805 : memref<1024xf32, #tpu.memory_space<vmem>>[vector<16xi32>], vector<16xf32>,
    %mul3A_826 = arith.constant 16 : i32
    %mul3A_827 = vector.broadcast %mul3A_826 : i32 to vector<16xi32>
    %mul3A_828 = arith.muli %add3A_819, %mul3A_827 : vector<16xi32>
    %add3A_829 = arith.constant 5 : i32
    %add3A_830 = vector.broadcast %add3A_829 : i32 to vector<16xi32>
    %add3A_831 = arith.addi %mul3A_828, %add3A_830 : vector<16xi32>
    tpu.vector_store_idx %arg10[%add3A_831], %select_n3A_816 : memref<1024xf32, #tpu.memory_space<vmem>>[vector<16xi32>], vector<16xf32>,
    %get3A_832 = arith.constant 1072 : index
    %get3A_833 = tpu.vector_load %arg8[%get3A_832] {strides = array<i32>} : memref<1280xf32, #tpu.memory_space<vmem>>, vector<16xf32>,
    %get3A_834 = arith.constant 1200 : index
    %get3A_835 = tpu.vector_load %arg8[%get3A_834] {strides = array<i32>} : memref<1280xf32, #tpu.memory_space<vmem>>, vector<16xf32>,
    %get3A_836 = arith.constant 192 : index
    %get3A_837 = tpu.vector_load %arg8[%get3A_836] {strides = array<i32>} : memref<1280xf32, #tpu.memory_space<vmem>>, vector<16xf32>,
    %mul3A_838 = arith.mulf %get3A_837, %get3A_833 : vector<16xf32>
    %get3A_839 = arith.constant 704 : index
    %get3A_840 = tpu.vector_load %arg8[%get3A_839] {strides = array<i32>} : memref<1280xf32, #tpu.memory_space<vmem>>, vector<16xf32>,
    %mul3A_841 = arith.mulf %get3A_840, %get3A_835 : vector<16xf32>
    %get3A_842 = arith.constant 768 : index
    %get3A_843 = tpu.vector_load %arg7[%get3A_842] {strides = array<i32>} : memref<2048xf32, #tpu.memory_space<vmem>>, vector<16xf32>,
    %get3A_844 = arith.constant 832 : index
    %get3A_845 = tpu.vector_load %arg7[%get3A_844] {strides = array<i32>} : memref<2048xf32, #tpu.memory_space<vmem>>, vector<16xf32>,
    %get3A_846 = arith.constant 896 : index
    %get3A_847 = tpu.vector_load %arg7[%get3A_846] {strides = array<i32>} : memref<2048xf32, #tpu.memory_space<vmem>>, vector<16xf32>,
    %get3A_848 = arith.constant 960 : index
    %get3A_849 = tpu.vector_load %arg7[%get3A_848] {strides = array<i32>} : memref<2048xf32, #tpu.memory_space<vmem>>, vector<16xf32>,
    %broadcast_in_dim3A_850 = arith.constant 0 : i32
    %broadcast_in_dim3A_851 = vector.broadcast %broadcast_in_dim3A_850 : i32 to vector<16xi32>
    %add3A_852 = arith.addf %get3A_845, %mul3A_841 : vector<16xf32>
    %add3A_853 = arith.addf %get3A_847, %mul3A_838 : vector<16xf32>
    %add3A_854 = arith.addf %get3A_849, %mul3A_841 : vector<16xf32>
    %add3A_855 = arith.addf %add3A_854, %mul3A_838 : vector<16xf32>
    %gt3A_856 = arith.cmpf ogt, %add3A_852, %get3A_843 : vector<16xf32>
    %broadcast_in_dim3A_857 = arith.constant 1 : i32
    %broadcast_in_dim3A_858 = vector.broadcast %broadcast_in_dim3A_857 : i32 to vector<16xi32>
    %select_n3A_859 = arith.select %gt3A_856, %broadcast_in_dim3A_858, %broadcast_in_dim3A_851 : vector<16xi1>, vector<16xi32>
    %max3A_860 = arith.maximumf %get3A_843, %add3A_852 : vector<16xf32>
    %gt3A_861 = arith.cmpf ogt, %add3A_853, %max3A_860 : vector<16xf32>
    %broadcast_in_dim3A_862 = arith.constant 2 : i32
    %broadcast_in_dim3A_863 = vector.broadcast %broadcast_in_dim3A_862 : i32 to vector<16xi32>
    %select_n3A_864 = arith.select %gt3A_861, %broadcast_in_dim3A_863, %select_n3A_859 : vector<16xi1>, vector<16xi32>
    %max3A_865 = arith.maximumf %max3A_860, %add3A_853 : vector<16xf32>
    %gt3A_866 = arith.cmpf ogt, %add3A_855, %max3A_865 : vector<16xf32>
    %broadcast_in_dim3A_867 = arith.constant 3 : i32
    %broadcast_in_dim3A_868 = vector.broadcast %broadcast_in_dim3A_867 : i32 to vector<16xi32>
    %select_n3A_869 = arith.select %gt3A_866, %broadcast_in_dim3A_868, %select_n3A_864 : vector<16xi1>, vector<16xi32>
    %max3A_870 = arith.maximumf %max3A_865, %add3A_855 : vector<16xf32>
    %ge3A_871 = arith.constant 2 : i32
    %ge3A_872 = vector.broadcast %ge3A_871 : i32 to vector<16xi32>
    %ge3A_873 = arith.cmpi sge, %select_n3A_869, %ge3A_872 : vector<16xi32>
    %jit3A_874 = arith.constant 1.000000e+00 : f32
    %jit3A_875 = arith.constant 0.000000e+00 : f32
    %broadcast_in_dim3A_876 = vector.broadcast %jit3A_874 : f32 to vector<16xf32>
    %broadcast_in_dim3A_877 = vector.broadcast %jit3A_875 : f32 to vector<16xf32>
    %select_n3A_878 = arith.select %ge3A_873, %broadcast_in_dim3A_876, %broadcast_in_dim3A_877 : vector<16xi1>, vector<16xf32>
    %and3A_879 = arith.constant 1 : i32
    %and3A_880 = vector.broadcast %and3A_879 : i32 to vector<16xi32>
    %and3A_881 = arith.andi %select_n3A_869, %and3A_880 : vector<16xi32>
    %eq3A_882 = arith.constant 1 : i32
    %eq3A_883 = vector.broadcast %eq3A_882 : i32 to vector<16xi32>
    %eq3A_884 = arith.cmpi eq, %and3A_881, %eq3A_883 : vector<16xi32>
    %jit3A_885 = arith.constant 1.000000e+00 : f32
    %jit3A_886 = arith.constant 0.000000e+00 : f32
    %broadcast_in_dim3A_887 = vector.broadcast %jit3A_885 : f32 to vector<16xf32>
    %broadcast_in_dim3A_888 = vector.broadcast %jit3A_886 : f32 to vector<16xf32>
    %select_n3A_889 = arith.select %eq3A_884, %broadcast_in_dim3A_887, %broadcast_in_dim3A_888 : vector<16xi1>, vector<16xf32>
    %add3A_890 = arith.constant 0 : i32
    %add3A_891 = vector.broadcast %add3A_890 : i32 to vector<16xi32>
    %add3A_892 = arith.addi %iota3A, %add3A_891 : vector<16xi32>
    %mul3A_893 = arith.constant 16 : i32
    %mul3A_894 = vector.broadcast %mul3A_893 : i32 to vector<16xi32>
    %mul3A_895 = arith.muli %add3A_892, %mul3A_894 : vector<16xi32>
    %add3A_896 = arith.constant 6 : i32
    %add3A_897 = vector.broadcast %add3A_896 : i32 to vector<16xi32>
    %add3A_898 = arith.addi %mul3A_895, %add3A_897 : vector<16xi32>
    tpu.vector_store_idx %arg10[%add3A_898], %select_n3A_878 : memref<1024xf32, #tpu.memory_space<vmem>>[vector<16xi32>], vector<16xf32>,
    %mul3A_899 = arith.constant 16 : i32
    %mul3A_900 = vector.broadcast %mul3A_899 : i32 to vector<16xi32>
    %mul3A_901 = arith.muli %add3A_892, %mul3A_900 : vector<16xi32>
    %add3A_902 = arith.constant 7 : i32
    %add3A_903 = vector.broadcast %add3A_902 : i32 to vector<16xi32>
    %add3A_904 = arith.addi %mul3A_901, %add3A_903 : vector<16xi32>
    tpu.vector_store_idx %arg10[%add3A_904], %select_n3A_889 : memref<1024xf32, #tpu.memory_space<vmem>>[vector<16xi32>], vector<16xf32>,
    %get3A_905 = arith.constant 208 : index
    %get3A_906 = tpu.vector_load %arg8[%get3A_905] {strides = array<i32>} : memref<1280xf32, #tpu.memory_space<vmem>>, vector<16xf32>,
    %mul3A_907 = arith.mulf %get3A_906, %get3A_833 : vector<16xf32>
    %get3A_908 = arith.constant 720 : index
    %get3A_909 = tpu.vector_load %arg8[%get3A_908] {strides = array<i32>} : memref<1280xf32, #tpu.memory_space<vmem>>, vector<16xf32>,
    %mul3A_910 = arith.mulf %get3A_909, %get3A_835 : vector<16xf32>
    %get3A_911 = arith.constant 784 : index
    %get3A_912 = tpu.vector_load %arg7[%get3A_911] {strides = array<i32>} : memref<2048xf32, #tpu.memory_space<vmem>>, vector<16xf32>,
    %get3A_913 = arith.constant 848 : index
    %get3A_914 = tpu.vector_load %arg7[%get3A_913] {strides = array<i32>} : memref<2048xf32, #tpu.memory_space<vmem>>, vector<16xf32>,
    %get3A_915 = arith.constant 912 : index
    %get3A_916 = tpu.vector_load %arg7[%get3A_915] {strides = array<i32>} : memref<2048xf32, #tpu.memory_space<vmem>>, vector<16xf32>,
    %get3A_917 = arith.constant 976 : index
    %get3A_918 = tpu.vector_load %arg7[%get3A_917] {strides = array<i32>} : memref<2048xf32, #tpu.memory_space<vmem>>, vector<16xf32>,
    %broadcast_in_dim3A_919 = arith.constant 0 : i32
    %broadcast_in_dim3A_920 = vector.broadcast %broadcast_in_dim3A_919 : i32 to vector<16xi32>
    %add3A_921 = arith.addf %get3A_914, %mul3A_910 : vector<16xf32>
    %add3A_922 = arith.addf %get3A_916, %mul3A_907 : vector<16xf32>
    %add3A_923 = arith.addf %get3A_918, %mul3A_910 : vector<16xf32>
    %add3A_924 = arith.addf %add3A_923, %mul3A_907 : vector<16xf32>
    %gt3A_925 = arith.cmpf ogt, %add3A_921, %get3A_912 : vector<16xf32>
    %broadcast_in_dim3A_926 = arith.constant 1 : i32
    %broadcast_in_dim3A_927 = vector.broadcast %broadcast_in_dim3A_926 : i32 to vector<16xi32>
    %select_n3A_928 = arith.select %gt3A_925, %broadcast_in_dim3A_927, %broadcast_in_dim3A_920 : vector<16xi1>, vector<16xi32>
    %max3A_929 = arith.maximumf %get3A_912, %add3A_921 : vector<16xf32>
    %gt3A_930 = arith.cmpf ogt, %add3A_922, %max3A_929 : vector<16xf32>
    %broadcast_in_dim3A_931 = arith.constant 2 : i32
    %broadcast_in_dim3A_932 = vector.broadcast %broadcast_in_dim3A_931 : i32 to vector<16xi32>
    %select_n3A_933 = arith.select %gt3A_930, %broadcast_in_dim3A_932, %select_n3A_928 : vector<16xi1>, vector<16xi32>
    %max3A_934 = arith.maximumf %max3A_929, %add3A_922 : vector<16xf32>
    %gt3A_935 = arith.cmpf ogt, %add3A_924, %max3A_934 : vector<16xf32>
    %broadcast_in_dim3A_936 = arith.constant 3 : i32
    %broadcast_in_dim3A_937 = vector.broadcast %broadcast_in_dim3A_936 : i32 to vector<16xi32>
    %select_n3A_938 = arith.select %gt3A_935, %broadcast_in_dim3A_937, %select_n3A_933 : vector<16xi1>, vector<16xi32>
    %max3A_939 = arith.maximumf %max3A_934, %add3A_924 : vector<16xf32>
    %ge3A_940 = arith.constant 2 : i32
    %ge3A_941 = vector.broadcast %ge3A_940 : i32 to vector<16xi32>
    %ge3A_942 = arith.cmpi sge, %select_n3A_938, %ge3A_941 : vector<16xi32>
    %jit3A_943 = arith.constant 1.000000e+00 : f32
    %jit3A_944 = arith.constant 0.000000e+00 : f32
    %broadcast_in_dim3A_945 = vector.broadcast %jit3A_943 : f32 to vector<16xf32>
    %broadcast_in_dim3A_946 = vector.broadcast %jit3A_944 : f32 to vector<16xf32>
    %select_n3A_947 = arith.select %ge3A_942, %broadcast_in_dim3A_945, %broadcast_in_dim3A_946 : vector<16xi1>, vector<16xf32>
    %and3A_948 = arith.constant 1 : i32
    %and3A_949 = vector.broadcast %and3A_948 : i32 to vector<16xi32>
    %and3A_950 = arith.andi %select_n3A_938, %and3A_949 : vector<16xi32>
    %eq3A_951 = arith.constant 1 : i32
    %eq3A_952 = vector.broadcast %eq3A_951 : i32 to vector<16xi32>
    %eq3A_953 = arith.cmpi eq, %and3A_950, %eq3A_952 : vector<16xi32>
    %jit3A_954 = arith.constant 1.000000e+00 : f32
    %jit3A_955 = arith.constant 0.000000e+00 : f32
    %broadcast_in_dim3A_956 = vector.broadcast %jit3A_954 : f32 to vector<16xf32>
    %broadcast_in_dim3A_957 = vector.broadcast %jit3A_955 : f32 to vector<16xf32>
    %select_n3A_958 = arith.select %eq3A_953, %broadcast_in_dim3A_956, %broadcast_in_dim3A_957 : vector<16xi1>, vector<16xf32>
    %add3A_959 = arith.constant 16 : i32
    %add3A_960 = vector.broadcast %add3A_959 : i32 to vector<16xi32>
    %add3A_961 = arith.addi %iota3A, %add3A_960 : vector<16xi32>
    %mul3A_962 = arith.constant 16 : i32
    %mul3A_963 = vector.broadcast %mul3A_962 : i32 to vector<16xi32>
    %mul3A_964 = arith.muli %add3A_961, %mul3A_963 : vector<16xi32>
    %add3A_965 = arith.constant 6 : i32
    %add3A_966 = vector.broadcast %add3A_965 : i32 to vector<16xi32>
    %add3A_967 = arith.addi %mul3A_964, %add3A_966 : vector<16xi32>
    tpu.vector_store_idx %arg10[%add3A_967], %select_n3A_947 : memref<1024xf32, #tpu.memory_space<vmem>>[vector<16xi32>], vector<16xf32>,
    %mul3A_968 = arith.constant 16 : i32
    %mul3A_969 = vector.broadcast %mul3A_968 : i32 to vector<16xi32>
    %mul3A_970 = arith.muli %add3A_961, %mul3A_969 : vector<16xi32>
    %add3A_971 = arith.constant 7 : i32
    %add3A_972 = vector.broadcast %add3A_971 : i32 to vector<16xi32>
    %add3A_973 = arith.addi %mul3A_970, %add3A_972 : vector<16xi32>
    tpu.vector_store_idx %arg10[%add3A_973], %select_n3A_958 : memref<1024xf32, #tpu.memory_space<vmem>>[vector<16xi32>], vector<16xf32>,
    %get3A_974 = arith.constant 224 : index
    %get3A_975 = tpu.vector_load %arg8[%get3A_974] {strides = array<i32>} : memref<1280xf32, #tpu.memory_space<vmem>>, vector<16xf32>,
    %mul3A_976 = arith.mulf %get3A_975, %get3A_833 : vector<16xf32>
    %get3A_977 = arith.constant 736 : index
    %get3A_978 = tpu.vector_load %arg8[%get3A_977] {strides = array<i32>} : memref<1280xf32, #tpu.memory_space<vmem>>, vector<16xf32>,
    %mul3A_979 = arith.mulf %get3A_978, %get3A_835 : vector<16xf32>
    %get3A_980 = arith.constant 800 : index
    %get3A_981 = tpu.vector_load %arg7[%get3A_980] {strides = array<i32>} : memref<2048xf32, #tpu.memory_space<vmem>>, vector<16xf32>,
    %get3A_982 = arith.constant 864 : index
    %get3A_983 = tpu.vector_load %arg7[%get3A_982] {strides = array<i32>} : memref<2048xf32, #tpu.memory_space<vmem>>, vector<16xf32>,
    %get3A_984 = arith.constant 928 : index
    %get3A_985 = tpu.vector_load %arg7[%get3A_984] {strides = array<i32>} : memref<2048xf32, #tpu.memory_space<vmem>>, vector<16xf32>,
    %get3A_986 = arith.constant 992 : index
    %get3A_987 = tpu.vector_load %arg7[%get3A_986] {strides = array<i32>} : memref<2048xf32, #tpu.memory_space<vmem>>, vector<16xf32>,
    %broadcast_in_dim3A_988 = arith.constant 0 : i32
    %broadcast_in_dim3A_989 = vector.broadcast %broadcast_in_dim3A_988 : i32 to vector<16xi32>
    %add3A_990 = arith.addf %get3A_983, %mul3A_979 : vector<16xf32>
    %add3A_991 = arith.addf %get3A_985, %mul3A_976 : vector<16xf32>
    %add3A_992 = arith.addf %get3A_987, %mul3A_979 : vector<16xf32>
    %add3A_993 = arith.addf %add3A_992, %mul3A_976 : vector<16xf32>
    %gt3A_994 = arith.cmpf ogt, %add3A_990, %get3A_981 : vector<16xf32>
    %broadcast_in_dim3A_995 = arith.constant 1 : i32
    %broadcast_in_dim3A_996 = vector.broadcast %broadcast_in_dim3A_995 : i32 to vector<16xi32>
    %select_n3A_997 = arith.select %gt3A_994, %broadcast_in_dim3A_996, %broadcast_in_dim3A_989 : vector<16xi1>, vector<16xi32>
    %max3A_998 = arith.maximumf %get3A_981, %add3A_990 : vector<16xf32>
    %gt3A_999 = arith.cmpf ogt, %add3A_991, %max3A_998 : vector<16xf32>
    %broadcast_in_dim3A_1000 = arith.constant 2 : i32
    %broadcast_in_dim3A_1001 = vector.broadcast %broadcast_in_dim3A_1000 : i32 to vector<16xi32>
    %select_n3A_1002 = arith.select %gt3A_999, %broadcast_in_dim3A_1001, %select_n3A_997 : vector<16xi1>, vector<16xi32>
    %max3A_1003 = arith.maximumf %max3A_998, %add3A_991 : vector<16xf32>
    %gt3A_1004 = arith.cmpf ogt, %add3A_993, %max3A_1003 : vector<16xf32>
    %broadcast_in_dim3A_1005 = arith.constant 3 : i32
    %broadcast_in_dim3A_1006 = vector.broadcast %broadcast_in_dim3A_1005 : i32 to vector<16xi32>
    %select_n3A_1007 = arith.select %gt3A_1004, %broadcast_in_dim3A_1006, %select_n3A_1002 : vector<16xi1>, vector<16xi32>
    %max3A_1008 = arith.maximumf %max3A_1003, %add3A_993 : vector<16xf32>
    %ge3A_1009 = arith.constant 2 : i32
    %ge3A_1010 = vector.broadcast %ge3A_1009 : i32 to vector<16xi32>
    %ge3A_1011 = arith.cmpi sge, %select_n3A_1007, %ge3A_1010 : vector<16xi32>
    %jit3A_1012 = arith.constant 1.000000e+00 : f32
    %jit3A_1013 = arith.constant 0.000000e+00 : f32
    %broadcast_in_dim3A_1014 = vector.broadcast %jit3A_1012 : f32 to vector<16xf32>
    %broadcast_in_dim3A_1015 = vector.broadcast %jit3A_1013 : f32 to vector<16xf32>
    %select_n3A_1016 = arith.select %ge3A_1011, %broadcast_in_dim3A_1014, %broadcast_in_dim3A_1015 : vector<16xi1>, vector<16xf32>
    %and3A_1017 = arith.constant 1 : i32
    %and3A_1018 = vector.broadcast %and3A_1017 : i32 to vector<16xi32>
    %and3A_1019 = arith.andi %select_n3A_1007, %and3A_1018 : vector<16xi32>
    %eq3A_1020 = arith.constant 1 : i32
    %eq3A_1021 = vector.broadcast %eq3A_1020 : i32 to vector<16xi32>
    %eq3A_1022 = arith.cmpi eq, %and3A_1019, %eq3A_1021 : vector<16xi32>
    %jit3A_1023 = arith.constant 1.000000e+00 : f32
    %jit3A_1024 = arith.constant 0.000000e+00 : f32
    %broadcast_in_dim3A_1025 = vector.broadcast %jit3A_1023 : f32 to vector<16xf32>
    %broadcast_in_dim3A_1026 = vector.broadcast %jit3A_1024 : f32 to vector<16xf32>
    %select_n3A_1027 = arith.select %eq3A_1022, %broadcast_in_dim3A_1025, %broadcast_in_dim3A_1026 : vector<16xi1>, vector<16xf32>
    %add3A_1028 = arith.constant 32 : i32
    %add3A_1029 = vector.broadcast %add3A_1028 : i32 to vector<16xi32>
    %add3A_1030 = arith.addi %iota3A, %add3A_1029 : vector<16xi32>
    %mul3A_1031 = arith.constant 16 : i32
    %mul3A_1032 = vector.broadcast %mul3A_1031 : i32 to vector<16xi32>
    %mul3A_1033 = arith.muli %add3A_1030, %mul3A_1032 : vector<16xi32>
    %add3A_1034 = arith.constant 6 : i32
    %add3A_1035 = vector.broadcast %add3A_1034 : i32 to vector<16xi32>
    %add3A_1036 = arith.addi %mul3A_1033, %add3A_1035 : vector<16xi32>
    tpu.vector_store_idx %arg10[%add3A_1036], %select_n3A_1016 : memref<1024xf32, #tpu.memory_space<vmem>>[vector<16xi32>], vector<16xf32>,
    %mul3A_1037 = arith.constant 16 : i32
    %mul3A_1038 = vector.broadcast %mul3A_1037 : i32 to vector<16xi32>
    %mul3A_1039 = arith.muli %add3A_1030, %mul3A_1038 : vector<16xi32>
    %add3A_1040 = arith.constant 7 : i32
    %add3A_1041 = vector.broadcast %add3A_1040 : i32 to vector<16xi32>
    %add3A_1042 = arith.addi %mul3A_1039, %add3A_1041 : vector<16xi32>
    tpu.vector_store_idx %arg10[%add3A_1042], %select_n3A_1027 : memref<1024xf32, #tpu.memory_space<vmem>>[vector<16xi32>], vector<16xf32>,
    %get3A_1043 = arith.constant 240 : index
    %get3A_1044 = tpu.vector_load %arg8[%get3A_1043] {strides = array<i32>} : memref<1280xf32, #tpu.memory_space<vmem>>, vector<16xf32>,
    %mul3A_1045 = arith.mulf %get3A_1044, %get3A_833 : vector<16xf32>
    %get3A_1046 = arith.constant 752 : index
    %get3A_1047 = tpu.vector_load %arg8[%get3A_1046] {strides = array<i32>} : memref<1280xf32, #tpu.memory_space<vmem>>, vector<16xf32>,
    %mul3A_1048 = arith.mulf %get3A_1047, %get3A_835 : vector<16xf32>
    %get3A_1049 = arith.constant 816 : index
    %get3A_1050 = tpu.vector_load %arg7[%get3A_1049] {strides = array<i32>} : memref<2048xf32, #tpu.memory_space<vmem>>, vector<16xf32>,
    %get3A_1051 = arith.constant 880 : index
    %get3A_1052 = tpu.vector_load %arg7[%get3A_1051] {strides = array<i32>} : memref<2048xf32, #tpu.memory_space<vmem>>, vector<16xf32>,
    %get3A_1053 = arith.constant 944 : index
    %get3A_1054 = tpu.vector_load %arg7[%get3A_1053] {strides = array<i32>} : memref<2048xf32, #tpu.memory_space<vmem>>, vector<16xf32>,
    %get3A_1055 = arith.constant 1008 : index
    %get3A_1056 = tpu.vector_load %arg7[%get3A_1055] {strides = array<i32>} : memref<2048xf32, #tpu.memory_space<vmem>>, vector<16xf32>,
    %broadcast_in_dim3A_1057 = arith.constant 0 : i32
    %broadcast_in_dim3A_1058 = vector.broadcast %broadcast_in_dim3A_1057 : i32 to vector<16xi32>
    %add3A_1059 = arith.addf %get3A_1052, %mul3A_1048 : vector<16xf32>
    %add3A_1060 = arith.addf %get3A_1054, %mul3A_1045 : vector<16xf32>
    %add3A_1061 = arith.addf %get3A_1056, %mul3A_1048 : vector<16xf32>
    %add3A_1062 = arith.addf %add3A_1061, %mul3A_1045 : vector<16xf32>
    %gt3A_1063 = arith.cmpf ogt, %add3A_1059, %get3A_1050 : vector<16xf32>
    %broadcast_in_dim3A_1064 = arith.constant 1 : i32
    %broadcast_in_dim3A_1065 = vector.broadcast %broadcast_in_dim3A_1064 : i32 to vector<16xi32>
    %select_n3A_1066 = arith.select %gt3A_1063, %broadcast_in_dim3A_1065, %broadcast_in_dim3A_1058 : vector<16xi1>, vector<16xi32>
    %max3A_1067 = arith.maximumf %get3A_1050, %add3A_1059 : vector<16xf32>
    %gt3A_1068 = arith.cmpf ogt, %add3A_1060, %max3A_1067 : vector<16xf32>
    %broadcast_in_dim3A_1069 = arith.constant 2 : i32
    %broadcast_in_dim3A_1070 = vector.broadcast %broadcast_in_dim3A_1069 : i32 to vector<16xi32>
    %select_n3A_1071 = arith.select %gt3A_1068, %broadcast_in_dim3A_1070, %select_n3A_1066 : vector<16xi1>, vector<16xi32>
    %max3A_1072 = arith.maximumf %max3A_1067, %add3A_1060 : vector<16xf32>
    %gt3A_1073 = arith.cmpf ogt, %add3A_1062, %max3A_1072 : vector<16xf32>
    %broadcast_in_dim3A_1074 = arith.constant 3 : i32
    %broadcast_in_dim3A_1075 = vector.broadcast %broadcast_in_dim3A_1074 : i32 to vector<16xi32>
    %select_n3A_1076 = arith.select %gt3A_1073, %broadcast_in_dim3A_1075, %select_n3A_1071 : vector<16xi1>, vector<16xi32>
    %max3A_1077 = arith.maximumf %max3A_1072, %add3A_1062 : vector<16xf32>
    %ge3A_1078 = arith.constant 2 : i32
    %ge3A_1079 = vector.broadcast %ge3A_1078 : i32 to vector<16xi32>
    %ge3A_1080 = arith.cmpi sge, %select_n3A_1076, %ge3A_1079 : vector<16xi32>
    %jit3A_1081 = arith.constant 1.000000e+00 : f32
    %jit3A_1082 = arith.constant 0.000000e+00 : f32
    %broadcast_in_dim3A_1083 = vector.broadcast %jit3A_1081 : f32 to vector<16xf32>
    %broadcast_in_dim3A_1084 = vector.broadcast %jit3A_1082 : f32 to vector<16xf32>
    %select_n3A_1085 = arith.select %ge3A_1080, %broadcast_in_dim3A_1083, %broadcast_in_dim3A_1084 : vector<16xi1>, vector<16xf32>
    %and3A_1086 = arith.constant 1 : i32
    %and3A_1087 = vector.broadcast %and3A_1086 : i32 to vector<16xi32>
    %and3A_1088 = arith.andi %select_n3A_1076, %and3A_1087 : vector<16xi32>
    %eq3A_1089 = arith.constant 1 : i32
    %eq3A_1090 = vector.broadcast %eq3A_1089 : i32 to vector<16xi32>
    %eq3A_1091 = arith.cmpi eq, %and3A_1088, %eq3A_1090 : vector<16xi32>
    %jit3A_1092 = arith.constant 1.000000e+00 : f32
    %jit3A_1093 = arith.constant 0.000000e+00 : f32
    %broadcast_in_dim3A_1094 = vector.broadcast %jit3A_1092 : f32 to vector<16xf32>
    %broadcast_in_dim3A_1095 = vector.broadcast %jit3A_1093 : f32 to vector<16xf32>
    %select_n3A_1096 = arith.select %eq3A_1091, %broadcast_in_dim3A_1094, %broadcast_in_dim3A_1095 : vector<16xi1>, vector<16xf32>
    %add3A_1097 = arith.constant 48 : i32
    %add3A_1098 = vector.broadcast %add3A_1097 : i32 to vector<16xi32>
    %add3A_1099 = arith.addi %iota3A, %add3A_1098 : vector<16xi32>
    %mul3A_1100 = arith.constant 16 : i32
    %mul3A_1101 = vector.broadcast %mul3A_1100 : i32 to vector<16xi32>
    %mul3A_1102 = arith.muli %add3A_1099, %mul3A_1101 : vector<16xi32>
    %add3A_1103 = arith.constant 6 : i32
    %add3A_1104 = vector.broadcast %add3A_1103 : i32 to vector<16xi32>
    %add3A_1105 = arith.addi %mul3A_1102, %add3A_1104 : vector<16xi32>
    tpu.vector_store_idx %arg10[%add3A_1105], %select_n3A_1085 : memref<1024xf32, #tpu.memory_space<vmem>>[vector<16xi32>], vector<16xf32>,
    %mul3A_1106 = arith.constant 16 : i32
    %mul3A_1107 = vector.broadcast %mul3A_1106 : i32 to vector<16xi32>
    %mul3A_1108 = arith.muli %add3A_1099, %mul3A_1107 : vector<16xi32>
    %add3A_1109 = arith.constant 7 : i32
    %add3A_1110 = vector.broadcast %add3A_1109 : i32 to vector<16xi32>
    %add3A_1111 = arith.addi %mul3A_1108, %add3A_1110 : vector<16xi32>
    tpu.vector_store_idx %arg10[%add3A_1111], %select_n3A_1096 : memref<1024xf32, #tpu.memory_space<vmem>>[vector<16xi32>], vector<16xf32>,
    %get3A_1112 = arith.constant 1088 : index
    %get3A_1113 = tpu.vector_load %arg8[%get3A_1112] {strides = array<i32>} : memref<1280xf32, #tpu.memory_space<vmem>>, vector<16xf32>,
    %get3A_1114 = arith.constant 1216 : index
    %get3A_1115 = tpu.vector_load %arg8[%get3A_1114] {strides = array<i32>} : memref<1280xf32, #tpu.memory_space<vmem>>, vector<16xf32>,
    %get3A_1116 = arith.constant 256 : index
    %get3A_1117 = tpu.vector_load %arg8[%get3A_1116] {strides = array<i32>} : memref<1280xf32, #tpu.memory_space<vmem>>, vector<16xf32>,
    %mul3A_1118 = arith.mulf %get3A_1117, %get3A_1113 : vector<16xf32>
    %get3A_1119 = arith.constant 768 : index
    %get3A_1120 = tpu.vector_load %arg8[%get3A_1119] {strides = array<i32>} : memref<1280xf32, #tpu.memory_space<vmem>>, vector<16xf32>,
    %mul3A_1121 = arith.mulf %get3A_1120, %get3A_1115 : vector<16xf32>
    %get3A_1122 = arith.constant 1024 : index
    %get3A_1123 = tpu.vector_load %arg7[%get3A_1122] {strides = array<i32>} : memref<2048xf32, #tpu.memory_space<vmem>>, vector<16xf32>,
    %get3A_1124 = arith.constant 1088 : index
    %get3A_1125 = tpu.vector_load %arg7[%get3A_1124] {strides = array<i32>} : memref<2048xf32, #tpu.memory_space<vmem>>, vector<16xf32>,
    %get3A_1126 = arith.constant 1152 : index
    %get3A_1127 = tpu.vector_load %arg7[%get3A_1126] {strides = array<i32>} : memref<2048xf32, #tpu.memory_space<vmem>>, vector<16xf32>,
    %get3A_1128 = arith.constant 1216 : index
    %get3A_1129 = tpu.vector_load %arg7[%get3A_1128] {strides = array<i32>} : memref<2048xf32, #tpu.memory_space<vmem>>, vector<16xf32>,
    %broadcast_in_dim3A_1130 = arith.constant 0 : i32
    %broadcast_in_dim3A_1131 = vector.broadcast %broadcast_in_dim3A_1130 : i32 to vector<16xi32>
    %add3A_1132 = arith.addf %get3A_1125, %mul3A_1121 : vector<16xf32>
    %add3A_1133 = arith.addf %get3A_1127, %mul3A_1118 : vector<16xf32>
    %add3A_1134 = arith.addf %get3A_1129, %mul3A_1121 : vector<16xf32>
    %add3A_1135 = arith.addf %add3A_1134, %mul3A_1118 : vector<16xf32>
    %gt3A_1136 = arith.cmpf ogt, %add3A_1132, %get3A_1123 : vector<16xf32>
    %broadcast_in_dim3A_1137 = arith.constant 1 : i32
    %broadcast_in_dim3A_1138 = vector.broadcast %broadcast_in_dim3A_1137 : i32 to vector<16xi32>
    %select_n3A_1139 = arith.select %gt3A_1136, %broadcast_in_dim3A_1138, %broadcast_in_dim3A_1131 : vector<16xi1>, vector<16xi32>
    %max3A_1140 = arith.maximumf %get3A_1123, %add3A_1132 : vector<16xf32>
    %gt3A_1141 = arith.cmpf ogt, %add3A_1133, %max3A_1140 : vector<16xf32>
    %broadcast_in_dim3A_1142 = arith.constant 2 : i32
    %broadcast_in_dim3A_1143 = vector.broadcast %broadcast_in_dim3A_1142 : i32 to vector<16xi32>
    %select_n3A_1144 = arith.select %gt3A_1141, %broadcast_in_dim3A_1143, %select_n3A_1139 : vector<16xi1>, vector<16xi32>
    %max3A_1145 = arith.maximumf %max3A_1140, %add3A_1133 : vector<16xf32>
    %gt3A_1146 = arith.cmpf ogt, %add3A_1135, %max3A_1145 : vector<16xf32>
    %broadcast_in_dim3A_1147 = arith.constant 3 : i32
    %broadcast_in_dim3A_1148 = vector.broadcast %broadcast_in_dim3A_1147 : i32 to vector<16xi32>
    %select_n3A_1149 = arith.select %gt3A_1146, %broadcast_in_dim3A_1148, %select_n3A_1144 : vector<16xi1>, vector<16xi32>
    %max3A_1150 = arith.maximumf %max3A_1145, %add3A_1135 : vector<16xf32>
    %ge3A_1151 = arith.constant 2 : i32
    %ge3A_1152 = vector.broadcast %ge3A_1151 : i32 to vector<16xi32>
    %ge3A_1153 = arith.cmpi sge, %select_n3A_1149, %ge3A_1152 : vector<16xi32>
    %jit3A_1154 = arith.constant 1.000000e+00 : f32
    %jit3A_1155 = arith.constant 0.000000e+00 : f32
    %broadcast_in_dim3A_1156 = vector.broadcast %jit3A_1154 : f32 to vector<16xf32>
    %broadcast_in_dim3A_1157 = vector.broadcast %jit3A_1155 : f32 to vector<16xf32>
    %select_n3A_1158 = arith.select %ge3A_1153, %broadcast_in_dim3A_1156, %broadcast_in_dim3A_1157 : vector<16xi1>, vector<16xf32>
    %and3A_1159 = arith.constant 1 : i32
    %and3A_1160 = vector.broadcast %and3A_1159 : i32 to vector<16xi32>
    %and3A_1161 = arith.andi %select_n3A_1149, %and3A_1160 : vector<16xi32>
    %eq3A_1162 = arith.constant 1 : i32
    %eq3A_1163 = vector.broadcast %eq3A_1162 : i32 to vector<16xi32>
    %eq3A_1164 = arith.cmpi eq, %and3A_1161, %eq3A_1163 : vector<16xi32>
    %jit3A_1165 = arith.constant 1.000000e+00 : f32
    %jit3A_1166 = arith.constant 0.000000e+00 : f32
    %broadcast_in_dim3A_1167 = vector.broadcast %jit3A_1165 : f32 to vector<16xf32>
    %broadcast_in_dim3A_1168 = vector.broadcast %jit3A_1166 : f32 to vector<16xf32>
    %select_n3A_1169 = arith.select %eq3A_1164, %broadcast_in_dim3A_1167, %broadcast_in_dim3A_1168 : vector<16xi1>, vector<16xf32>
    %add3A_1170 = arith.constant 0 : i32
    %add3A_1171 = vector.broadcast %add3A_1170 : i32 to vector<16xi32>
    %add3A_1172 = arith.addi %iota3A, %add3A_1171 : vector<16xi32>
    %mul3A_1173 = arith.constant 16 : i32
    %mul3A_1174 = vector.broadcast %mul3A_1173 : i32 to vector<16xi32>
    %mul3A_1175 = arith.muli %add3A_1172, %mul3A_1174 : vector<16xi32>
    %add3A_1176 = arith.constant 8 : i32
    %add3A_1177 = vector.broadcast %add3A_1176 : i32 to vector<16xi32>
    %add3A_1178 = arith.addi %mul3A_1175, %add3A_1177 : vector<16xi32>
    tpu.vector_store_idx %arg10[%add3A_1178], %select_n3A_1158 : memref<1024xf32, #tpu.memory_space<vmem>>[vector<16xi32>], vector<16xf32>,
    %mul3A_1179 = arith.constant 16 : i32
    %mul3A_1180 = vector.broadcast %mul3A_1179 : i32 to vector<16xi32>
    %mul3A_1181 = arith.muli %add3A_1172, %mul3A_1180 : vector<16xi32>
    %add3A_1182 = arith.constant 9 : i32
    %add3A_1183 = vector.broadcast %add3A_1182 : i32 to vector<16xi32>
    %add3A_1184 = arith.addi %mul3A_1181, %add3A_1183 : vector<16xi32>
    tpu.vector_store_idx %arg10[%add3A_1184], %select_n3A_1169 : memref<1024xf32, #tpu.memory_space<vmem>>[vector<16xi32>], vector<16xf32>,
    %get3A_1185 = arith.constant 272 : index
    %get3A_1186 = tpu.vector_load %arg8[%get3A_1185] {strides = array<i32>} : memref<1280xf32, #tpu.memory_space<vmem>>, vector<16xf32>,
    %mul3A_1187 = arith.mulf %get3A_1186, %get3A_1113 : vector<16xf32>
    %get3A_1188 = arith.constant 784 : index
    %get3A_1189 = tpu.vector_load %arg8[%get3A_1188] {strides = array<i32>} : memref<1280xf32, #tpu.memory_space<vmem>>, vector<16xf32>,
    %mul3A_1190 = arith.mulf %get3A_1189, %get3A_1115 : vector<16xf32>
    %get3A_1191 = arith.constant 1040 : index
    %get3A_1192 = tpu.vector_load %arg7[%get3A_1191] {strides = array<i32>} : memref<2048xf32, #tpu.memory_space<vmem>>, vector<16xf32>,
    %get3A_1193 = arith.constant 1104 : index
    %get3A_1194 = tpu.vector_load %arg7[%get3A_1193] {strides = array<i32>} : memref<2048xf32, #tpu.memory_space<vmem>>, vector<16xf32>,
    %get3A_1195 = arith.constant 1168 : index
    %get3A_1196 = tpu.vector_load %arg7[%get3A_1195] {strides = array<i32>} : memref<2048xf32, #tpu.memory_space<vmem>>, vector<16xf32>,
    %get3A_1197 = arith.constant 1232 : index
    %get3A_1198 = tpu.vector_load %arg7[%get3A_1197] {strides = array<i32>} : memref<2048xf32, #tpu.memory_space<vmem>>, vector<16xf32>,
    %broadcast_in_dim3A_1199 = arith.constant 0 : i32
    %broadcast_in_dim3A_1200 = vector.broadcast %broadcast_in_dim3A_1199 : i32 to vector<16xi32>
    %add3A_1201 = arith.addf %get3A_1194, %mul3A_1190 : vector<16xf32>
    %add3A_1202 = arith.addf %get3A_1196, %mul3A_1187 : vector<16xf32>
    %add3A_1203 = arith.addf %get3A_1198, %mul3A_1190 : vector<16xf32>
    %add3A_1204 = arith.addf %add3A_1203, %mul3A_1187 : vector<16xf32>
    %gt3A_1205 = arith.cmpf ogt, %add3A_1201, %get3A_1192 : vector<16xf32>
    %broadcast_in_dim3A_1206 = arith.constant 1 : i32
    %broadcast_in_dim3A_1207 = vector.broadcast %broadcast_in_dim3A_1206 : i32 to vector<16xi32>
    %select_n3A_1208 = arith.select %gt3A_1205, %broadcast_in_dim3A_1207, %broadcast_in_dim3A_1200 : vector<16xi1>, vector<16xi32>
    %max3A_1209 = arith.maximumf %get3A_1192, %add3A_1201 : vector<16xf32>
    %gt3A_1210 = arith.cmpf ogt, %add3A_1202, %max3A_1209 : vector<16xf32>
    %broadcast_in_dim3A_1211 = arith.constant 2 : i32
    %broadcast_in_dim3A_1212 = vector.broadcast %broadcast_in_dim3A_1211 : i32 to vector<16xi32>
    %select_n3A_1213 = arith.select %gt3A_1210, %broadcast_in_dim3A_1212, %select_n3A_1208 : vector<16xi1>, vector<16xi32>
    %max3A_1214 = arith.maximumf %max3A_1209, %add3A_1202 : vector<16xf32>
    %gt3A_1215 = arith.cmpf ogt, %add3A_1204, %max3A_1214 : vector<16xf32>
    %broadcast_in_dim3A_1216 = arith.constant 3 : i32
    %broadcast_in_dim3A_1217 = vector.broadcast %broadcast_in_dim3A_1216 : i32 to vector<16xi32>
    %select_n3A_1218 = arith.select %gt3A_1215, %broadcast_in_dim3A_1217, %select_n3A_1213 : vector<16xi1>, vector<16xi32>
    %max3A_1219 = arith.maximumf %max3A_1214, %add3A_1204 : vector<16xf32>
    %ge3A_1220 = arith.constant 2 : i32
    %ge3A_1221 = vector.broadcast %ge3A_1220 : i32 to vector<16xi32>
    %ge3A_1222 = arith.cmpi sge, %select_n3A_1218, %ge3A_1221 : vector<16xi32>
    %jit3A_1223 = arith.constant 1.000000e+00 : f32
    %jit3A_1224 = arith.constant 0.000000e+00 : f32
    %broadcast_in_dim3A_1225 = vector.broadcast %jit3A_1223 : f32 to vector<16xf32>
    %broadcast_in_dim3A_1226 = vector.broadcast %jit3A_1224 : f32 to vector<16xf32>
    %select_n3A_1227 = arith.select %ge3A_1222, %broadcast_in_dim3A_1225, %broadcast_in_dim3A_1226 : vector<16xi1>, vector<16xf32>
    %and3A_1228 = arith.constant 1 : i32
    %and3A_1229 = vector.broadcast %and3A_1228 : i32 to vector<16xi32>
    %and3A_1230 = arith.andi %select_n3A_1218, %and3A_1229 : vector<16xi32>
    %eq3A_1231 = arith.constant 1 : i32
    %eq3A_1232 = vector.broadcast %eq3A_1231 : i32 to vector<16xi32>
    %eq3A_1233 = arith.cmpi eq, %and3A_1230, %eq3A_1232 : vector<16xi32>
    %jit3A_1234 = arith.constant 1.000000e+00 : f32
    %jit3A_1235 = arith.constant 0.000000e+00 : f32
    %broadcast_in_dim3A_1236 = vector.broadcast %jit3A_1234 : f32 to vector<16xf32>
    %broadcast_in_dim3A_1237 = vector.broadcast %jit3A_1235 : f32 to vector<16xf32>
    %select_n3A_1238 = arith.select %eq3A_1233, %broadcast_in_dim3A_1236, %broadcast_in_dim3A_1237 : vector<16xi1>, vector<16xf32>
    %add3A_1239 = arith.constant 16 : i32
    %add3A_1240 = vector.broadcast %add3A_1239 : i32 to vector<16xi32>
    %add3A_1241 = arith.addi %iota3A, %add3A_1240 : vector<16xi32>
    %mul3A_1242 = arith.constant 16 : i32
    %mul3A_1243 = vector.broadcast %mul3A_1242 : i32 to vector<16xi32>
    %mul3A_1244 = arith.muli %add3A_1241, %mul3A_1243 : vector<16xi32>
    %add3A_1245 = arith.constant 8 : i32
    %add3A_1246 = vector.broadcast %add3A_1245 : i32 to vector<16xi32>
    %add3A_1247 = arith.addi %mul3A_1244, %add3A_1246 : vector<16xi32>
    tpu.vector_store_idx %arg10[%add3A_1247], %select_n3A_1227 : memref<1024xf32, #tpu.memory_space<vmem>>[vector<16xi32>], vector<16xf32>,
    %mul3A_1248 = arith.constant 16 : i32
    %mul3A_1249 = vector.broadcast %mul3A_1248 : i32 to vector<16xi32>
    %mul3A_1250 = arith.muli %add3A_1241, %mul3A_1249 : vector<16xi32>
    %add3A_1251 = arith.constant 9 : i32
    %add3A_1252 = vector.broadcast %add3A_1251 : i32 to vector<16xi32>
    %add3A_1253 = arith.addi %mul3A_1250, %add3A_1252 : vector<16xi32>
    tpu.vector_store_idx %arg10[%add3A_1253], %select_n3A_1238 : memref<1024xf32, #tpu.memory_space<vmem>>[vector<16xi32>], vector<16xf32>,
    %get3A_1254 = arith.constant 288 : index
    %get3A_1255 = tpu.vector_load %arg8[%get3A_1254] {strides = array<i32>} : memref<1280xf32, #tpu.memory_space<vmem>>, vector<16xf32>,
    %mul3A_1256 = arith.mulf %get3A_1255, %get3A_1113 : vector<16xf32>
    %get3A_1257 = arith.constant 800 : index
    %get3A_1258 = tpu.vector_load %arg8[%get3A_1257] {strides = array<i32>} : memref<1280xf32, #tpu.memory_space<vmem>>, vector<16xf32>,
    %mul3A_1259 = arith.mulf %get3A_1258, %get3A_1115 : vector<16xf32>
    %get3A_1260 = arith.constant 1056 : index
    %get3A_1261 = tpu.vector_load %arg7[%get3A_1260] {strides = array<i32>} : memref<2048xf32, #tpu.memory_space<vmem>>, vector<16xf32>,
    %get3A_1262 = arith.constant 1120 : index
    %get3A_1263 = tpu.vector_load %arg7[%get3A_1262] {strides = array<i32>} : memref<2048xf32, #tpu.memory_space<vmem>>, vector<16xf32>,
    %get3A_1264 = arith.constant 1184 : index
    %get3A_1265 = tpu.vector_load %arg7[%get3A_1264] {strides = array<i32>} : memref<2048xf32, #tpu.memory_space<vmem>>, vector<16xf32>,
    %get3A_1266 = arith.constant 1248 : index
    %get3A_1267 = tpu.vector_load %arg7[%get3A_1266] {strides = array<i32>} : memref<2048xf32, #tpu.memory_space<vmem>>, vector<16xf32>,
    %broadcast_in_dim3A_1268 = arith.constant 0 : i32
    %broadcast_in_dim3A_1269 = vector.broadcast %broadcast_in_dim3A_1268 : i32 to vector<16xi32>
    %add3A_1270 = arith.addf %get3A_1263, %mul3A_1259 : vector<16xf32>
    %add3A_1271 = arith.addf %get3A_1265, %mul3A_1256 : vector<16xf32>
    %add3A_1272 = arith.addf %get3A_1267, %mul3A_1259 : vector<16xf32>
    %add3A_1273 = arith.addf %add3A_1272, %mul3A_1256 : vector<16xf32>
    %gt3A_1274 = arith.cmpf ogt, %add3A_1270, %get3A_1261 : vector<16xf32>
    %broadcast_in_dim3A_1275 = arith.constant 1 : i32
    %broadcast_in_dim3A_1276 = vector.broadcast %broadcast_in_dim3A_1275 : i32 to vector<16xi32>
    %select_n3A_1277 = arith.select %gt3A_1274, %broadcast_in_dim3A_1276, %broadcast_in_dim3A_1269 : vector<16xi1>, vector<16xi32>
    %max3A_1278 = arith.maximumf %get3A_1261, %add3A_1270 : vector<16xf32>
    %gt3A_1279 = arith.cmpf ogt, %add3A_1271, %max3A_1278 : vector<16xf32>
    %broadcast_in_dim3A_1280 = arith.constant 2 : i32
    %broadcast_in_dim3A_1281 = vector.broadcast %broadcast_in_dim3A_1280 : i32 to vector<16xi32>
    %select_n3A_1282 = arith.select %gt3A_1279, %broadcast_in_dim3A_1281, %select_n3A_1277 : vector<16xi1>, vector<16xi32>
    %max3A_1283 = arith.maximumf %max3A_1278, %add3A_1271 : vector<16xf32>
    %gt3A_1284 = arith.cmpf ogt, %add3A_1273, %max3A_1283 : vector<16xf32>
    %broadcast_in_dim3A_1285 = arith.constant 3 : i32
    %broadcast_in_dim3A_1286 = vector.broadcast %broadcast_in_dim3A_1285 : i32 to vector<16xi32>
    %select_n3A_1287 = arith.select %gt3A_1284, %broadcast_in_dim3A_1286, %select_n3A_1282 : vector<16xi1>, vector<16xi32>
    %max3A_1288 = arith.maximumf %max3A_1283, %add3A_1273 : vector<16xf32>
    %ge3A_1289 = arith.constant 2 : i32
    %ge3A_1290 = vector.broadcast %ge3A_1289 : i32 to vector<16xi32>
    %ge3A_1291 = arith.cmpi sge, %select_n3A_1287, %ge3A_1290 : vector<16xi32>
    %jit3A_1292 = arith.constant 1.000000e+00 : f32
    %jit3A_1293 = arith.constant 0.000000e+00 : f32
    %broadcast_in_dim3A_1294 = vector.broadcast %jit3A_1292 : f32 to vector<16xf32>
    %broadcast_in_dim3A_1295 = vector.broadcast %jit3A_1293 : f32 to vector<16xf32>
    %select_n3A_1296 = arith.select %ge3A_1291, %broadcast_in_dim3A_1294, %broadcast_in_dim3A_1295 : vector<16xi1>, vector<16xf32>
    %and3A_1297 = arith.constant 1 : i32
    %and3A_1298 = vector.broadcast %and3A_1297 : i32 to vector<16xi32>
    %and3A_1299 = arith.andi %select_n3A_1287, %and3A_1298 : vector<16xi32>
    %eq3A_1300 = arith.constant 1 : i32
    %eq3A_1301 = vector.broadcast %eq3A_1300 : i32 to vector<16xi32>
    %eq3A_1302 = arith.cmpi eq, %and3A_1299, %eq3A_1301 : vector<16xi32>
    %jit3A_1303 = arith.constant 1.000000e+00 : f32
    %jit3A_1304 = arith.constant 0.000000e+00 : f32
    %broadcast_in_dim3A_1305 = vector.broadcast %jit3A_1303 : f32 to vector<16xf32>
    %broadcast_in_dim3A_1306 = vector.broadcast %jit3A_1304 : f32 to vector<16xf32>
    %select_n3A_1307 = arith.select %eq3A_1302, %broadcast_in_dim3A_1305, %broadcast_in_dim3A_1306 : vector<16xi1>, vector<16xf32>
    %add3A_1308 = arith.constant 32 : i32
    %add3A_1309 = vector.broadcast %add3A_1308 : i32 to vector<16xi32>
    %add3A_1310 = arith.addi %iota3A, %add3A_1309 : vector<16xi32>
    %mul3A_1311 = arith.constant 16 : i32
    %mul3A_1312 = vector.broadcast %mul3A_1311 : i32 to vector<16xi32>
    %mul3A_1313 = arith.muli %add3A_1310, %mul3A_1312 : vector<16xi32>
    %add3A_1314 = arith.constant 8 : i32
    %add3A_1315 = vector.broadcast %add3A_1314 : i32 to vector<16xi32>
    %add3A_1316 = arith.addi %mul3A_1313, %add3A_1315 : vector<16xi32>
    tpu.vector_store_idx %arg10[%add3A_1316], %select_n3A_1296 : memref<1024xf32, #tpu.memory_space<vmem>>[vector<16xi32>], vector<16xf32>,
    %mul3A_1317 = arith.constant 16 : i32
    %mul3A_1318 = vector.broadcast %mul3A_1317 : i32 to vector<16xi32>
    %mul3A_1319 = arith.muli %add3A_1310, %mul3A_1318 : vector<16xi32>
    %add3A_1320 = arith.constant 9 : i32
    %add3A_1321 = vector.broadcast %add3A_1320 : i32 to vector<16xi32>
    %add3A_1322 = arith.addi %mul3A_1319, %add3A_1321 : vector<16xi32>
    tpu.vector_store_idx %arg10[%add3A_1322], %select_n3A_1307 : memref<1024xf32, #tpu.memory_space<vmem>>[vector<16xi32>], vector<16xf32>,
    %get3A_1323 = arith.constant 304 : index
    %get3A_1324 = tpu.vector_load %arg8[%get3A_1323] {strides = array<i32>} : memref<1280xf32, #tpu.memory_space<vmem>>, vector<16xf32>,
    %mul3A_1325 = arith.mulf %get3A_1324, %get3A_1113 : vector<16xf32>
    %get3A_1326 = arith.constant 816 : index
    %get3A_1327 = tpu.vector_load %arg8[%get3A_1326] {strides = array<i32>} : memref<1280xf32, #tpu.memory_space<vmem>>, vector<16xf32>,
    %mul3A_1328 = arith.mulf %get3A_1327, %get3A_1115 : vector<16xf32>
    %get3A_1329 = arith.constant 1072 : index
    %get3A_1330 = tpu.vector_load %arg7[%get3A_1329] {strides = array<i32>} : memref<2048xf32, #tpu.memory_space<vmem>>, vector<16xf32>,
    %get3A_1331 = arith.constant 1136 : index
    %get3A_1332 = tpu.vector_load %arg7[%get3A_1331] {strides = array<i32>} : memref<2048xf32, #tpu.memory_space<vmem>>, vector<16xf32>,
    %get3A_1333 = arith.constant 1200 : index
    %get3A_1334 = tpu.vector_load %arg7[%get3A_1333] {strides = array<i32>} : memref<2048xf32, #tpu.memory_space<vmem>>, vector<16xf32>,
    %get3A_1335 = arith.constant 1264 : index
    %get3A_1336 = tpu.vector_load %arg7[%get3A_1335] {strides = array<i32>} : memref<2048xf32, #tpu.memory_space<vmem>>, vector<16xf32>,
    %broadcast_in_dim3A_1337 = arith.constant 0 : i32
    %broadcast_in_dim3A_1338 = vector.broadcast %broadcast_in_dim3A_1337 : i32 to vector<16xi32>
    %add3A_1339 = arith.addf %get3A_1332, %mul3A_1328 : vector<16xf32>
    %add3A_1340 = arith.addf %get3A_1334, %mul3A_1325 : vector<16xf32>
    %add3A_1341 = arith.addf %get3A_1336, %mul3A_1328 : vector<16xf32>
    %add3A_1342 = arith.addf %add3A_1341, %mul3A_1325 : vector<16xf32>
    %gt3A_1343 = arith.cmpf ogt, %add3A_1339, %get3A_1330 : vector<16xf32>
    %broadcast_in_dim3A_1344 = arith.constant 1 : i32
    %broadcast_in_dim3A_1345 = vector.broadcast %broadcast_in_dim3A_1344 : i32 to vector<16xi32>
    %select_n3A_1346 = arith.select %gt3A_1343, %broadcast_in_dim3A_1345, %broadcast_in_dim3A_1338 : vector<16xi1>, vector<16xi32>
    %max3A_1347 = arith.maximumf %get3A_1330, %add3A_1339 : vector<16xf32>
    %gt3A_1348 = arith.cmpf ogt, %add3A_1340, %max3A_1347 : vector<16xf32>
    %broadcast_in_dim3A_1349 = arith.constant 2 : i32
    %broadcast_in_dim3A_1350 = vector.broadcast %broadcast_in_dim3A_1349 : i32 to vector<16xi32>
    %select_n3A_1351 = arith.select %gt3A_1348, %broadcast_in_dim3A_1350, %select_n3A_1346 : vector<16xi1>, vector<16xi32>
    %max3A_1352 = arith.maximumf %max3A_1347, %add3A_1340 : vector<16xf32>
    %gt3A_1353 = arith.cmpf ogt, %add3A_1342, %max3A_1352 : vector<16xf32>
    %broadcast_in_dim3A_1354 = arith.constant 3 : i32
    %broadcast_in_dim3A_1355 = vector.broadcast %broadcast_in_dim3A_1354 : i32 to vector<16xi32>
    %select_n3A_1356 = arith.select %gt3A_1353, %broadcast_in_dim3A_1355, %select_n3A_1351 : vector<16xi1>, vector<16xi32>
    %max3A_1357 = arith.maximumf %max3A_1352, %add3A_1342 : vector<16xf32>
    %ge3A_1358 = arith.constant 2 : i32
    %ge3A_1359 = vector.broadcast %ge3A_1358 : i32 to vector<16xi32>
    %ge3A_1360 = arith.cmpi sge, %select_n3A_1356, %ge3A_1359 : vector<16xi32>
    %jit3A_1361 = arith.constant 1.000000e+00 : f32
    %jit3A_1362 = arith.constant 0.000000e+00 : f32
    %broadcast_in_dim3A_1363 = vector.broadcast %jit3A_1361 : f32 to vector<16xf32>
    %broadcast_in_dim3A_1364 = vector.broadcast %jit3A_1362 : f32 to vector<16xf32>
    %select_n3A_1365 = arith.select %ge3A_1360, %broadcast_in_dim3A_1363, %broadcast_in_dim3A_1364 : vector<16xi1>, vector<16xf32>
    %and3A_1366 = arith.constant 1 : i32
    %and3A_1367 = vector.broadcast %and3A_1366 : i32 to vector<16xi32>
    %and3A_1368 = arith.andi %select_n3A_1356, %and3A_1367 : vector<16xi32>
    %eq3A_1369 = arith.constant 1 : i32
    %eq3A_1370 = vector.broadcast %eq3A_1369 : i32 to vector<16xi32>
    %eq3A_1371 = arith.cmpi eq, %and3A_1368, %eq3A_1370 : vector<16xi32>
    %jit3A_1372 = arith.constant 1.000000e+00 : f32
    %jit3A_1373 = arith.constant 0.000000e+00 : f32
    %broadcast_in_dim3A_1374 = vector.broadcast %jit3A_1372 : f32 to vector<16xf32>
    %broadcast_in_dim3A_1375 = vector.broadcast %jit3A_1373 : f32 to vector<16xf32>
    %select_n3A_1376 = arith.select %eq3A_1371, %broadcast_in_dim3A_1374, %broadcast_in_dim3A_1375 : vector<16xi1>, vector<16xf32>
    %add3A_1377 = arith.constant 48 : i32
    %add3A_1378 = vector.broadcast %add3A_1377 : i32 to vector<16xi32>
    %add3A_1379 = arith.addi %iota3A, %add3A_1378 : vector<16xi32>
    %mul3A_1380 = arith.constant 16 : i32
    %mul3A_1381 = vector.broadcast %mul3A_1380 : i32 to vector<16xi32>
    %mul3A_1382 = arith.muli %add3A_1379, %mul3A_1381 : vector<16xi32>
    %add3A_1383 = arith.constant 8 : i32
    %add3A_1384 = vector.broadcast %add3A_1383 : i32 to vector<16xi32>
    %add3A_1385 = arith.addi %mul3A_1382, %add3A_1384 : vector<16xi32>
    tpu.vector_store_idx %arg10[%add3A_1385], %select_n3A_1365 : memref<1024xf32, #tpu.memory_space<vmem>>[vector<16xi32>], vector<16xf32>,
    %mul3A_1386 = arith.constant 16 : i32
    %mul3A_1387 = vector.broadcast %mul3A_1386 : i32 to vector<16xi32>
    %mul3A_1388 = arith.muli %add3A_1379, %mul3A_1387 : vector<16xi32>
    %add3A_1389 = arith.constant 9 : i32
    %add3A_1390 = vector.broadcast %add3A_1389 : i32 to vector<16xi32>
    %add3A_1391 = arith.addi %mul3A_1388, %add3A_1390 : vector<16xi32>
    tpu.vector_store_idx %arg10[%add3A_1391], %select_n3A_1376 : memref<1024xf32, #tpu.memory_space<vmem>>[vector<16xi32>], vector<16xf32>,
    %get3A_1392 = arith.constant 1104 : index
    %get3A_1393 = tpu.vector_load %arg8[%get3A_1392] {strides = array<i32>} : memref<1280xf32, #tpu.memory_space<vmem>>, vector<16xf32>,
    %get3A_1394 = arith.constant 1232 : index
    %get3A_1395 = tpu.vector_load %arg8[%get3A_1394] {strides = array<i32>} : memref<1280xf32, #tpu.memory_space<vmem>>, vector<16xf32>,
    %get3A_1396 = arith.constant 320 : index
    %get3A_1397 = tpu.vector_load %arg8[%get3A_1396] {strides = array<i32>} : memref<1280xf32, #tpu.memory_space<vmem>>, vector<16xf32>,
    %mul3A_1398 = arith.mulf %get3A_1397, %get3A_1393 : vector<16xf32>
    %get3A_1399 = arith.constant 832 : index
    %get3A_1400 = tpu.vector_load %arg8[%get3A_1399] {strides = array<i32>} : memref<1280xf32, #tpu.memory_space<vmem>>, vector<16xf32>,
    %mul3A_1401 = arith.mulf %get3A_1400, %get3A_1395 : vector<16xf32>
    %get3A_1402 = arith.constant 1280 : index
    %get3A_1403 = tpu.vector_load %arg7[%get3A_1402] {strides = array<i32>} : memref<2048xf32, #tpu.memory_space<vmem>>, vector<16xf32>,
    %get3A_1404 = arith.constant 1344 : index
    %get3A_1405 = tpu.vector_load %arg7[%get3A_1404] {strides = array<i32>} : memref<2048xf32, #tpu.memory_space<vmem>>, vector<16xf32>,
    %get3A_1406 = arith.constant 1408 : index
    %get3A_1407 = tpu.vector_load %arg7[%get3A_1406] {strides = array<i32>} : memref<2048xf32, #tpu.memory_space<vmem>>, vector<16xf32>,
    %get3A_1408 = arith.constant 1472 : index
    %get3A_1409 = tpu.vector_load %arg7[%get3A_1408] {strides = array<i32>} : memref<2048xf32, #tpu.memory_space<vmem>>, vector<16xf32>,
    %broadcast_in_dim3A_1410 = arith.constant 0 : i32
    %broadcast_in_dim3A_1411 = vector.broadcast %broadcast_in_dim3A_1410 : i32 to vector<16xi32>
    %add3A_1412 = arith.addf %get3A_1405, %mul3A_1401 : vector<16xf32>
    %add3A_1413 = arith.addf %get3A_1407, %mul3A_1398 : vector<16xf32>
    %add3A_1414 = arith.addf %get3A_1409, %mul3A_1401 : vector<16xf32>
    %add3A_1415 = arith.addf %add3A_1414, %mul3A_1398 : vector<16xf32>
    %gt3A_1416 = arith.cmpf ogt, %add3A_1412, %get3A_1403 : vector<16xf32>
    %broadcast_in_dim3A_1417 = arith.constant 1 : i32
    %broadcast_in_dim3A_1418 = vector.broadcast %broadcast_in_dim3A_1417 : i32 to vector<16xi32>
    %select_n3A_1419 = arith.select %gt3A_1416, %broadcast_in_dim3A_1418, %broadcast_in_dim3A_1411 : vector<16xi1>, vector<16xi32>
    %max3A_1420 = arith.maximumf %get3A_1403, %add3A_1412 : vector<16xf32>
    %gt3A_1421 = arith.cmpf ogt, %add3A_1413, %max3A_1420 : vector<16xf32>
    %broadcast_in_dim3A_1422 = arith.constant 2 : i32
    %broadcast_in_dim3A_1423 = vector.broadcast %broadcast_in_dim3A_1422 : i32 to vector<16xi32>
    %select_n3A_1424 = arith.select %gt3A_1421, %broadcast_in_dim3A_1423, %select_n3A_1419 : vector<16xi1>, vector<16xi32>
    %max3A_1425 = arith.maximumf %max3A_1420, %add3A_1413 : vector<16xf32>
    %gt3A_1426 = arith.cmpf ogt, %add3A_1415, %max3A_1425 : vector<16xf32>
    %broadcast_in_dim3A_1427 = arith.constant 3 : i32
    %broadcast_in_dim3A_1428 = vector.broadcast %broadcast_in_dim3A_1427 : i32 to vector<16xi32>
    %select_n3A_1429 = arith.select %gt3A_1426, %broadcast_in_dim3A_1428, %select_n3A_1424 : vector<16xi1>, vector<16xi32>
    %max3A_1430 = arith.maximumf %max3A_1425, %add3A_1415 : vector<16xf32>
    %ge3A_1431 = arith.constant 2 : i32
    %ge3A_1432 = vector.broadcast %ge3A_1431 : i32 to vector<16xi32>
    %ge3A_1433 = arith.cmpi sge, %select_n3A_1429, %ge3A_1432 : vector<16xi32>
    %jit3A_1434 = arith.constant 1.000000e+00 : f32
    %jit3A_1435 = arith.constant 0.000000e+00 : f32
    %broadcast_in_dim3A_1436 = vector.broadcast %jit3A_1434 : f32 to vector<16xf32>
    %broadcast_in_dim3A_1437 = vector.broadcast %jit3A_1435 : f32 to vector<16xf32>
    %select_n3A_1438 = arith.select %ge3A_1433, %broadcast_in_dim3A_1436, %broadcast_in_dim3A_1437 : vector<16xi1>, vector<16xf32>
    %and3A_1439 = arith.constant 1 : i32
    %and3A_1440 = vector.broadcast %and3A_1439 : i32 to vector<16xi32>
    %and3A_1441 = arith.andi %select_n3A_1429, %and3A_1440 : vector<16xi32>
    %eq3A_1442 = arith.constant 1 : i32
    %eq3A_1443 = vector.broadcast %eq3A_1442 : i32 to vector<16xi32>
    %eq3A_1444 = arith.cmpi eq, %and3A_1441, %eq3A_1443 : vector<16xi32>
    %jit3A_1445 = arith.constant 1.000000e+00 : f32
    %jit3A_1446 = arith.constant 0.000000e+00 : f32
    %broadcast_in_dim3A_1447 = vector.broadcast %jit3A_1445 : f32 to vector<16xf32>
    %broadcast_in_dim3A_1448 = vector.broadcast %jit3A_1446 : f32 to vector<16xf32>
    %select_n3A_1449 = arith.select %eq3A_1444, %broadcast_in_dim3A_1447, %broadcast_in_dim3A_1448 : vector<16xi1>, vector<16xf32>
    %add3A_1450 = arith.constant 0 : i32
    %add3A_1451 = vector.broadcast %add3A_1450 : i32 to vector<16xi32>
    %add3A_1452 = arith.addi %iota3A, %add3A_1451 : vector<16xi32>
    %mul3A_1453 = arith.constant 16 : i32
    %mul3A_1454 = vector.broadcast %mul3A_1453 : i32 to vector<16xi32>
    %mul3A_1455 = arith.muli %add3A_1452, %mul3A_1454 : vector<16xi32>
    %add3A_1456 = arith.constant 10 : i32
    %add3A_1457 = vector.broadcast %add3A_1456 : i32 to vector<16xi32>
    %add3A_1458 = arith.addi %mul3A_1455, %add3A_1457 : vector<16xi32>
    tpu.vector_store_idx %arg10[%add3A_1458], %select_n3A_1438 : memref<1024xf32, #tpu.memory_space<vmem>>[vector<16xi32>], vector<16xf32>,
    %mul3A_1459 = arith.constant 16 : i32
    %mul3A_1460 = vector.broadcast %mul3A_1459 : i32 to vector<16xi32>
    %mul3A_1461 = arith.muli %add3A_1452, %mul3A_1460 : vector<16xi32>
    %add3A_1462 = arith.constant 11 : i32
    %add3A_1463 = vector.broadcast %add3A_1462 : i32 to vector<16xi32>
    %add3A_1464 = arith.addi %mul3A_1461, %add3A_1463 : vector<16xi32>
    tpu.vector_store_idx %arg10[%add3A_1464], %select_n3A_1449 : memref<1024xf32, #tpu.memory_space<vmem>>[vector<16xi32>], vector<16xf32>,
    %get3A_1465 = arith.constant 336 : index
    %get3A_1466 = tpu.vector_load %arg8[%get3A_1465] {strides = array<i32>} : memref<1280xf32, #tpu.memory_space<vmem>>, vector<16xf32>,
    %mul3A_1467 = arith.mulf %get3A_1466, %get3A_1393 : vector<16xf32>
    %get3A_1468 = arith.constant 848 : index
    %get3A_1469 = tpu.vector_load %arg8[%get3A_1468] {strides = array<i32>} : memref<1280xf32, #tpu.memory_space<vmem>>, vector<16xf32>,
    %mul3A_1470 = arith.mulf %get3A_1469, %get3A_1395 : vector<16xf32>
    %get3A_1471 = arith.constant 1296 : index
    %get3A_1472 = tpu.vector_load %arg7[%get3A_1471] {strides = array<i32>} : memref<2048xf32, #tpu.memory_space<vmem>>, vector<16xf32>,
    %get3A_1473 = arith.constant 1360 : index
    %get3A_1474 = tpu.vector_load %arg7[%get3A_1473] {strides = array<i32>} : memref<2048xf32, #tpu.memory_space<vmem>>, vector<16xf32>,
    %get3A_1475 = arith.constant 1424 : index
    %get3A_1476 = tpu.vector_load %arg7[%get3A_1475] {strides = array<i32>} : memref<2048xf32, #tpu.memory_space<vmem>>, vector<16xf32>,
    %get3A_1477 = arith.constant 1488 : index
    %get3A_1478 = tpu.vector_load %arg7[%get3A_1477] {strides = array<i32>} : memref<2048xf32, #tpu.memory_space<vmem>>, vector<16xf32>,
    %broadcast_in_dim3A_1479 = arith.constant 0 : i32
    %broadcast_in_dim3A_1480 = vector.broadcast %broadcast_in_dim3A_1479 : i32 to vector<16xi32>
    %add3A_1481 = arith.addf %get3A_1474, %mul3A_1470 : vector<16xf32>
    %add3A_1482 = arith.addf %get3A_1476, %mul3A_1467 : vector<16xf32>
    %add3A_1483 = arith.addf %get3A_1478, %mul3A_1470 : vector<16xf32>
    %add3A_1484 = arith.addf %add3A_1483, %mul3A_1467 : vector<16xf32>
    %gt3A_1485 = arith.cmpf ogt, %add3A_1481, %get3A_1472 : vector<16xf32>
    %broadcast_in_dim3A_1486 = arith.constant 1 : i32
    %broadcast_in_dim3A_1487 = vector.broadcast %broadcast_in_dim3A_1486 : i32 to vector<16xi32>
    %select_n3A_1488 = arith.select %gt3A_1485, %broadcast_in_dim3A_1487, %broadcast_in_dim3A_1480 : vector<16xi1>, vector<16xi32>
    %max3A_1489 = arith.maximumf %get3A_1472, %add3A_1481 : vector<16xf32>
    %gt3A_1490 = arith.cmpf ogt, %add3A_1482, %max3A_1489 : vector<16xf32>
    %broadcast_in_dim3A_1491 = arith.constant 2 : i32
    %broadcast_in_dim3A_1492 = vector.broadcast %broadcast_in_dim3A_1491 : i32 to vector<16xi32>
    %select_n3A_1493 = arith.select %gt3A_1490, %broadcast_in_dim3A_1492, %select_n3A_1488 : vector<16xi1>, vector<16xi32>
    %max3A_1494 = arith.maximumf %max3A_1489, %add3A_1482 : vector<16xf32>
    %gt3A_1495 = arith.cmpf ogt, %add3A_1484, %max3A_1494 : vector<16xf32>
    %broadcast_in_dim3A_1496 = arith.constant 3 : i32
    %broadcast_in_dim3A_1497 = vector.broadcast %broadcast_in_dim3A_1496 : i32 to vector<16xi32>
    %select_n3A_1498 = arith.select %gt3A_1495, %broadcast_in_dim3A_1497, %select_n3A_1493 : vector<16xi1>, vector<16xi32>
    %max3A_1499 = arith.maximumf %max3A_1494, %add3A_1484 : vector<16xf32>
    %ge3A_1500 = arith.constant 2 : i32
    %ge3A_1501 = vector.broadcast %ge3A_1500 : i32 to vector<16xi32>
    %ge3A_1502 = arith.cmpi sge, %select_n3A_1498, %ge3A_1501 : vector<16xi32>
    %jit3A_1503 = arith.constant 1.000000e+00 : f32
    %jit3A_1504 = arith.constant 0.000000e+00 : f32
    %broadcast_in_dim3A_1505 = vector.broadcast %jit3A_1503 : f32 to vector<16xf32>
    %broadcast_in_dim3A_1506 = vector.broadcast %jit3A_1504 : f32 to vector<16xf32>
    %select_n3A_1507 = arith.select %ge3A_1502, %broadcast_in_dim3A_1505, %broadcast_in_dim3A_1506 : vector<16xi1>, vector<16xf32>
    %and3A_1508 = arith.constant 1 : i32
    %and3A_1509 = vector.broadcast %and3A_1508 : i32 to vector<16xi32>
    %and3A_1510 = arith.andi %select_n3A_1498, %and3A_1509 : vector<16xi32>
    %eq3A_1511 = arith.constant 1 : i32
    %eq3A_1512 = vector.broadcast %eq3A_1511 : i32 to vector<16xi32>
    %eq3A_1513 = arith.cmpi eq, %and3A_1510, %eq3A_1512 : vector<16xi32>
    %jit3A_1514 = arith.constant 1.000000e+00 : f32
    %jit3A_1515 = arith.constant 0.000000e+00 : f32
    %broadcast_in_dim3A_1516 = vector.broadcast %jit3A_1514 : f32 to vector<16xf32>
    %broadcast_in_dim3A_1517 = vector.broadcast %jit3A_1515 : f32 to vector<16xf32>
    %select_n3A_1518 = arith.select %eq3A_1513, %broadcast_in_dim3A_1516, %broadcast_in_dim3A_1517 : vector<16xi1>, vector<16xf32>
    %add3A_1519 = arith.constant 16 : i32
    %add3A_1520 = vector.broadcast %add3A_1519 : i32 to vector<16xi32>
    %add3A_1521 = arith.addi %iota3A, %add3A_1520 : vector<16xi32>
    %mul3A_1522 = arith.constant 16 : i32
    %mul3A_1523 = vector.broadcast %mul3A_1522 : i32 to vector<16xi32>
    %mul3A_1524 = arith.muli %add3A_1521, %mul3A_1523 : vector<16xi32>
    %add3A_1525 = arith.constant 10 : i32
    %add3A_1526 = vector.broadcast %add3A_1525 : i32 to vector<16xi32>
    %add3A_1527 = arith.addi %mul3A_1524, %add3A_1526 : vector<16xi32>
    tpu.vector_store_idx %arg10[%add3A_1527], %select_n3A_1507 : memref<1024xf32, #tpu.memory_space<vmem>>[vector<16xi32>], vector<16xf32>,
    %mul3A_1528 = arith.constant 16 : i32
    %mul3A_1529 = vector.broadcast %mul3A_1528 : i32 to vector<16xi32>
    %mul3A_1530 = arith.muli %add3A_1521, %mul3A_1529 : vector<16xi32>
    %add3A_1531 = arith.constant 11 : i32
    %add3A_1532 = vector.broadcast %add3A_1531 : i32 to vector<16xi32>
    %add3A_1533 = arith.addi %mul3A_1530, %add3A_1532 : vector<16xi32>
    tpu.vector_store_idx %arg10[%add3A_1533], %select_n3A_1518 : memref<1024xf32, #tpu.memory_space<vmem>>[vector<16xi32>], vector<16xf32>,
    %get3A_1534 = arith.constant 352 : index
    %get3A_1535 = tpu.vector_load %arg8[%get3A_1534] {strides = array<i32>} : memref<1280xf32, #tpu.memory_space<vmem>>, vector<16xf32>,
    %mul3A_1536 = arith.mulf %get3A_1535, %get3A_1393 : vector<16xf32>
    %get3A_1537 = arith.constant 864 : index
    %get3A_1538 = tpu.vector_load %arg8[%get3A_1537] {strides = array<i32>} : memref<1280xf32, #tpu.memory_space<vmem>>, vector<16xf32>,
    %mul3A_1539 = arith.mulf %get3A_1538, %get3A_1395 : vector<16xf32>
    %get3A_1540 = arith.constant 1312 : index
    %get3A_1541 = tpu.vector_load %arg7[%get3A_1540] {strides = array<i32>} : memref<2048xf32, #tpu.memory_space<vmem>>, vector<16xf32>,
    %get3A_1542 = arith.constant 1376 : index
    %get3A_1543 = tpu.vector_load %arg7[%get3A_1542] {strides = array<i32>} : memref<2048xf32, #tpu.memory_space<vmem>>, vector<16xf32>,
    %get3A_1544 = arith.constant 1440 : index
    %get3A_1545 = tpu.vector_load %arg7[%get3A_1544] {strides = array<i32>} : memref<2048xf32, #tpu.memory_space<vmem>>, vector<16xf32>,
    %get3A_1546 = arith.constant 1504 : index
    %get3A_1547 = tpu.vector_load %arg7[%get3A_1546] {strides = array<i32>} : memref<2048xf32, #tpu.memory_space<vmem>>, vector<16xf32>,
    %broadcast_in_dim3A_1548 = arith.constant 0 : i32
    %broadcast_in_dim3A_1549 = vector.broadcast %broadcast_in_dim3A_1548 : i32 to vector<16xi32>
    %add3A_1550 = arith.addf %get3A_1543, %mul3A_1539 : vector<16xf32>
    %add3A_1551 = arith.addf %get3A_1545, %mul3A_1536 : vector<16xf32>
    %add3A_1552 = arith.addf %get3A_1547, %mul3A_1539 : vector<16xf32>
    %add3A_1553 = arith.addf %add3A_1552, %mul3A_1536 : vector<16xf32>
    %gt3A_1554 = arith.cmpf ogt, %add3A_1550, %get3A_1541 : vector<16xf32>
    %broadcast_in_dim3A_1555 = arith.constant 1 : i32
    %broadcast_in_dim3A_1556 = vector.broadcast %broadcast_in_dim3A_1555 : i32 to vector<16xi32>
    %select_n3A_1557 = arith.select %gt3A_1554, %broadcast_in_dim3A_1556, %broadcast_in_dim3A_1549 : vector<16xi1>, vector<16xi32>
    %max3A_1558 = arith.maximumf %get3A_1541, %add3A_1550 : vector<16xf32>
    %gt3A_1559 = arith.cmpf ogt, %add3A_1551, %max3A_1558 : vector<16xf32>
    %broadcast_in_dim3A_1560 = arith.constant 2 : i32
    %broadcast_in_dim3A_1561 = vector.broadcast %broadcast_in_dim3A_1560 : i32 to vector<16xi32>
    %select_n3A_1562 = arith.select %gt3A_1559, %broadcast_in_dim3A_1561, %select_n3A_1557 : vector<16xi1>, vector<16xi32>
    %max3A_1563 = arith.maximumf %max3A_1558, %add3A_1551 : vector<16xf32>
    %gt3A_1564 = arith.cmpf ogt, %add3A_1553, %max3A_1563 : vector<16xf32>
    %broadcast_in_dim3A_1565 = arith.constant 3 : i32
    %broadcast_in_dim3A_1566 = vector.broadcast %broadcast_in_dim3A_1565 : i32 to vector<16xi32>
    %select_n3A_1567 = arith.select %gt3A_1564, %broadcast_in_dim3A_1566, %select_n3A_1562 : vector<16xi1>, vector<16xi32>
    %max3A_1568 = arith.maximumf %max3A_1563, %add3A_1553 : vector<16xf32>
    %ge3A_1569 = arith.constant 2 : i32
    %ge3A_1570 = vector.broadcast %ge3A_1569 : i32 to vector<16xi32>
    %ge3A_1571 = arith.cmpi sge, %select_n3A_1567, %ge3A_1570 : vector<16xi32>
    %jit3A_1572 = arith.constant 1.000000e+00 : f32
    %jit3A_1573 = arith.constant 0.000000e+00 : f32
    %broadcast_in_dim3A_1574 = vector.broadcast %jit3A_1572 : f32 to vector<16xf32>
    %broadcast_in_dim3A_1575 = vector.broadcast %jit3A_1573 : f32 to vector<16xf32>
    %select_n3A_1576 = arith.select %ge3A_1571, %broadcast_in_dim3A_1574, %broadcast_in_dim3A_1575 : vector<16xi1>, vector<16xf32>
    %and3A_1577 = arith.constant 1 : i32
    %and3A_1578 = vector.broadcast %and3A_1577 : i32 to vector<16xi32>
    %and3A_1579 = arith.andi %select_n3A_1567, %and3A_1578 : vector<16xi32>
    %eq3A_1580 = arith.constant 1 : i32
    %eq3A_1581 = vector.broadcast %eq3A_1580 : i32 to vector<16xi32>
    %eq3A_1582 = arith.cmpi eq, %and3A_1579, %eq3A_1581 : vector<16xi32>
    %jit3A_1583 = arith.constant 1.000000e+00 : f32
    %jit3A_1584 = arith.constant 0.000000e+00 : f32
    %broadcast_in_dim3A_1585 = vector.broadcast %jit3A_1583 : f32 to vector<16xf32>
    %broadcast_in_dim3A_1586 = vector.broadcast %jit3A_1584 : f32 to vector<16xf32>
    %select_n3A_1587 = arith.select %eq3A_1582, %broadcast_in_dim3A_1585, %broadcast_in_dim3A_1586 : vector<16xi1>, vector<16xf32>
    %add3A_1588 = arith.constant 32 : i32
    %add3A_1589 = vector.broadcast %add3A_1588 : i32 to vector<16xi32>
    %add3A_1590 = arith.addi %iota3A, %add3A_1589 : vector<16xi32>
    %mul3A_1591 = arith.constant 16 : i32
    %mul3A_1592 = vector.broadcast %mul3A_1591 : i32 to vector<16xi32>
    %mul3A_1593 = arith.muli %add3A_1590, %mul3A_1592 : vector<16xi32>
    %add3A_1594 = arith.constant 10 : i32
    %add3A_1595 = vector.broadcast %add3A_1594 : i32 to vector<16xi32>
    %add3A_1596 = arith.addi %mul3A_1593, %add3A_1595 : vector<16xi32>
    tpu.vector_store_idx %arg10[%add3A_1596], %select_n3A_1576 : memref<1024xf32, #tpu.memory_space<vmem>>[vector<16xi32>], vector<16xf32>,
    %mul3A_1597 = arith.constant 16 : i32
    %mul3A_1598 = vector.broadcast %mul3A_1597 : i32 to vector<16xi32>
    %mul3A_1599 = arith.muli %add3A_1590, %mul3A_1598 : vector<16xi32>
    %add3A_1600 = arith.constant 11 : i32
    %add3A_1601 = vector.broadcast %add3A_1600 : i32 to vector<16xi32>
    %add3A_1602 = arith.addi %mul3A_1599, %add3A_1601 : vector<16xi32>
    tpu.vector_store_idx %arg10[%add3A_1602], %select_n3A_1587 : memref<1024xf32, #tpu.memory_space<vmem>>[vector<16xi32>], vector<16xf32>,
    %get3A_1603 = arith.constant 368 : index
    %get3A_1604 = tpu.vector_load %arg8[%get3A_1603] {strides = array<i32>} : memref<1280xf32, #tpu.memory_space<vmem>>, vector<16xf32>,
    %mul3A_1605 = arith.mulf %get3A_1604, %get3A_1393 : vector<16xf32>
    %get3A_1606 = arith.constant 880 : index
    %get3A_1607 = tpu.vector_load %arg8[%get3A_1606] {strides = array<i32>} : memref<1280xf32, #tpu.memory_space<vmem>>, vector<16xf32>,
    %mul3A_1608 = arith.mulf %get3A_1607, %get3A_1395 : vector<16xf32>
    %get3A_1609 = arith.constant 1328 : index
    %get3A_1610 = tpu.vector_load %arg7[%get3A_1609] {strides = array<i32>} : memref<2048xf32, #tpu.memory_space<vmem>>, vector<16xf32>,
    %get3A_1611 = arith.constant 1392 : index
    %get3A_1612 = tpu.vector_load %arg7[%get3A_1611] {strides = array<i32>} : memref<2048xf32, #tpu.memory_space<vmem>>, vector<16xf32>,
    %get3A_1613 = arith.constant 1456 : index
    %get3A_1614 = tpu.vector_load %arg7[%get3A_1613] {strides = array<i32>} : memref<2048xf32, #tpu.memory_space<vmem>>, vector<16xf32>,
    %get3A_1615 = arith.constant 1520 : index
    %get3A_1616 = tpu.vector_load %arg7[%get3A_1615] {strides = array<i32>} : memref<2048xf32, #tpu.memory_space<vmem>>, vector<16xf32>,
    %broadcast_in_dim3A_1617 = arith.constant 0 : i32
    %broadcast_in_dim3A_1618 = vector.broadcast %broadcast_in_dim3A_1617 : i32 to vector<16xi32>
    %add3A_1619 = arith.addf %get3A_1612, %mul3A_1608 : vector<16xf32>
    %add3A_1620 = arith.addf %get3A_1614, %mul3A_1605 : vector<16xf32>
    %add3A_1621 = arith.addf %get3A_1616, %mul3A_1608 : vector<16xf32>
    %add3A_1622 = arith.addf %add3A_1621, %mul3A_1605 : vector<16xf32>
    %gt3A_1623 = arith.cmpf ogt, %add3A_1619, %get3A_1610 : vector<16xf32>
    %broadcast_in_dim3A_1624 = arith.constant 1 : i32
    %broadcast_in_dim3A_1625 = vector.broadcast %broadcast_in_dim3A_1624 : i32 to vector<16xi32>
    %select_n3A_1626 = arith.select %gt3A_1623, %broadcast_in_dim3A_1625, %broadcast_in_dim3A_1618 : vector<16xi1>, vector<16xi32>
    %max3A_1627 = arith.maximumf %get3A_1610, %add3A_1619 : vector<16xf32>
    %gt3A_1628 = arith.cmpf ogt, %add3A_1620, %max3A_1627 : vector<16xf32>
    %broadcast_in_dim3A_1629 = arith.constant 2 : i32
    %broadcast_in_dim3A_1630 = vector.broadcast %broadcast_in_dim3A_1629 : i32 to vector<16xi32>
    %select_n3A_1631 = arith.select %gt3A_1628, %broadcast_in_dim3A_1630, %select_n3A_1626 : vector<16xi1>, vector<16xi32>
    %max3A_1632 = arith.maximumf %max3A_1627, %add3A_1620 : vector<16xf32>
    %gt3A_1633 = arith.cmpf ogt, %add3A_1622, %max3A_1632 : vector<16xf32>
    %broadcast_in_dim3A_1634 = arith.constant 3 : i32
    %broadcast_in_dim3A_1635 = vector.broadcast %broadcast_in_dim3A_1634 : i32 to vector<16xi32>
    %select_n3A_1636 = arith.select %gt3A_1633, %broadcast_in_dim3A_1635, %select_n3A_1631 : vector<16xi1>, vector<16xi32>
    %max3A_1637 = arith.maximumf %max3A_1632, %add3A_1622 : vector<16xf32>
    %ge3A_1638 = arith.constant 2 : i32
    %ge3A_1639 = vector.broadcast %ge3A_1638 : i32 to vector<16xi32>
    %ge3A_1640 = arith.cmpi sge, %select_n3A_1636, %ge3A_1639 : vector<16xi32>
    %jit3A_1641 = arith.constant 1.000000e+00 : f32
    %jit3A_1642 = arith.constant 0.000000e+00 : f32
    %broadcast_in_dim3A_1643 = vector.broadcast %jit3A_1641 : f32 to vector<16xf32>
    %broadcast_in_dim3A_1644 = vector.broadcast %jit3A_1642 : f32 to vector<16xf32>
    %select_n3A_1645 = arith.select %ge3A_1640, %broadcast_in_dim3A_1643, %broadcast_in_dim3A_1644 : vector<16xi1>, vector<16xf32>
    %and3A_1646 = arith.constant 1 : i32
    %and3A_1647 = vector.broadcast %and3A_1646 : i32 to vector<16xi32>
    %and3A_1648 = arith.andi %select_n3A_1636, %and3A_1647 : vector<16xi32>
    %eq3A_1649 = arith.constant 1 : i32
    %eq3A_1650 = vector.broadcast %eq3A_1649 : i32 to vector<16xi32>
    %eq3A_1651 = arith.cmpi eq, %and3A_1648, %eq3A_1650 : vector<16xi32>
    %jit3A_1652 = arith.constant 1.000000e+00 : f32
    %jit3A_1653 = arith.constant 0.000000e+00 : f32
    %broadcast_in_dim3A_1654 = vector.broadcast %jit3A_1652 : f32 to vector<16xf32>
    %broadcast_in_dim3A_1655 = vector.broadcast %jit3A_1653 : f32 to vector<16xf32>
    %select_n3A_1656 = arith.select %eq3A_1651, %broadcast_in_dim3A_1654, %broadcast_in_dim3A_1655 : vector<16xi1>, vector<16xf32>
    %add3A_1657 = arith.constant 48 : i32
    %add3A_1658 = vector.broadcast %add3A_1657 : i32 to vector<16xi32>
    %add3A_1659 = arith.addi %iota3A, %add3A_1658 : vector<16xi32>
    %mul3A_1660 = arith.constant 16 : i32
    %mul3A_1661 = vector.broadcast %mul3A_1660 : i32 to vector<16xi32>
    %mul3A_1662 = arith.muli %add3A_1659, %mul3A_1661 : vector<16xi32>
    %add3A_1663 = arith.constant 10 : i32
    %add3A_1664 = vector.broadcast %add3A_1663 : i32 to vector<16xi32>
    %add3A_1665 = arith.addi %mul3A_1662, %add3A_1664 : vector<16xi32>
    tpu.vector_store_idx %arg10[%add3A_1665], %select_n3A_1645 : memref<1024xf32, #tpu.memory_space<vmem>>[vector<16xi32>], vector<16xf32>,
    %mul3A_1666 = arith.constant 16 : i32
    %mul3A_1667 = vector.broadcast %mul3A_1666 : i32 to vector<16xi32>
    %mul3A_1668 = arith.muli %add3A_1659, %mul3A_1667 : vector<16xi32>
    %add3A_1669 = arith.constant 11 : i32
    %add3A_1670 = vector.broadcast %add3A_1669 : i32 to vector<16xi32>
    %add3A_1671 = arith.addi %mul3A_1668, %add3A_1670 : vector<16xi32>
    tpu.vector_store_idx %arg10[%add3A_1671], %select_n3A_1656 : memref<1024xf32, #tpu.memory_space<vmem>>[vector<16xi32>], vector<16xf32>,
    %get3A_1672 = arith.constant 1120 : index
    %get3A_1673 = tpu.vector_load %arg8[%get3A_1672] {strides = array<i32>} : memref<1280xf32, #tpu.memory_space<vmem>>, vector<16xf32>,
    %get3A_1674 = arith.constant 1248 : index
    %get3A_1675 = tpu.vector_load %arg8[%get3A_1674] {strides = array<i32>} : memref<1280xf32, #tpu.memory_space<vmem>>, vector<16xf32>,
    %get3A_1676 = arith.constant 384 : index
    %get3A_1677 = tpu.vector_load %arg8[%get3A_1676] {strides = array<i32>} : memref<1280xf32, #tpu.memory_space<vmem>>, vector<16xf32>,
    %mul3A_1678 = arith.mulf %get3A_1677, %get3A_1673 : vector<16xf32>
    %get3A_1679 = arith.constant 896 : index
    %get3A_1680 = tpu.vector_load %arg8[%get3A_1679] {strides = array<i32>} : memref<1280xf32, #tpu.memory_space<vmem>>, vector<16xf32>,
    %mul3A_1681 = arith.mulf %get3A_1680, %get3A_1675 : vector<16xf32>
    %get3A_1682 = arith.constant 1536 : index
    %get3A_1683 = tpu.vector_load %arg7[%get3A_1682] {strides = array<i32>} : memref<2048xf32, #tpu.memory_space<vmem>>, vector<16xf32>,
    %get3A_1684 = arith.constant 1600 : index
    %get3A_1685 = tpu.vector_load %arg7[%get3A_1684] {strides = array<i32>} : memref<2048xf32, #tpu.memory_space<vmem>>, vector<16xf32>,
    %get3A_1686 = arith.constant 1664 : index
    %get3A_1687 = tpu.vector_load %arg7[%get3A_1686] {strides = array<i32>} : memref<2048xf32, #tpu.memory_space<vmem>>, vector<16xf32>,
    %get3A_1688 = arith.constant 1728 : index
    %get3A_1689 = tpu.vector_load %arg7[%get3A_1688] {strides = array<i32>} : memref<2048xf32, #tpu.memory_space<vmem>>, vector<16xf32>,
    %broadcast_in_dim3A_1690 = arith.constant 0 : i32
    %broadcast_in_dim3A_1691 = vector.broadcast %broadcast_in_dim3A_1690 : i32 to vector<16xi32>
    %add3A_1692 = arith.addf %get3A_1685, %mul3A_1681 : vector<16xf32>
    %add3A_1693 = arith.addf %get3A_1687, %mul3A_1678 : vector<16xf32>
    %add3A_1694 = arith.addf %get3A_1689, %mul3A_1681 : vector<16xf32>
    %add3A_1695 = arith.addf %add3A_1694, %mul3A_1678 : vector<16xf32>
    %gt3A_1696 = arith.cmpf ogt, %add3A_1692, %get3A_1683 : vector<16xf32>
    %broadcast_in_dim3A_1697 = arith.constant 1 : i32
    %broadcast_in_dim3A_1698 = vector.broadcast %broadcast_in_dim3A_1697 : i32 to vector<16xi32>
    %select_n3A_1699 = arith.select %gt3A_1696, %broadcast_in_dim3A_1698, %broadcast_in_dim3A_1691 : vector<16xi1>, vector<16xi32>
    %max3A_1700 = arith.maximumf %get3A_1683, %add3A_1692 : vector<16xf32>
    %gt3A_1701 = arith.cmpf ogt, %add3A_1693, %max3A_1700 : vector<16xf32>
    %broadcast_in_dim3A_1702 = arith.constant 2 : i32
    %broadcast_in_dim3A_1703 = vector.broadcast %broadcast_in_dim3A_1702 : i32 to vector<16xi32>
    %select_n3A_1704 = arith.select %gt3A_1701, %broadcast_in_dim3A_1703, %select_n3A_1699 : vector<16xi1>, vector<16xi32>
    %max3A_1705 = arith.maximumf %max3A_1700, %add3A_1693 : vector<16xf32>
    %gt3A_1706 = arith.cmpf ogt, %add3A_1695, %max3A_1705 : vector<16xf32>
    %broadcast_in_dim3A_1707 = arith.constant 3 : i32
    %broadcast_in_dim3A_1708 = vector.broadcast %broadcast_in_dim3A_1707 : i32 to vector<16xi32>
    %select_n3A_1709 = arith.select %gt3A_1706, %broadcast_in_dim3A_1708, %select_n3A_1704 : vector<16xi1>, vector<16xi32>
    %max3A_1710 = arith.maximumf %max3A_1705, %add3A_1695 : vector<16xf32>
    %ge3A_1711 = arith.constant 2 : i32
    %ge3A_1712 = vector.broadcast %ge3A_1711 : i32 to vector<16xi32>
    %ge3A_1713 = arith.cmpi sge, %select_n3A_1709, %ge3A_1712 : vector<16xi32>
    %jit3A_1714 = arith.constant 1.000000e+00 : f32
    %jit3A_1715 = arith.constant 0.000000e+00 : f32
    %broadcast_in_dim3A_1716 = vector.broadcast %jit3A_1714 : f32 to vector<16xf32>
    %broadcast_in_dim3A_1717 = vector.broadcast %jit3A_1715 : f32 to vector<16xf32>
    %select_n3A_1718 = arith.select %ge3A_1713, %broadcast_in_dim3A_1716, %broadcast_in_dim3A_1717 : vector<16xi1>, vector<16xf32>
    %and3A_1719 = arith.constant 1 : i32
    %and3A_1720 = vector.broadcast %and3A_1719 : i32 to vector<16xi32>
    %and3A_1721 = arith.andi %select_n3A_1709, %and3A_1720 : vector<16xi32>
    %eq3A_1722 = arith.constant 1 : i32
    %eq3A_1723 = vector.broadcast %eq3A_1722 : i32 to vector<16xi32>
    %eq3A_1724 = arith.cmpi eq, %and3A_1721, %eq3A_1723 : vector<16xi32>
    %jit3A_1725 = arith.constant 1.000000e+00 : f32
    %jit3A_1726 = arith.constant 0.000000e+00 : f32
    %broadcast_in_dim3A_1727 = vector.broadcast %jit3A_1725 : f32 to vector<16xf32>
    %broadcast_in_dim3A_1728 = vector.broadcast %jit3A_1726 : f32 to vector<16xf32>
    %select_n3A_1729 = arith.select %eq3A_1724, %broadcast_in_dim3A_1727, %broadcast_in_dim3A_1728 : vector<16xi1>, vector<16xf32>
    %add3A_1730 = arith.constant 0 : i32
    %add3A_1731 = vector.broadcast %add3A_1730 : i32 to vector<16xi32>
    %add3A_1732 = arith.addi %iota3A, %add3A_1731 : vector<16xi32>
    %mul3A_1733 = arith.constant 16 : i32
    %mul3A_1734 = vector.broadcast %mul3A_1733 : i32 to vector<16xi32>
    %mul3A_1735 = arith.muli %add3A_1732, %mul3A_1734 : vector<16xi32>
    %add3A_1736 = arith.constant 12 : i32
    %add3A_1737 = vector.broadcast %add3A_1736 : i32 to vector<16xi32>
    %add3A_1738 = arith.addi %mul3A_1735, %add3A_1737 : vector<16xi32>
    tpu.vector_store_idx %arg10[%add3A_1738], %select_n3A_1718 : memref<1024xf32, #tpu.memory_space<vmem>>[vector<16xi32>], vector<16xf32>,
    %mul3A_1739 = arith.constant 16 : i32
    %mul3A_1740 = vector.broadcast %mul3A_1739 : i32 to vector<16xi32>
    %mul3A_1741 = arith.muli %add3A_1732, %mul3A_1740 : vector<16xi32>
    %add3A_1742 = arith.constant 13 : i32
    %add3A_1743 = vector.broadcast %add3A_1742 : i32 to vector<16xi32>
    %add3A_1744 = arith.addi %mul3A_1741, %add3A_1743 : vector<16xi32>
    tpu.vector_store_idx %arg10[%add3A_1744], %select_n3A_1729 : memref<1024xf32, #tpu.memory_space<vmem>>[vector<16xi32>], vector<16xf32>,
    %get3A_1745 = arith.constant 400 : index
    %get3A_1746 = tpu.vector_load %arg8[%get3A_1745] {strides = array<i32>} : memref<1280xf32, #tpu.memory_space<vmem>>, vector<16xf32>,
    %mul3A_1747 = arith.mulf %get3A_1746, %get3A_1673 : vector<16xf32>
    %get3A_1748 = arith.constant 912 : index
    %get3A_1749 = tpu.vector_load %arg8[%get3A_1748] {strides = array<i32>} : memref<1280xf32, #tpu.memory_space<vmem>>, vector<16xf32>,
    %mul3A_1750 = arith.mulf %get3A_1749, %get3A_1675 : vector<16xf32>
    %get3A_1751 = arith.constant 1552 : index
    %get3A_1752 = tpu.vector_load %arg7[%get3A_1751] {strides = array<i32>} : memref<2048xf32, #tpu.memory_space<vmem>>, vector<16xf32>,
    %get3A_1753 = arith.constant 1616 : index
    %get3A_1754 = tpu.vector_load %arg7[%get3A_1753] {strides = array<i32>} : memref<2048xf32, #tpu.memory_space<vmem>>, vector<16xf32>,
    %get3A_1755 = arith.constant 1680 : index
    %get3A_1756 = tpu.vector_load %arg7[%get3A_1755] {strides = array<i32>} : memref<2048xf32, #tpu.memory_space<vmem>>, vector<16xf32>,
    %get3A_1757 = arith.constant 1744 : index
    %get3A_1758 = tpu.vector_load %arg7[%get3A_1757] {strides = array<i32>} : memref<2048xf32, #tpu.memory_space<vmem>>, vector<16xf32>,
    %broadcast_in_dim3A_1759 = arith.constant 0 : i32
    %broadcast_in_dim3A_1760 = vector.broadcast %broadcast_in_dim3A_1759 : i32 to vector<16xi32>
    %add3A_1761 = arith.addf %get3A_1754, %mul3A_1750 : vector<16xf32>
    %add3A_1762 = arith.addf %get3A_1756, %mul3A_1747 : vector<16xf32>
    %add3A_1763 = arith.addf %get3A_1758, %mul3A_1750 : vector<16xf32>
    %add3A_1764 = arith.addf %add3A_1763, %mul3A_1747 : vector<16xf32>
    %gt3A_1765 = arith.cmpf ogt, %add3A_1761, %get3A_1752 : vector<16xf32>
    %broadcast_in_dim3A_1766 = arith.constant 1 : i32
    %broadcast_in_dim3A_1767 = vector.broadcast %broadcast_in_dim3A_1766 : i32 to vector<16xi32>
    %select_n3A_1768 = arith.select %gt3A_1765, %broadcast_in_dim3A_1767, %broadcast_in_dim3A_1760 : vector<16xi1>, vector<16xi32>
    %max3A_1769 = arith.maximumf %get3A_1752, %add3A_1761 : vector<16xf32>
    %gt3A_1770 = arith.cmpf ogt, %add3A_1762, %max3A_1769 : vector<16xf32>
    %broadcast_in_dim3A_1771 = arith.constant 2 : i32
    %broadcast_in_dim3A_1772 = vector.broadcast %broadcast_in_dim3A_1771 : i32 to vector<16xi32>
    %select_n3A_1773 = arith.select %gt3A_1770, %broadcast_in_dim3A_1772, %select_n3A_1768 : vector<16xi1>, vector<16xi32>
    %max3A_1774 = arith.maximumf %max3A_1769, %add3A_1762 : vector<16xf32>
    %gt3A_1775 = arith.cmpf ogt, %add3A_1764, %max3A_1774 : vector<16xf32>
    %broadcast_in_dim3A_1776 = arith.constant 3 : i32
    %broadcast_in_dim3A_1777 = vector.broadcast %broadcast_in_dim3A_1776 : i32 to vector<16xi32>
    %select_n3A_1778 = arith.select %gt3A_1775, %broadcast_in_dim3A_1777, %select_n3A_1773 : vector<16xi1>, vector<16xi32>
    %max3A_1779 = arith.maximumf %max3A_1774, %add3A_1764 : vector<16xf32>
    %ge3A_1780 = arith.constant 2 : i32
    %ge3A_1781 = vector.broadcast %ge3A_1780 : i32 to vector<16xi32>
    %ge3A_1782 = arith.cmpi sge, %select_n3A_1778, %ge3A_1781 : vector<16xi32>
    %jit3A_1783 = arith.constant 1.000000e+00 : f32
    %jit3A_1784 = arith.constant 0.000000e+00 : f32
    %broadcast_in_dim3A_1785 = vector.broadcast %jit3A_1783 : f32 to vector<16xf32>
    %broadcast_in_dim3A_1786 = vector.broadcast %jit3A_1784 : f32 to vector<16xf32>
    %select_n3A_1787 = arith.select %ge3A_1782, %broadcast_in_dim3A_1785, %broadcast_in_dim3A_1786 : vector<16xi1>, vector<16xf32>
    %and3A_1788 = arith.constant 1 : i32
    %and3A_1789 = vector.broadcast %and3A_1788 : i32 to vector<16xi32>
    %and3A_1790 = arith.andi %select_n3A_1778, %and3A_1789 : vector<16xi32>
    %eq3A_1791 = arith.constant 1 : i32
    %eq3A_1792 = vector.broadcast %eq3A_1791 : i32 to vector<16xi32>
    %eq3A_1793 = arith.cmpi eq, %and3A_1790, %eq3A_1792 : vector<16xi32>
    %jit3A_1794 = arith.constant 1.000000e+00 : f32
    %jit3A_1795 = arith.constant 0.000000e+00 : f32
    %broadcast_in_dim3A_1796 = vector.broadcast %jit3A_1794 : f32 to vector<16xf32>
    %broadcast_in_dim3A_1797 = vector.broadcast %jit3A_1795 : f32 to vector<16xf32>
    %select_n3A_1798 = arith.select %eq3A_1793, %broadcast_in_dim3A_1796, %broadcast_in_dim3A_1797 : vector<16xi1>, vector<16xf32>
    %add3A_1799 = arith.constant 16 : i32
    %add3A_1800 = vector.broadcast %add3A_1799 : i32 to vector<16xi32>
    %add3A_1801 = arith.addi %iota3A, %add3A_1800 : vector<16xi32>
    %mul3A_1802 = arith.constant 16 : i32
    %mul3A_1803 = vector.broadcast %mul3A_1802 : i32 to vector<16xi32>
    %mul3A_1804 = arith.muli %add3A_1801, %mul3A_1803 : vector<16xi32>
    %add3A_1805 = arith.constant 12 : i32
    %add3A_1806 = vector.broadcast %add3A_1805 : i32 to vector<16xi32>
    %add3A_1807 = arith.addi %mul3A_1804, %add3A_1806 : vector<16xi32>
    tpu.vector_store_idx %arg10[%add3A_1807], %select_n3A_1787 : memref<1024xf32, #tpu.memory_space<vmem>>[vector<16xi32>], vector<16xf32>,
    %mul3A_1808 = arith.constant 16 : i32
    %mul3A_1809 = vector.broadcast %mul3A_1808 : i32 to vector<16xi32>
    %mul3A_1810 = arith.muli %add3A_1801, %mul3A_1809 : vector<16xi32>
    %add3A_1811 = arith.constant 13 : i32
    %add3A_1812 = vector.broadcast %add3A_1811 : i32 to vector<16xi32>
    %add3A_1813 = arith.addi %mul3A_1810, %add3A_1812 : vector<16xi32>
    tpu.vector_store_idx %arg10[%add3A_1813], %select_n3A_1798 : memref<1024xf32, #tpu.memory_space<vmem>>[vector<16xi32>], vector<16xf32>,
    %get3A_1814 = arith.constant 416 : index
    %get3A_1815 = tpu.vector_load %arg8[%get3A_1814] {strides = array<i32>} : memref<1280xf32, #tpu.memory_space<vmem>>, vector<16xf32>,
    %mul3A_1816 = arith.mulf %get3A_1815, %get3A_1673 : vector<16xf32>
    %get3A_1817 = arith.constant 928 : index
    %get3A_1818 = tpu.vector_load %arg8[%get3A_1817] {strides = array<i32>} : memref<1280xf32, #tpu.memory_space<vmem>>, vector<16xf32>,
    %mul3A_1819 = arith.mulf %get3A_1818, %get3A_1675 : vector<16xf32>
    %get3A_1820 = arith.constant 1568 : index
    %get3A_1821 = tpu.vector_load %arg7[%get3A_1820] {strides = array<i32>} : memref<2048xf32, #tpu.memory_space<vmem>>, vector<16xf32>,
    %get3A_1822 = arith.constant 1632 : index
    %get3A_1823 = tpu.vector_load %arg7[%get3A_1822] {strides = array<i32>} : memref<2048xf32, #tpu.memory_space<vmem>>, vector<16xf32>,
    %get3A_1824 = arith.constant 1696 : index
    %get3A_1825 = tpu.vector_load %arg7[%get3A_1824] {strides = array<i32>} : memref<2048xf32, #tpu.memory_space<vmem>>, vector<16xf32>,
    %get3A_1826 = arith.constant 1760 : index
    %get3A_1827 = tpu.vector_load %arg7[%get3A_1826] {strides = array<i32>} : memref<2048xf32, #tpu.memory_space<vmem>>, vector<16xf32>,
    %broadcast_in_dim3A_1828 = arith.constant 0 : i32
    %broadcast_in_dim3A_1829 = vector.broadcast %broadcast_in_dim3A_1828 : i32 to vector<16xi32>
    %add3A_1830 = arith.addf %get3A_1823, %mul3A_1819 : vector<16xf32>
    %add3A_1831 = arith.addf %get3A_1825, %mul3A_1816 : vector<16xf32>
    %add3A_1832 = arith.addf %get3A_1827, %mul3A_1819 : vector<16xf32>
    %add3A_1833 = arith.addf %add3A_1832, %mul3A_1816 : vector<16xf32>
    %gt3A_1834 = arith.cmpf ogt, %add3A_1830, %get3A_1821 : vector<16xf32>
    %broadcast_in_dim3A_1835 = arith.constant 1 : i32
    %broadcast_in_dim3A_1836 = vector.broadcast %broadcast_in_dim3A_1835 : i32 to vector<16xi32>
    %select_n3A_1837 = arith.select %gt3A_1834, %broadcast_in_dim3A_1836, %broadcast_in_dim3A_1829 : vector<16xi1>, vector<16xi32>
    %max3A_1838 = arith.maximumf %get3A_1821, %add3A_1830 : vector<16xf32>
    %gt3A_1839 = arith.cmpf ogt, %add3A_1831, %max3A_1838 : vector<16xf32>
    %broadcast_in_dim3A_1840 = arith.constant 2 : i32
    %broadcast_in_dim3A_1841 = vector.broadcast %broadcast_in_dim3A_1840 : i32 to vector<16xi32>
    %select_n3A_1842 = arith.select %gt3A_1839, %broadcast_in_dim3A_1841, %select_n3A_1837 : vector<16xi1>, vector<16xi32>
    %max3A_1843 = arith.maximumf %max3A_1838, %add3A_1831 : vector<16xf32>
    %gt3A_1844 = arith.cmpf ogt, %add3A_1833, %max3A_1843 : vector<16xf32>
    %broadcast_in_dim3A_1845 = arith.constant 3 : i32
    %broadcast_in_dim3A_1846 = vector.broadcast %broadcast_in_dim3A_1845 : i32 to vector<16xi32>
    %select_n3A_1847 = arith.select %gt3A_1844, %broadcast_in_dim3A_1846, %select_n3A_1842 : vector<16xi1>, vector<16xi32>
    %max3A_1848 = arith.maximumf %max3A_1843, %add3A_1833 : vector<16xf32>
    %ge3A_1849 = arith.constant 2 : i32
    %ge3A_1850 = vector.broadcast %ge3A_1849 : i32 to vector<16xi32>
    %ge3A_1851 = arith.cmpi sge, %select_n3A_1847, %ge3A_1850 : vector<16xi32>
    %jit3A_1852 = arith.constant 1.000000e+00 : f32
    %jit3A_1853 = arith.constant 0.000000e+00 : f32
    %broadcast_in_dim3A_1854 = vector.broadcast %jit3A_1852 : f32 to vector<16xf32>
    %broadcast_in_dim3A_1855 = vector.broadcast %jit3A_1853 : f32 to vector<16xf32>
    %select_n3A_1856 = arith.select %ge3A_1851, %broadcast_in_dim3A_1854, %broadcast_in_dim3A_1855 : vector<16xi1>, vector<16xf32>
    %and3A_1857 = arith.constant 1 : i32
    %and3A_1858 = vector.broadcast %and3A_1857 : i32 to vector<16xi32>
    %and3A_1859 = arith.andi %select_n3A_1847, %and3A_1858 : vector<16xi32>
    %eq3A_1860 = arith.constant 1 : i32
    %eq3A_1861 = vector.broadcast %eq3A_1860 : i32 to vector<16xi32>
    %eq3A_1862 = arith.cmpi eq, %and3A_1859, %eq3A_1861 : vector<16xi32>
    %jit3A_1863 = arith.constant 1.000000e+00 : f32
    %jit3A_1864 = arith.constant 0.000000e+00 : f32
    %broadcast_in_dim3A_1865 = vector.broadcast %jit3A_1863 : f32 to vector<16xf32>
    %broadcast_in_dim3A_1866 = vector.broadcast %jit3A_1864 : f32 to vector<16xf32>
    %select_n3A_1867 = arith.select %eq3A_1862, %broadcast_in_dim3A_1865, %broadcast_in_dim3A_1866 : vector<16xi1>, vector<16xf32>
    %add3A_1868 = arith.constant 32 : i32
    %add3A_1869 = vector.broadcast %add3A_1868 : i32 to vector<16xi32>
    %add3A_1870 = arith.addi %iota3A, %add3A_1869 : vector<16xi32>
    %mul3A_1871 = arith.constant 16 : i32
    %mul3A_1872 = vector.broadcast %mul3A_1871 : i32 to vector<16xi32>
    %mul3A_1873 = arith.muli %add3A_1870, %mul3A_1872 : vector<16xi32>
    %add3A_1874 = arith.constant 12 : i32
    %add3A_1875 = vector.broadcast %add3A_1874 : i32 to vector<16xi32>
    %add3A_1876 = arith.addi %mul3A_1873, %add3A_1875 : vector<16xi32>
    tpu.vector_store_idx %arg10[%add3A_1876], %select_n3A_1856 : memref<1024xf32, #tpu.memory_space<vmem>>[vector<16xi32>], vector<16xf32>,
    %mul3A_1877 = arith.constant 16 : i32
    %mul3A_1878 = vector.broadcast %mul3A_1877 : i32 to vector<16xi32>
    %mul3A_1879 = arith.muli %add3A_1870, %mul3A_1878 : vector<16xi32>
    %add3A_1880 = arith.constant 13 : i32
    %add3A_1881 = vector.broadcast %add3A_1880 : i32 to vector<16xi32>
    %add3A_1882 = arith.addi %mul3A_1879, %add3A_1881 : vector<16xi32>
    tpu.vector_store_idx %arg10[%add3A_1882], %select_n3A_1867 : memref<1024xf32, #tpu.memory_space<vmem>>[vector<16xi32>], vector<16xf32>,
    %get3A_1883 = arith.constant 432 : index
    %get3A_1884 = tpu.vector_load %arg8[%get3A_1883] {strides = array<i32>} : memref<1280xf32, #tpu.memory_space<vmem>>, vector<16xf32>,
    %mul3A_1885 = arith.mulf %get3A_1884, %get3A_1673 : vector<16xf32>
    %get3A_1886 = arith.constant 944 : index
    %get3A_1887 = tpu.vector_load %arg8[%get3A_1886] {strides = array<i32>} : memref<1280xf32, #tpu.memory_space<vmem>>, vector<16xf32>,
    %mul3A_1888 = arith.mulf %get3A_1887, %get3A_1675 : vector<16xf32>
    %get3A_1889 = arith.constant 1584 : index
    %get3A_1890 = tpu.vector_load %arg7[%get3A_1889] {strides = array<i32>} : memref<2048xf32, #tpu.memory_space<vmem>>, vector<16xf32>,
    %get3A_1891 = arith.constant 1648 : index
    %get3A_1892 = tpu.vector_load %arg7[%get3A_1891] {strides = array<i32>} : memref<2048xf32, #tpu.memory_space<vmem>>, vector<16xf32>,
    %get3A_1893 = arith.constant 1712 : index
    %get3A_1894 = tpu.vector_load %arg7[%get3A_1893] {strides = array<i32>} : memref<2048xf32, #tpu.memory_space<vmem>>, vector<16xf32>,
    %get3A_1895 = arith.constant 1776 : index
    %get3A_1896 = tpu.vector_load %arg7[%get3A_1895] {strides = array<i32>} : memref<2048xf32, #tpu.memory_space<vmem>>, vector<16xf32>,
    %broadcast_in_dim3A_1897 = arith.constant 0 : i32
    %broadcast_in_dim3A_1898 = vector.broadcast %broadcast_in_dim3A_1897 : i32 to vector<16xi32>
    %add3A_1899 = arith.addf %get3A_1892, %mul3A_1888 : vector<16xf32>
    %add3A_1900 = arith.addf %get3A_1894, %mul3A_1885 : vector<16xf32>
    %add3A_1901 = arith.addf %get3A_1896, %mul3A_1888 : vector<16xf32>
    %add3A_1902 = arith.addf %add3A_1901, %mul3A_1885 : vector<16xf32>
    %gt3A_1903 = arith.cmpf ogt, %add3A_1899, %get3A_1890 : vector<16xf32>
    %broadcast_in_dim3A_1904 = arith.constant 1 : i32
    %broadcast_in_dim3A_1905 = vector.broadcast %broadcast_in_dim3A_1904 : i32 to vector<16xi32>
    %select_n3A_1906 = arith.select %gt3A_1903, %broadcast_in_dim3A_1905, %broadcast_in_dim3A_1898 : vector<16xi1>, vector<16xi32>
    %max3A_1907 = arith.maximumf %get3A_1890, %add3A_1899 : vector<16xf32>
    %gt3A_1908 = arith.cmpf ogt, %add3A_1900, %max3A_1907 : vector<16xf32>
    %broadcast_in_dim3A_1909 = arith.constant 2 : i32
    %broadcast_in_dim3A_1910 = vector.broadcast %broadcast_in_dim3A_1909 : i32 to vector<16xi32>
    %select_n3A_1911 = arith.select %gt3A_1908, %broadcast_in_dim3A_1910, %select_n3A_1906 : vector<16xi1>, vector<16xi32>
    %max3A_1912 = arith.maximumf %max3A_1907, %add3A_1900 : vector<16xf32>
    %gt3A_1913 = arith.cmpf ogt, %add3A_1902, %max3A_1912 : vector<16xf32>
    %broadcast_in_dim3A_1914 = arith.constant 3 : i32
    %broadcast_in_dim3A_1915 = vector.broadcast %broadcast_in_dim3A_1914 : i32 to vector<16xi32>
    %select_n3A_1916 = arith.select %gt3A_1913, %broadcast_in_dim3A_1915, %select_n3A_1911 : vector<16xi1>, vector<16xi32>
    %max3A_1917 = arith.maximumf %max3A_1912, %add3A_1902 : vector<16xf32>
    %ge3A_1918 = arith.constant 2 : i32
    %ge3A_1919 = vector.broadcast %ge3A_1918 : i32 to vector<16xi32>
    %ge3A_1920 = arith.cmpi sge, %select_n3A_1916, %ge3A_1919 : vector<16xi32>
    %jit3A_1921 = arith.constant 1.000000e+00 : f32
    %jit3A_1922 = arith.constant 0.000000e+00 : f32
    %broadcast_in_dim3A_1923 = vector.broadcast %jit3A_1921 : f32 to vector<16xf32>
    %broadcast_in_dim3A_1924 = vector.broadcast %jit3A_1922 : f32 to vector<16xf32>
    %select_n3A_1925 = arith.select %ge3A_1920, %broadcast_in_dim3A_1923, %broadcast_in_dim3A_1924 : vector<16xi1>, vector<16xf32>
    %and3A_1926 = arith.constant 1 : i32
    %and3A_1927 = vector.broadcast %and3A_1926 : i32 to vector<16xi32>
    %and3A_1928 = arith.andi %select_n3A_1916, %and3A_1927 : vector<16xi32>
    %eq3A_1929 = arith.constant 1 : i32
    %eq3A_1930 = vector.broadcast %eq3A_1929 : i32 to vector<16xi32>
    %eq3A_1931 = arith.cmpi eq, %and3A_1928, %eq3A_1930 : vector<16xi32>
    %jit3A_1932 = arith.constant 1.000000e+00 : f32
    %jit3A_1933 = arith.constant 0.000000e+00 : f32
    %broadcast_in_dim3A_1934 = vector.broadcast %jit3A_1932 : f32 to vector<16xf32>
    %broadcast_in_dim3A_1935 = vector.broadcast %jit3A_1933 : f32 to vector<16xf32>
    %select_n3A_1936 = arith.select %eq3A_1931, %broadcast_in_dim3A_1934, %broadcast_in_dim3A_1935 : vector<16xi1>, vector<16xf32>
    %add3A_1937 = arith.constant 48 : i32
    %add3A_1938 = vector.broadcast %add3A_1937 : i32 to vector<16xi32>
    %add3A_1939 = arith.addi %iota3A, %add3A_1938 : vector<16xi32>
    %mul3A_1940 = arith.constant 16 : i32
    %mul3A_1941 = vector.broadcast %mul3A_1940 : i32 to vector<16xi32>
    %mul3A_1942 = arith.muli %add3A_1939, %mul3A_1941 : vector<16xi32>
    %add3A_1943 = arith.constant 12 : i32
    %add3A_1944 = vector.broadcast %add3A_1943 : i32 to vector<16xi32>
    %add3A_1945 = arith.addi %mul3A_1942, %add3A_1944 : vector<16xi32>
    tpu.vector_store_idx %arg10[%add3A_1945], %select_n3A_1925 : memref<1024xf32, #tpu.memory_space<vmem>>[vector<16xi32>], vector<16xf32>,
    %mul3A_1946 = arith.constant 16 : i32
    %mul3A_1947 = vector.broadcast %mul3A_1946 : i32 to vector<16xi32>
    %mul3A_1948 = arith.muli %add3A_1939, %mul3A_1947 : vector<16xi32>
    %add3A_1949 = arith.constant 13 : i32
    %add3A_1950 = vector.broadcast %add3A_1949 : i32 to vector<16xi32>
    %add3A_1951 = arith.addi %mul3A_1948, %add3A_1950 : vector<16xi32>
    tpu.vector_store_idx %arg10[%add3A_1951], %select_n3A_1936 : memref<1024xf32, #tpu.memory_space<vmem>>[vector<16xi32>], vector<16xf32>,
    %get3A_1952 = arith.constant 1136 : index
    %get3A_1953 = tpu.vector_load %arg8[%get3A_1952] {strides = array<i32>} : memref<1280xf32, #tpu.memory_space<vmem>>, vector<16xf32>,
    %get3A_1954 = arith.constant 1264 : index
    %get3A_1955 = tpu.vector_load %arg8[%get3A_1954] {strides = array<i32>} : memref<1280xf32, #tpu.memory_space<vmem>>, vector<16xf32>,
    %get3A_1956 = arith.constant 448 : index
    %get3A_1957 = tpu.vector_load %arg8[%get3A_1956] {strides = array<i32>} : memref<1280xf32, #tpu.memory_space<vmem>>, vector<16xf32>,
    %mul3A_1958 = arith.mulf %get3A_1957, %get3A_1953 : vector<16xf32>
    %get3A_1959 = arith.constant 960 : index
    %get3A_1960 = tpu.vector_load %arg8[%get3A_1959] {strides = array<i32>} : memref<1280xf32, #tpu.memory_space<vmem>>, vector<16xf32>,
    %mul3A_1961 = arith.mulf %get3A_1960, %get3A_1955 : vector<16xf32>
    %get3A_1962 = arith.constant 1792 : index
    %get3A_1963 = tpu.vector_load %arg7[%get3A_1962] {strides = array<i32>} : memref<2048xf32, #tpu.memory_space<vmem>>, vector<16xf32>,
    %get3A_1964 = arith.constant 1856 : index
    %get3A_1965 = tpu.vector_load %arg7[%get3A_1964] {strides = array<i32>} : memref<2048xf32, #tpu.memory_space<vmem>>, vector<16xf32>,
    %get3A_1966 = arith.constant 1920 : index
    %get3A_1967 = tpu.vector_load %arg7[%get3A_1966] {strides = array<i32>} : memref<2048xf32, #tpu.memory_space<vmem>>, vector<16xf32>,
    %get3A_1968 = arith.constant 1984 : index
    %get3A_1969 = tpu.vector_load %arg7[%get3A_1968] {strides = array<i32>} : memref<2048xf32, #tpu.memory_space<vmem>>, vector<16xf32>,
    %broadcast_in_dim3A_1970 = arith.constant 0 : i32
    %broadcast_in_dim3A_1971 = vector.broadcast %broadcast_in_dim3A_1970 : i32 to vector<16xi32>
    %add3A_1972 = arith.addf %get3A_1965, %mul3A_1961 : vector<16xf32>
    %add3A_1973 = arith.addf %get3A_1967, %mul3A_1958 : vector<16xf32>
    %add3A_1974 = arith.addf %get3A_1969, %mul3A_1961 : vector<16xf32>
    %add3A_1975 = arith.addf %add3A_1974, %mul3A_1958 : vector<16xf32>
    %gt3A_1976 = arith.cmpf ogt, %add3A_1972, %get3A_1963 : vector<16xf32>
    %broadcast_in_dim3A_1977 = arith.constant 1 : i32
    %broadcast_in_dim3A_1978 = vector.broadcast %broadcast_in_dim3A_1977 : i32 to vector<16xi32>
    %select_n3A_1979 = arith.select %gt3A_1976, %broadcast_in_dim3A_1978, %broadcast_in_dim3A_1971 : vector<16xi1>, vector<16xi32>
    %max3A_1980 = arith.maximumf %get3A_1963, %add3A_1972 : vector<16xf32>
    %gt3A_1981 = arith.cmpf ogt, %add3A_1973, %max3A_1980 : vector<16xf32>
    %broadcast_in_dim3A_1982 = arith.constant 2 : i32
    %broadcast_in_dim3A_1983 = vector.broadcast %broadcast_in_dim3A_1982 : i32 to vector<16xi32>
    %select_n3A_1984 = arith.select %gt3A_1981, %broadcast_in_dim3A_1983, %select_n3A_1979 : vector<16xi1>, vector<16xi32>
    %max3A_1985 = arith.maximumf %max3A_1980, %add3A_1973 : vector<16xf32>
    %gt3A_1986 = arith.cmpf ogt, %add3A_1975, %max3A_1985 : vector<16xf32>
    %broadcast_in_dim3A_1987 = arith.constant 3 : i32
    %broadcast_in_dim3A_1988 = vector.broadcast %broadcast_in_dim3A_1987 : i32 to vector<16xi32>
    %select_n3A_1989 = arith.select %gt3A_1986, %broadcast_in_dim3A_1988, %select_n3A_1984 : vector<16xi1>, vector<16xi32>
    %max3A_1990 = arith.maximumf %max3A_1985, %add3A_1975 : vector<16xf32>
    %ge3A_1991 = arith.constant 2 : i32
    %ge3A_1992 = vector.broadcast %ge3A_1991 : i32 to vector<16xi32>
    %ge3A_1993 = arith.cmpi sge, %select_n3A_1989, %ge3A_1992 : vector<16xi32>
    %jit3A_1994 = arith.constant 1.000000e+00 : f32
    %jit3A_1995 = arith.constant 0.000000e+00 : f32
    %broadcast_in_dim3A_1996 = vector.broadcast %jit3A_1994 : f32 to vector<16xf32>
    %broadcast_in_dim3A_1997 = vector.broadcast %jit3A_1995 : f32 to vector<16xf32>
    %select_n3A_1998 = arith.select %ge3A_1993, %broadcast_in_dim3A_1996, %broadcast_in_dim3A_1997 : vector<16xi1>, vector<16xf32>
    %and3A_1999 = arith.constant 1 : i32
    %and3A_2000 = vector.broadcast %and3A_1999 : i32 to vector<16xi32>
    %and3A_2001 = arith.andi %select_n3A_1989, %and3A_2000 : vector<16xi32>
    %eq3A_2002 = arith.constant 1 : i32
    %eq3A_2003 = vector.broadcast %eq3A_2002 : i32 to vector<16xi32>
    %eq3A_2004 = arith.cmpi eq, %and3A_2001, %eq3A_2003 : vector<16xi32>
    %jit3A_2005 = arith.constant 1.000000e+00 : f32
    %jit3A_2006 = arith.constant 0.000000e+00 : f32
    %broadcast_in_dim3A_2007 = vector.broadcast %jit3A_2005 : f32 to vector<16xf32>
    %broadcast_in_dim3A_2008 = vector.broadcast %jit3A_2006 : f32 to vector<16xf32>
    %select_n3A_2009 = arith.select %eq3A_2004, %broadcast_in_dim3A_2007, %broadcast_in_dim3A_2008 : vector<16xi1>, vector<16xf32>
    %add3A_2010 = arith.constant 0 : i32
    %add3A_2011 = vector.broadcast %add3A_2010 : i32 to vector<16xi32>
    %add3A_2012 = arith.addi %iota3A, %add3A_2011 : vector<16xi32>
    %mul3A_2013 = arith.constant 16 : i32
    %mul3A_2014 = vector.broadcast %mul3A_2013 : i32 to vector<16xi32>
    %mul3A_2015 = arith.muli %add3A_2012, %mul3A_2014 : vector<16xi32>
    %add3A_2016 = arith.constant 14 : i32
    %add3A_2017 = vector.broadcast %add3A_2016 : i32 to vector<16xi32>
    %add3A_2018 = arith.addi %mul3A_2015, %add3A_2017 : vector<16xi32>
    tpu.vector_store_idx %arg10[%add3A_2018], %select_n3A_1998 : memref<1024xf32, #tpu.memory_space<vmem>>[vector<16xi32>], vector<16xf32>,
    %mul3A_2019 = arith.constant 16 : i32
    %mul3A_2020 = vector.broadcast %mul3A_2019 : i32 to vector<16xi32>
    %mul3A_2021 = arith.muli %add3A_2012, %mul3A_2020 : vector<16xi32>
    %add3A_2022 = arith.constant 15 : i32
    %add3A_2023 = vector.broadcast %add3A_2022 : i32 to vector<16xi32>
    %add3A_2024 = arith.addi %mul3A_2021, %add3A_2023 : vector<16xi32>
    tpu.vector_store_idx %arg10[%add3A_2024], %select_n3A_2009 : memref<1024xf32, #tpu.memory_space<vmem>>[vector<16xi32>], vector<16xf32>,
    %get3A_2025 = arith.constant 464 : index
    %get3A_2026 = tpu.vector_load %arg8[%get3A_2025] {strides = array<i32>} : memref<1280xf32, #tpu.memory_space<vmem>>, vector<16xf32>,
    %mul3A_2027 = arith.mulf %get3A_2026, %get3A_1953 : vector<16xf32>
    %get3A_2028 = arith.constant 976 : index
    %get3A_2029 = tpu.vector_load %arg8[%get3A_2028] {strides = array<i32>} : memref<1280xf32, #tpu.memory_space<vmem>>, vector<16xf32>,
    %mul3A_2030 = arith.mulf %get3A_2029, %get3A_1955 : vector<16xf32>
    %get3A_2031 = arith.constant 1808 : index
    %get3A_2032 = tpu.vector_load %arg7[%get3A_2031] {strides = array<i32>} : memref<2048xf32, #tpu.memory_space<vmem>>, vector<16xf32>,
    %get3A_2033 = arith.constant 1872 : index
    %get3A_2034 = tpu.vector_load %arg7[%get3A_2033] {strides = array<i32>} : memref<2048xf32, #tpu.memory_space<vmem>>, vector<16xf32>,
    %get3A_2035 = arith.constant 1936 : index
    %get3A_2036 = tpu.vector_load %arg7[%get3A_2035] {strides = array<i32>} : memref<2048xf32, #tpu.memory_space<vmem>>, vector<16xf32>,
    %get3A_2037 = arith.constant 2000 : index
    %get3A_2038 = tpu.vector_load %arg7[%get3A_2037] {strides = array<i32>} : memref<2048xf32, #tpu.memory_space<vmem>>, vector<16xf32>,
    %broadcast_in_dim3A_2039 = arith.constant 0 : i32
    %broadcast_in_dim3A_2040 = vector.broadcast %broadcast_in_dim3A_2039 : i32 to vector<16xi32>
    %add3A_2041 = arith.addf %get3A_2034, %mul3A_2030 : vector<16xf32>
    %add3A_2042 = arith.addf %get3A_2036, %mul3A_2027 : vector<16xf32>
    %add3A_2043 = arith.addf %get3A_2038, %mul3A_2030 : vector<16xf32>
    %add3A_2044 = arith.addf %add3A_2043, %mul3A_2027 : vector<16xf32>
    %gt3A_2045 = arith.cmpf ogt, %add3A_2041, %get3A_2032 : vector<16xf32>
    %broadcast_in_dim3A_2046 = arith.constant 1 : i32
    %broadcast_in_dim3A_2047 = vector.broadcast %broadcast_in_dim3A_2046 : i32 to vector<16xi32>
    %select_n3A_2048 = arith.select %gt3A_2045, %broadcast_in_dim3A_2047, %broadcast_in_dim3A_2040 : vector<16xi1>, vector<16xi32>
    %max3A_2049 = arith.maximumf %get3A_2032, %add3A_2041 : vector<16xf32>
    %gt3A_2050 = arith.cmpf ogt, %add3A_2042, %max3A_2049 : vector<16xf32>
    %broadcast_in_dim3A_2051 = arith.constant 2 : i32
    %broadcast_in_dim3A_2052 = vector.broadcast %broadcast_in_dim3A_2051 : i32 to vector<16xi32>
    %select_n3A_2053 = arith.select %gt3A_2050, %broadcast_in_dim3A_2052, %select_n3A_2048 : vector<16xi1>, vector<16xi32>
    %max3A_2054 = arith.maximumf %max3A_2049, %add3A_2042 : vector<16xf32>
    %gt3A_2055 = arith.cmpf ogt, %add3A_2044, %max3A_2054 : vector<16xf32>
    %broadcast_in_dim3A_2056 = arith.constant 3 : i32
    %broadcast_in_dim3A_2057 = vector.broadcast %broadcast_in_dim3A_2056 : i32 to vector<16xi32>
    %select_n3A_2058 = arith.select %gt3A_2055, %broadcast_in_dim3A_2057, %select_n3A_2053 : vector<16xi1>, vector<16xi32>
    %max3A_2059 = arith.maximumf %max3A_2054, %add3A_2044 : vector<16xf32>
    %ge3A_2060 = arith.constant 2 : i32
    %ge3A_2061 = vector.broadcast %ge3A_2060 : i32 to vector<16xi32>
    %ge3A_2062 = arith.cmpi sge, %select_n3A_2058, %ge3A_2061 : vector<16xi32>
    %jit3A_2063 = arith.constant 1.000000e+00 : f32
    %jit3A_2064 = arith.constant 0.000000e+00 : f32
    %broadcast_in_dim3A_2065 = vector.broadcast %jit3A_2063 : f32 to vector<16xf32>
    %broadcast_in_dim3A_2066 = vector.broadcast %jit3A_2064 : f32 to vector<16xf32>
    %select_n3A_2067 = arith.select %ge3A_2062, %broadcast_in_dim3A_2065, %broadcast_in_dim3A_2066 : vector<16xi1>, vector<16xf32>
    %and3A_2068 = arith.constant 1 : i32
    %and3A_2069 = vector.broadcast %and3A_2068 : i32 to vector<16xi32>
    %and3A_2070 = arith.andi %select_n3A_2058, %and3A_2069 : vector<16xi32>
    %eq3A_2071 = arith.constant 1 : i32
    %eq3A_2072 = vector.broadcast %eq3A_2071 : i32 to vector<16xi32>
    %eq3A_2073 = arith.cmpi eq, %and3A_2070, %eq3A_2072 : vector<16xi32>
    %jit3A_2074 = arith.constant 1.000000e+00 : f32
    %jit3A_2075 = arith.constant 0.000000e+00 : f32
    %broadcast_in_dim3A_2076 = vector.broadcast %jit3A_2074 : f32 to vector<16xf32>
    %broadcast_in_dim3A_2077 = vector.broadcast %jit3A_2075 : f32 to vector<16xf32>
    %select_n3A_2078 = arith.select %eq3A_2073, %broadcast_in_dim3A_2076, %broadcast_in_dim3A_2077 : vector<16xi1>, vector<16xf32>
    %add3A_2079 = arith.constant 16 : i32
    %add3A_2080 = vector.broadcast %add3A_2079 : i32 to vector<16xi32>
    %add3A_2081 = arith.addi %iota3A, %add3A_2080 : vector<16xi32>
    %mul3A_2082 = arith.constant 16 : i32
    %mul3A_2083 = vector.broadcast %mul3A_2082 : i32 to vector<16xi32>
    %mul3A_2084 = arith.muli %add3A_2081, %mul3A_2083 : vector<16xi32>
    %add3A_2085 = arith.constant 14 : i32
    %add3A_2086 = vector.broadcast %add3A_2085 : i32 to vector<16xi32>
    %add3A_2087 = arith.addi %mul3A_2084, %add3A_2086 : vector<16xi32>
    tpu.vector_store_idx %arg10[%add3A_2087], %select_n3A_2067 : memref<1024xf32, #tpu.memory_space<vmem>>[vector<16xi32>], vector<16xf32>,
    %mul3A_2088 = arith.constant 16 : i32
    %mul3A_2089 = vector.broadcast %mul3A_2088 : i32 to vector<16xi32>
    %mul3A_2090 = arith.muli %add3A_2081, %mul3A_2089 : vector<16xi32>
    %add3A_2091 = arith.constant 15 : i32
    %add3A_2092 = vector.broadcast %add3A_2091 : i32 to vector<16xi32>
    %add3A_2093 = arith.addi %mul3A_2090, %add3A_2092 : vector<16xi32>
    tpu.vector_store_idx %arg10[%add3A_2093], %select_n3A_2078 : memref<1024xf32, #tpu.memory_space<vmem>>[vector<16xi32>], vector<16xf32>,
    %get3A_2094 = arith.constant 480 : index
    %get3A_2095 = tpu.vector_load %arg8[%get3A_2094] {strides = array<i32>} : memref<1280xf32, #tpu.memory_space<vmem>>, vector<16xf32>,
    %mul3A_2096 = arith.mulf %get3A_2095, %get3A_1953 : vector<16xf32>
    %get3A_2097 = arith.constant 992 : index
    %get3A_2098 = tpu.vector_load %arg8[%get3A_2097] {strides = array<i32>} : memref<1280xf32, #tpu.memory_space<vmem>>, vector<16xf32>,
    %mul3A_2099 = arith.mulf %get3A_2098, %get3A_1955 : vector<16xf32>
    %get3A_2100 = arith.constant 1824 : index
    %get3A_2101 = tpu.vector_load %arg7[%get3A_2100] {strides = array<i32>} : memref<2048xf32, #tpu.memory_space<vmem>>, vector<16xf32>,
    %get3A_2102 = arith.constant 1888 : index
    %get3A_2103 = tpu.vector_load %arg7[%get3A_2102] {strides = array<i32>} : memref<2048xf32, #tpu.memory_space<vmem>>, vector<16xf32>,
    %get3A_2104 = arith.constant 1952 : index
    %get3A_2105 = tpu.vector_load %arg7[%get3A_2104] {strides = array<i32>} : memref<2048xf32, #tpu.memory_space<vmem>>, vector<16xf32>,
    %get3A_2106 = arith.constant 2016 : index
    %get3A_2107 = tpu.vector_load %arg7[%get3A_2106] {strides = array<i32>} : memref<2048xf32, #tpu.memory_space<vmem>>, vector<16xf32>,
    %broadcast_in_dim3A_2108 = arith.constant 0 : i32
    %broadcast_in_dim3A_2109 = vector.broadcast %broadcast_in_dim3A_2108 : i32 to vector<16xi32>
    %add3A_2110 = arith.addf %get3A_2103, %mul3A_2099 : vector<16xf32>
    %add3A_2111 = arith.addf %get3A_2105, %mul3A_2096 : vector<16xf32>
    %add3A_2112 = arith.addf %get3A_2107, %mul3A_2099 : vector<16xf32>
    %add3A_2113 = arith.addf %add3A_2112, %mul3A_2096 : vector<16xf32>
    %gt3A_2114 = arith.cmpf ogt, %add3A_2110, %get3A_2101 : vector<16xf32>
    %broadcast_in_dim3A_2115 = arith.constant 1 : i32
    %broadcast_in_dim3A_2116 = vector.broadcast %broadcast_in_dim3A_2115 : i32 to vector<16xi32>
    %select_n3A_2117 = arith.select %gt3A_2114, %broadcast_in_dim3A_2116, %broadcast_in_dim3A_2109 : vector<16xi1>, vector<16xi32>
    %max3A_2118 = arith.maximumf %get3A_2101, %add3A_2110 : vector<16xf32>
    %gt3A_2119 = arith.cmpf ogt, %add3A_2111, %max3A_2118 : vector<16xf32>
    %broadcast_in_dim3A_2120 = arith.constant 2 : i32
    %broadcast_in_dim3A_2121 = vector.broadcast %broadcast_in_dim3A_2120 : i32 to vector<16xi32>
    %select_n3A_2122 = arith.select %gt3A_2119, %broadcast_in_dim3A_2121, %select_n3A_2117 : vector<16xi1>, vector<16xi32>
    %max3A_2123 = arith.maximumf %max3A_2118, %add3A_2111 : vector<16xf32>
    %gt3A_2124 = arith.cmpf ogt, %add3A_2113, %max3A_2123 : vector<16xf32>
    %broadcast_in_dim3A_2125 = arith.constant 3 : i32
    %broadcast_in_dim3A_2126 = vector.broadcast %broadcast_in_dim3A_2125 : i32 to vector<16xi32>
    %select_n3A_2127 = arith.select %gt3A_2124, %broadcast_in_dim3A_2126, %select_n3A_2122 : vector<16xi1>, vector<16xi32>
    %max3A_2128 = arith.maximumf %max3A_2123, %add3A_2113 : vector<16xf32>
    %ge3A_2129 = arith.constant 2 : i32
    %ge3A_2130 = vector.broadcast %ge3A_2129 : i32 to vector<16xi32>
    %ge3A_2131 = arith.cmpi sge, %select_n3A_2127, %ge3A_2130 : vector<16xi32>
    %jit3A_2132 = arith.constant 1.000000e+00 : f32
    %jit3A_2133 = arith.constant 0.000000e+00 : f32
    %broadcast_in_dim3A_2134 = vector.broadcast %jit3A_2132 : f32 to vector<16xf32>
    %broadcast_in_dim3A_2135 = vector.broadcast %jit3A_2133 : f32 to vector<16xf32>
    %select_n3A_2136 = arith.select %ge3A_2131, %broadcast_in_dim3A_2134, %broadcast_in_dim3A_2135 : vector<16xi1>, vector<16xf32>
    %and3A_2137 = arith.constant 1 : i32
    %and3A_2138 = vector.broadcast %and3A_2137 : i32 to vector<16xi32>
    %and3A_2139 = arith.andi %select_n3A_2127, %and3A_2138 : vector<16xi32>
    %eq3A_2140 = arith.constant 1 : i32
    %eq3A_2141 = vector.broadcast %eq3A_2140 : i32 to vector<16xi32>
    %eq3A_2142 = arith.cmpi eq, %and3A_2139, %eq3A_2141 : vector<16xi32>
    %jit3A_2143 = arith.constant 1.000000e+00 : f32
    %jit3A_2144 = arith.constant 0.000000e+00 : f32
    %broadcast_in_dim3A_2145 = vector.broadcast %jit3A_2143 : f32 to vector<16xf32>
    %broadcast_in_dim3A_2146 = vector.broadcast %jit3A_2144 : f32 to vector<16xf32>
    %select_n3A_2147 = arith.select %eq3A_2142, %broadcast_in_dim3A_2145, %broadcast_in_dim3A_2146 : vector<16xi1>, vector<16xf32>
    %add3A_2148 = arith.constant 32 : i32
    %add3A_2149 = vector.broadcast %add3A_2148 : i32 to vector<16xi32>
    %add3A_2150 = arith.addi %iota3A, %add3A_2149 : vector<16xi32>
    %mul3A_2151 = arith.constant 16 : i32
    %mul3A_2152 = vector.broadcast %mul3A_2151 : i32 to vector<16xi32>
    %mul3A_2153 = arith.muli %add3A_2150, %mul3A_2152 : vector<16xi32>
    %add3A_2154 = arith.constant 14 : i32
    %add3A_2155 = vector.broadcast %add3A_2154 : i32 to vector<16xi32>
    %add3A_2156 = arith.addi %mul3A_2153, %add3A_2155 : vector<16xi32>
    tpu.vector_store_idx %arg10[%add3A_2156], %select_n3A_2136 : memref<1024xf32, #tpu.memory_space<vmem>>[vector<16xi32>], vector<16xf32>,
    %mul3A_2157 = arith.constant 16 : i32
    %mul3A_2158 = vector.broadcast %mul3A_2157 : i32 to vector<16xi32>
    %mul3A_2159 = arith.muli %add3A_2150, %mul3A_2158 : vector<16xi32>
    %add3A_2160 = arith.constant 15 : i32
    %add3A_2161 = vector.broadcast %add3A_2160 : i32 to vector<16xi32>
    %add3A_2162 = arith.addi %mul3A_2159, %add3A_2161 : vector<16xi32>
    tpu.vector_store_idx %arg10[%add3A_2162], %select_n3A_2147 : memref<1024xf32, #tpu.memory_space<vmem>>[vector<16xi32>], vector<16xf32>,
    %get3A_2163 = arith.constant 496 : index
    %get3A_2164 = tpu.vector_load %arg8[%get3A_2163] {strides = array<i32>} : memref<1280xf32, #tpu.memory_space<vmem>>, vector<16xf32>,
    %mul3A_2165 = arith.mulf %get3A_2164, %get3A_1953 : vector<16xf32>
    %get3A_2166 = arith.constant 1008 : index
    %get3A_2167 = tpu.vector_load %arg8[%get3A_2166] {strides = array<i32>} : memref<1280xf32, #tpu.memory_space<vmem>>, vector<16xf32>,
    %mul3A_2168 = arith.mulf %get3A_2167, %get3A_1955 : vector<16xf32>
    %get3A_2169 = arith.constant 1840 : index
    %get3A_2170 = tpu.vector_load %arg7[%get3A_2169] {strides = array<i32>} : memref<2048xf32, #tpu.memory_space<vmem>>, vector<16xf32>,
    %get3A_2171 = arith.constant 1904 : index
    %get3A_2172 = tpu.vector_load %arg7[%get3A_2171] {strides = array<i32>} : memref<2048xf32, #tpu.memory_space<vmem>>, vector<16xf32>,
    %get3A_2173 = arith.constant 1968 : index
    %get3A_2174 = tpu.vector_load %arg7[%get3A_2173] {strides = array<i32>} : memref<2048xf32, #tpu.memory_space<vmem>>, vector<16xf32>,
    %get3A_2175 = arith.constant 2032 : index
    %get3A_2176 = tpu.vector_load %arg7[%get3A_2175] {strides = array<i32>} : memref<2048xf32, #tpu.memory_space<vmem>>, vector<16xf32>,
    %broadcast_in_dim3A_2177 = arith.constant 0 : i32
    %broadcast_in_dim3A_2178 = vector.broadcast %broadcast_in_dim3A_2177 : i32 to vector<16xi32>
    %add3A_2179 = arith.addf %get3A_2172, %mul3A_2168 : vector<16xf32>
    %add3A_2180 = arith.addf %get3A_2174, %mul3A_2165 : vector<16xf32>
    %add3A_2181 = arith.addf %get3A_2176, %mul3A_2168 : vector<16xf32>
    %add3A_2182 = arith.addf %add3A_2181, %mul3A_2165 : vector<16xf32>
    %gt3A_2183 = arith.cmpf ogt, %add3A_2179, %get3A_2170 : vector<16xf32>
    %broadcast_in_dim3A_2184 = arith.constant 1 : i32
    %broadcast_in_dim3A_2185 = vector.broadcast %broadcast_in_dim3A_2184 : i32 to vector<16xi32>
    %select_n3A_2186 = arith.select %gt3A_2183, %broadcast_in_dim3A_2185, %broadcast_in_dim3A_2178 : vector<16xi1>, vector<16xi32>
    %max3A_2187 = arith.maximumf %get3A_2170, %add3A_2179 : vector<16xf32>
    %gt3A_2188 = arith.cmpf ogt, %add3A_2180, %max3A_2187 : vector<16xf32>
    %broadcast_in_dim3A_2189 = arith.constant 2 : i32
    %broadcast_in_dim3A_2190 = vector.broadcast %broadcast_in_dim3A_2189 : i32 to vector<16xi32>
    %select_n3A_2191 = arith.select %gt3A_2188, %broadcast_in_dim3A_2190, %select_n3A_2186 : vector<16xi1>, vector<16xi32>
    %max3A_2192 = arith.maximumf %max3A_2187, %add3A_2180 : vector<16xf32>
    %gt3A_2193 = arith.cmpf ogt, %add3A_2182, %max3A_2192 : vector<16xf32>
    %broadcast_in_dim3A_2194 = arith.constant 3 : i32
    %broadcast_in_dim3A_2195 = vector.broadcast %broadcast_in_dim3A_2194 : i32 to vector<16xi32>
    %select_n3A_2196 = arith.select %gt3A_2193, %broadcast_in_dim3A_2195, %select_n3A_2191 : vector<16xi1>, vector<16xi32>
    %max3A_2197 = arith.maximumf %max3A_2192, %add3A_2182 : vector<16xf32>
    %ge3A_2198 = arith.constant 2 : i32
    %ge3A_2199 = vector.broadcast %ge3A_2198 : i32 to vector<16xi32>
    %ge3A_2200 = arith.cmpi sge, %select_n3A_2196, %ge3A_2199 : vector<16xi32>
    %jit3A_2201 = arith.constant 1.000000e+00 : f32
    %jit3A_2202 = arith.constant 0.000000e+00 : f32
    %broadcast_in_dim3A_2203 = vector.broadcast %jit3A_2201 : f32 to vector<16xf32>
    %broadcast_in_dim3A_2204 = vector.broadcast %jit3A_2202 : f32 to vector<16xf32>
    %select_n3A_2205 = arith.select %ge3A_2200, %broadcast_in_dim3A_2203, %broadcast_in_dim3A_2204 : vector<16xi1>, vector<16xf32>
    %and3A_2206 = arith.constant 1 : i32
    %and3A_2207 = vector.broadcast %and3A_2206 : i32 to vector<16xi32>
    %and3A_2208 = arith.andi %select_n3A_2196, %and3A_2207 : vector<16xi32>
    %eq3A_2209 = arith.constant 1 : i32
    %eq3A_2210 = vector.broadcast %eq3A_2209 : i32 to vector<16xi32>
    %eq3A_2211 = arith.cmpi eq, %and3A_2208, %eq3A_2210 : vector<16xi32>
    %jit3A_2212 = arith.constant 1.000000e+00 : f32
    %jit3A_2213 = arith.constant 0.000000e+00 : f32
    %broadcast_in_dim3A_2214 = vector.broadcast %jit3A_2212 : f32 to vector<16xf32>
    %broadcast_in_dim3A_2215 = vector.broadcast %jit3A_2213 : f32 to vector<16xf32>
    %select_n3A_2216 = arith.select %eq3A_2211, %broadcast_in_dim3A_2214, %broadcast_in_dim3A_2215 : vector<16xi1>, vector<16xf32>
    %add3A_2217 = arith.constant 48 : i32
    %add3A_2218 = vector.broadcast %add3A_2217 : i32 to vector<16xi32>
    %add3A_2219 = arith.addi %iota3A, %add3A_2218 : vector<16xi32>
    %mul3A_2220 = arith.constant 16 : i32
    %mul3A_2221 = vector.broadcast %mul3A_2220 : i32 to vector<16xi32>
    %mul3A_2222 = arith.muli %add3A_2219, %mul3A_2221 : vector<16xi32>
    %add3A_2223 = arith.constant 14 : i32
    %add3A_2224 = vector.broadcast %add3A_2223 : i32 to vector<16xi32>
    %add3A_2225 = arith.addi %mul3A_2222, %add3A_2224 : vector<16xi32>
    tpu.vector_store_idx %arg10[%add3A_2225], %select_n3A_2205 : memref<1024xf32, #tpu.memory_space<vmem>>[vector<16xi32>], vector<16xf32>,
    %mul3A_2226 = arith.constant 16 : i32
    %mul3A_2227 = vector.broadcast %mul3A_2226 : i32 to vector<16xi32>
    %mul3A_2228 = arith.muli %add3A_2219, %mul3A_2227 : vector<16xi32>
    %add3A_2229 = arith.constant 15 : i32
    %add3A_2230 = vector.broadcast %add3A_2229 : i32 to vector<16xi32>
    %add3A_2231 = arith.addi %mul3A_2228, %add3A_2230 : vector<16xi32>
    tpu.vector_store_idx %arg10[%add3A_2231], %select_n3A_2216 : memref<1024xf32, #tpu.memory_space<vmem>>[vector<16xi32>], vector<16xf32>,
    %get3A_2232 = arith.constant 0 : index
    %get3A_2233 = tpu.vector_load %arg9[%get3A_2232] {strides = array<i32>} : memref<16xi32, #tpu.memory_space<vmem>>, vector<16xi32>,
    tpu.wait_dma2 semaphore(%arg14 : memref<!tpu.dma_semaphore, #tpu.memory_space<semaphore_mem>>) src(%arg5 : memref<4x8192xf32, #tpu.memory_space<hbm>>) dst(%arg11 : memref<4x8192xf32, #tpu.memory_space<vmem>>)
    %get3A_2234 = arith.constant 0 : index
    %get3A_2235 = tpu.vector_load %arg10[%get3A_2234] {strides = array<i32>} : memref<1024xf32, #tpu.memory_space<vmem>>, vector<16xf32>,
    %broadcast_in_dim3A_2236 = arith.constant 0 : i32
    %broadcast_in_dim3A_2237 = vector.broadcast %broadcast_in_dim3A_2236 : i32 to vector<16xi32>
    tpu.vector_store_idx %arg11[%broadcast_in_dim3A_2237, %get3A_2233], %get3A_2235 : memref<4x8192xf32, #tpu.memory_space<vmem>>[vector<16xi32>, vector<16xi32>], vector<16xf32>,
    %get3A_2238 = arith.constant 16 : index
    %get3A_2239 = tpu.vector_load %arg10[%get3A_2238] {strides = array<i32>} : memref<1024xf32, #tpu.memory_space<vmem>>, vector<16xf32>,
    %broadcast_in_dim3A_2240 = arith.constant 1 : i32
    %broadcast_in_dim3A_2241 = vector.broadcast %broadcast_in_dim3A_2240 : i32 to vector<16xi32>
    tpu.vector_store_idx %arg11[%broadcast_in_dim3A_2241, %get3A_2233], %get3A_2239 : memref<4x8192xf32, #tpu.memory_space<vmem>>[vector<16xi32>, vector<16xi32>], vector<16xf32>,
    %get3A_2242 = arith.constant 32 : index
    %get3A_2243 = tpu.vector_load %arg10[%get3A_2242] {strides = array<i32>} : memref<1024xf32, #tpu.memory_space<vmem>>, vector<16xf32>,
    %broadcast_in_dim3A_2244 = arith.constant 2 : i32
    %broadcast_in_dim3A_2245 = vector.broadcast %broadcast_in_dim3A_2244 : i32 to vector<16xi32>
    tpu.vector_store_idx %arg11[%broadcast_in_dim3A_2245, %get3A_2233], %get3A_2243 : memref<4x8192xf32, #tpu.memory_space<vmem>>[vector<16xi32>, vector<16xi32>], vector<16xf32>,
    %get3A_2246 = arith.constant 48 : index
    %get3A_2247 = tpu.vector_load %arg10[%get3A_2246] {strides = array<i32>} : memref<1024xf32, #tpu.memory_space<vmem>>, vector<16xf32>,
    %broadcast_in_dim3A_2248 = arith.constant 3 : i32
    %broadcast_in_dim3A_2249 = vector.broadcast %broadcast_in_dim3A_2248 : i32 to vector<16xi32>
    tpu.vector_store_idx %arg11[%broadcast_in_dim3A_2249, %get3A_2233], %get3A_2247 : memref<4x8192xf32, #tpu.memory_space<vmem>>[vector<16xi32>, vector<16xi32>], vector<16xf32>,
    %mul3A_2250 = arith.constant 64 : i32
    %mul3A_2251 = arith.muli %add3A, %mul3A_2250 : i32
    %add3A_2252 = arith.constant 0 : i32
    %add3A_2253 = arith.addi %mul3A_2251, %add3A_2252 : i32
    %dma_start3A = arith.constant 0 : i32
    %dma_start3A_2254 = tpu.memref_slice %arg6[%add3A_2253, %dma_start3A] : memref<2048x8192xf32, #tpu.memory_space<hbm>> -> memref<4x8192xf32, #tpu.memory_space<hbm>>
    %dma_start3A_2255 = arith.constant 0 : i32
    %dma_start3A_2256 = tpu.memref_slice %arg6[%add3A_2253, %dma_start3A_2255] : memref<2048x8192xf32, #tpu.memory_space<hbm>> -> memref<4x8192xf32, #tpu.memory_space<hbm>>
    tpu.enqueue_dma source(%arg11 : memref<4x8192xf32, #tpu.memory_space<vmem>>) target(%dma_start3A_2256 : memref<4x8192xf32, #tpu.memory_space<hbm>>) target_semaphore(%arg14 : memref<!tpu.dma_semaphore, #tpu.memory_space<semaphore_mem>>)
    tpu.wait_dma2 semaphore(%arg15 : memref<!tpu.dma_semaphore, #tpu.memory_space<semaphore_mem>>) src(%arg5 : memref<4x8192xf32, #tpu.memory_space<hbm>>) dst(%arg12 : memref<4x8192xf32, #tpu.memory_space<vmem>>)
    %get3A_2257 = arith.constant 64 : index
    %get3A_2258 = tpu.vector_load %arg10[%get3A_2257] {strides = array<i32>} : memref<1024xf32, #tpu.memory_space<vmem>>, vector<16xf32>,
    %broadcast_in_dim3A_2259 = arith.constant 0 : i32
    %broadcast_in_dim3A_2260 = vector.broadcast %broadcast_in_dim3A_2259 : i32 to vector<16xi32>
    tpu.vector_store_idx %arg12[%broadcast_in_dim3A_2260, %get3A_2233], %get3A_2258 : memref<4x8192xf32, #tpu.memory_space<vmem>>[vector<16xi32>, vector<16xi32>], vector<16xf32>,
    %get3A_2261 = arith.constant 80 : index
    %get3A_2262 = tpu.vector_load %arg10[%get3A_2261] {strides = array<i32>} : memref<1024xf32, #tpu.memory_space<vmem>>, vector<16xf32>,
    %broadcast_in_dim3A_2263 = arith.constant 1 : i32
    %broadcast_in_dim3A_2264 = vector.broadcast %broadcast_in_dim3A_2263 : i32 to vector<16xi32>
    tpu.vector_store_idx %arg12[%broadcast_in_dim3A_2264, %get3A_2233], %get3A_2262 : memref<4x8192xf32, #tpu.memory_space<vmem>>[vector<16xi32>, vector<16xi32>], vector<16xf32>,
    %get3A_2265 = arith.constant 96 : index
    %get3A_2266 = tpu.vector_load %arg10[%get3A_2265] {strides = array<i32>} : memref<1024xf32, #tpu.memory_space<vmem>>, vector<16xf32>,
    %broadcast_in_dim3A_2267 = arith.constant 2 : i32
    %broadcast_in_dim3A_2268 = vector.broadcast %broadcast_in_dim3A_2267 : i32 to vector<16xi32>
    tpu.vector_store_idx %arg12[%broadcast_in_dim3A_2268, %get3A_2233], %get3A_2266 : memref<4x8192xf32, #tpu.memory_space<vmem>>[vector<16xi32>, vector<16xi32>], vector<16xf32>,
    %get3A_2269 = arith.constant 112 : index
    %get3A_2270 = tpu.vector_load %arg10[%get3A_2269] {strides = array<i32>} : memref<1024xf32, #tpu.memory_space<vmem>>, vector<16xf32>,
    %broadcast_in_dim3A_2271 = arith.constant 3 : i32
    %broadcast_in_dim3A_2272 = vector.broadcast %broadcast_in_dim3A_2271 : i32 to vector<16xi32>
    tpu.vector_store_idx %arg12[%broadcast_in_dim3A_2272, %get3A_2233], %get3A_2270 : memref<4x8192xf32, #tpu.memory_space<vmem>>[vector<16xi32>, vector<16xi32>], vector<16xf32>,
    %mul3A_2273 = arith.constant 64 : i32
    %mul3A_2274 = arith.muli %add3A, %mul3A_2273 : i32
    %add3A_2275 = arith.constant 4 : i32
    %add3A_2276 = arith.addi %mul3A_2274, %add3A_2275 : i32
    %dma_start3A_2277 = arith.constant 0 : i32
    %dma_start3A_2278 = tpu.memref_slice %arg6[%add3A_2276, %dma_start3A_2277] : memref<2048x8192xf32, #tpu.memory_space<hbm>> -> memref<4x8192xf32, #tpu.memory_space<hbm>>
    %dma_start3A_2279 = arith.constant 0 : i32
    %dma_start3A_2280 = tpu.memref_slice %arg6[%add3A_2276, %dma_start3A_2279] : memref<2048x8192xf32, #tpu.memory_space<hbm>> -> memref<4x8192xf32, #tpu.memory_space<hbm>>
    tpu.enqueue_dma source(%arg12 : memref<4x8192xf32, #tpu.memory_space<vmem>>) target(%dma_start3A_2280 : memref<4x8192xf32, #tpu.memory_space<hbm>>) target_semaphore(%arg15 : memref<!tpu.dma_semaphore, #tpu.memory_space<semaphore_mem>>)
    tpu.wait_dma2 semaphore(%arg16 : memref<!tpu.dma_semaphore, #tpu.memory_space<semaphore_mem>>) src(%arg5 : memref<4x8192xf32, #tpu.memory_space<hbm>>) dst(%arg13 : memref<4x8192xf32, #tpu.memory_space<vmem>>)
    %get3A_2281 = arith.constant 128 : index
    %get3A_2282 = tpu.vector_load %arg10[%get3A_2281] {strides = array<i32>} : memref<1024xf32, #tpu.memory_space<vmem>>, vector<16xf32>,
    %broadcast_in_dim3A_2283 = arith.constant 0 : i32
    %broadcast_in_dim3A_2284 = vector.broadcast %broadcast_in_dim3A_2283 : i32 to vector<16xi32>
    tpu.vector_store_idx %arg13[%broadcast_in_dim3A_2284, %get3A_2233], %get3A_2282 : memref<4x8192xf32, #tpu.memory_space<vmem>>[vector<16xi32>, vector<16xi32>], vector<16xf32>,
    %get3A_2285 = arith.constant 144 : index
    %get3A_2286 = tpu.vector_load %arg10[%get3A_2285] {strides = array<i32>} : memref<1024xf32, #tpu.memory_space<vmem>>, vector<16xf32>,
    %broadcast_in_dim3A_2287 = arith.constant 1 : i32
    %broadcast_in_dim3A_2288 = vector.broadcast %broadcast_in_dim3A_2287 : i32 to vector<16xi32>
    tpu.vector_store_idx %arg13[%broadcast_in_dim3A_2288, %get3A_2233], %get3A_2286 : memref<4x8192xf32, #tpu.memory_space<vmem>>[vector<16xi32>, vector<16xi32>], vector<16xf32>,
    %get3A_2289 = arith.constant 160 : index
    %get3A_2290 = tpu.vector_load %arg10[%get3A_2289] {strides = array<i32>} : memref<1024xf32, #tpu.memory_space<vmem>>, vector<16xf32>,
    %broadcast_in_dim3A_2291 = arith.constant 2 : i32
    %broadcast_in_dim3A_2292 = vector.broadcast %broadcast_in_dim3A_2291 : i32 to vector<16xi32>
    tpu.vector_store_idx %arg13[%broadcast_in_dim3A_2292, %get3A_2233], %get3A_2290 : memref<4x8192xf32, #tpu.memory_space<vmem>>[vector<16xi32>, vector<16xi32>], vector<16xf32>,
    %get3A_2293 = arith.constant 176 : index
    %get3A_2294 = tpu.vector_load %arg10[%get3A_2293] {strides = array<i32>} : memref<1024xf32, #tpu.memory_space<vmem>>, vector<16xf32>,
    %broadcast_in_dim3A_2295 = arith.constant 3 : i32
    %broadcast_in_dim3A_2296 = vector.broadcast %broadcast_in_dim3A_2295 : i32 to vector<16xi32>
    tpu.vector_store_idx %arg13[%broadcast_in_dim3A_2296, %get3A_2233], %get3A_2294 : memref<4x8192xf32, #tpu.memory_space<vmem>>[vector<16xi32>, vector<16xi32>], vector<16xf32>,
    %mul3A_2297 = arith.constant 64 : i32
    %mul3A_2298 = arith.muli %add3A, %mul3A_2297 : i32
    %add3A_2299 = arith.constant 8 : i32
    %add3A_2300 = arith.addi %mul3A_2298, %add3A_2299 : i32
    %dma_start3A_2301 = arith.constant 0 : i32
    %dma_start3A_2302 = tpu.memref_slice %arg6[%add3A_2300, %dma_start3A_2301] : memref<2048x8192xf32, #tpu.memory_space<hbm>> -> memref<4x8192xf32, #tpu.memory_space<hbm>>
    %dma_start3A_2303 = arith.constant 0 : i32
    %dma_start3A_2304 = tpu.memref_slice %arg6[%add3A_2300, %dma_start3A_2303] : memref<2048x8192xf32, #tpu.memory_space<hbm>> -> memref<4x8192xf32, #tpu.memory_space<hbm>>
    tpu.enqueue_dma source(%arg13 : memref<4x8192xf32, #tpu.memory_space<vmem>>) target(%dma_start3A_2304 : memref<4x8192xf32, #tpu.memory_space<hbm>>) target_semaphore(%arg16 : memref<!tpu.dma_semaphore, #tpu.memory_space<semaphore_mem>>)
    %dma_wait3A = arith.constant 0 : i32
    %dma_wait3A_2305 = tpu.memref_slice %arg6[%add3A_2253, %dma_wait3A] : memref<2048x8192xf32, #tpu.memory_space<hbm>> -> memref<4x8192xf32, #tpu.memory_space<hbm>>
    %dma_wait3A_2306 = arith.constant 0 : i32
    %dma_wait3A_2307 = tpu.memref_slice %arg6[%add3A_2253, %dma_wait3A_2306] : memref<2048x8192xf32, #tpu.memory_space<hbm>> -> memref<4x8192xf32, #tpu.memory_space<hbm>>
    tpu.wait_dma2 semaphore(%arg14 : memref<!tpu.dma_semaphore, #tpu.memory_space<semaphore_mem>>) src(%arg11 : memref<4x8192xf32, #tpu.memory_space<vmem>>) dst(%dma_wait3A_2307 : memref<4x8192xf32, #tpu.memory_space<hbm>>)
    %get3A_2308 = arith.constant 192 : index
    %get3A_2309 = tpu.vector_load %arg10[%get3A_2308] {strides = array<i32>} : memref<1024xf32, #tpu.memory_space<vmem>>, vector<16xf32>,
    %broadcast_in_dim3A_2310 = arith.constant 0 : i32
    %broadcast_in_dim3A_2311 = vector.broadcast %broadcast_in_dim3A_2310 : i32 to vector<16xi32>
    tpu.vector_store_idx %arg11[%broadcast_in_dim3A_2311, %get3A_2233], %get3A_2309 : memref<4x8192xf32, #tpu.memory_space<vmem>>[vector<16xi32>, vector<16xi32>], vector<16xf32>,
    %get3A_2312 = arith.constant 208 : index
    %get3A_2313 = tpu.vector_load %arg10[%get3A_2312] {strides = array<i32>} : memref<1024xf32, #tpu.memory_space<vmem>>, vector<16xf32>,
    %broadcast_in_dim3A_2314 = arith.constant 1 : i32
    %broadcast_in_dim3A_2315 = vector.broadcast %broadcast_in_dim3A_2314 : i32 to vector<16xi32>
    tpu.vector_store_idx %arg11[%broadcast_in_dim3A_2315, %get3A_2233], %get3A_2313 : memref<4x8192xf32, #tpu.memory_space<vmem>>[vector<16xi32>, vector<16xi32>], vector<16xf32>,
    %get3A_2316 = arith.constant 224 : index
    %get3A_2317 = tpu.vector_load %arg10[%get3A_2316] {strides = array<i32>} : memref<1024xf32, #tpu.memory_space<vmem>>, vector<16xf32>,
    %broadcast_in_dim3A_2318 = arith.constant 2 : i32
    %broadcast_in_dim3A_2319 = vector.broadcast %broadcast_in_dim3A_2318 : i32 to vector<16xi32>
    tpu.vector_store_idx %arg11[%broadcast_in_dim3A_2319, %get3A_2233], %get3A_2317 : memref<4x8192xf32, #tpu.memory_space<vmem>>[vector<16xi32>, vector<16xi32>], vector<16xf32>,
    %get3A_2320 = arith.constant 240 : index
    %get3A_2321 = tpu.vector_load %arg10[%get3A_2320] {strides = array<i32>} : memref<1024xf32, #tpu.memory_space<vmem>>, vector<16xf32>,
    %broadcast_in_dim3A_2322 = arith.constant 3 : i32
    %broadcast_in_dim3A_2323 = vector.broadcast %broadcast_in_dim3A_2322 : i32 to vector<16xi32>
    tpu.vector_store_idx %arg11[%broadcast_in_dim3A_2323, %get3A_2233], %get3A_2321 : memref<4x8192xf32, #tpu.memory_space<vmem>>[vector<16xi32>, vector<16xi32>], vector<16xf32>,
    %mul3A_2324 = arith.constant 64 : i32
    %mul3A_2325 = arith.muli %add3A, %mul3A_2324 : i32
    %add3A_2326 = arith.constant 12 : i32
    %add3A_2327 = arith.addi %mul3A_2325, %add3A_2326 : i32
    %dma_start3A_2328 = arith.constant 0 : i32
    %dma_start3A_2329 = tpu.memref_slice %arg6[%add3A_2327, %dma_start3A_2328] : memref<2048x8192xf32, #tpu.memory_space<hbm>> -> memref<4x8192xf32, #tpu.memory_space<hbm>>
    %dma_start3A_2330 = arith.constant 0 : i32
    %dma_start3A_2331 = tpu.memref_slice %arg6[%add3A_2327, %dma_start3A_2330] : memref<2048x8192xf32, #tpu.memory_space<hbm>> -> memref<4x8192xf32, #tpu.memory_space<hbm>>
    tpu.enqueue_dma source(%arg11 : memref<4x8192xf32, #tpu.memory_space<vmem>>) target(%dma_start3A_2331 : memref<4x8192xf32, #tpu.memory_space<hbm>>) target_semaphore(%arg14 : memref<!tpu.dma_semaphore, #tpu.memory_space<semaphore_mem>>)
    %dma_wait3A_2332 = arith.constant 0 : i32
    %dma_wait3A_2333 = tpu.memref_slice %arg6[%add3A_2276, %dma_wait3A_2332] : memref<2048x8192xf32, #tpu.memory_space<hbm>> -> memref<4x8192xf32, #tpu.memory_space<hbm>>
    %dma_wait3A_2334 = arith.constant 0 : i32
    %dma_wait3A_2335 = tpu.memref_slice %arg6[%add3A_2276, %dma_wait3A_2334] : memref<2048x8192xf32, #tpu.memory_space<hbm>> -> memref<4x8192xf32, #tpu.memory_space<hbm>>
    tpu.wait_dma2 semaphore(%arg15 : memref<!tpu.dma_semaphore, #tpu.memory_space<semaphore_mem>>) src(%arg12 : memref<4x8192xf32, #tpu.memory_space<vmem>>) dst(%dma_wait3A_2335 : memref<4x8192xf32, #tpu.memory_space<hbm>>)
    %get3A_2336 = arith.constant 256 : index
    %get3A_2337 = tpu.vector_load %arg10[%get3A_2336] {strides = array<i32>} : memref<1024xf32, #tpu.memory_space<vmem>>, vector<16xf32>,
    %broadcast_in_dim3A_2338 = arith.constant 0 : i32
    %broadcast_in_dim3A_2339 = vector.broadcast %broadcast_in_dim3A_2338 : i32 to vector<16xi32>
    tpu.vector_store_idx %arg12[%broadcast_in_dim3A_2339, %get3A_2233], %get3A_2337 : memref<4x8192xf32, #tpu.memory_space<vmem>>[vector<16xi32>, vector<16xi32>], vector<16xf32>,
    %get3A_2340 = arith.constant 272 : index
    %get3A_2341 = tpu.vector_load %arg10[%get3A_2340] {strides = array<i32>} : memref<1024xf32, #tpu.memory_space<vmem>>, vector<16xf32>,
    %broadcast_in_dim3A_2342 = arith.constant 1 : i32
    %broadcast_in_dim3A_2343 = vector.broadcast %broadcast_in_dim3A_2342 : i32 to vector<16xi32>
    tpu.vector_store_idx %arg12[%broadcast_in_dim3A_2343, %get3A_2233], %get3A_2341 : memref<4x8192xf32, #tpu.memory_space<vmem>>[vector<16xi32>, vector<16xi32>], vector<16xf32>,
    %get3A_2344 = arith.constant 288 : index
    %get3A_2345 = tpu.vector_load %arg10[%get3A_2344] {strides = array<i32>} : memref<1024xf32, #tpu.memory_space<vmem>>, vector<16xf32>,
    %broadcast_in_dim3A_2346 = arith.constant 2 : i32
    %broadcast_in_dim3A_2347 = vector.broadcast %broadcast_in_dim3A_2346 : i32 to vector<16xi32>
    tpu.vector_store_idx %arg12[%broadcast_in_dim3A_2347, %get3A_2233], %get3A_2345 : memref<4x8192xf32, #tpu.memory_space<vmem>>[vector<16xi32>, vector<16xi32>], vector<16xf32>,
    %get3A_2348 = arith.constant 304 : index
    %get3A_2349 = tpu.vector_load %arg10[%get3A_2348] {strides = array<i32>} : memref<1024xf32, #tpu.memory_space<vmem>>, vector<16xf32>,
    %broadcast_in_dim3A_2350 = arith.constant 3 : i32
    %broadcast_in_dim3A_2351 = vector.broadcast %broadcast_in_dim3A_2350 : i32 to vector<16xi32>
    tpu.vector_store_idx %arg12[%broadcast_in_dim3A_2351, %get3A_2233], %get3A_2349 : memref<4x8192xf32, #tpu.memory_space<vmem>>[vector<16xi32>, vector<16xi32>], vector<16xf32>,
    %mul3A_2352 = arith.constant 64 : i32
    %mul3A_2353 = arith.muli %add3A, %mul3A_2352 : i32
    %add3A_2354 = arith.constant 16 : i32
    %add3A_2355 = arith.addi %mul3A_2353, %add3A_2354 : i32
    %dma_start3A_2356 = arith.constant 0 : i32
    %dma_start3A_2357 = tpu.memref_slice %arg6[%add3A_2355, %dma_start3A_2356] : memref<2048x8192xf32, #tpu.memory_space<hbm>> -> memref<4x8192xf32, #tpu.memory_space<hbm>>
    %dma_start3A_2358 = arith.constant 0 : i32
    %dma_start3A_2359 = tpu.memref_slice %arg6[%add3A_2355, %dma_start3A_2358] : memref<2048x8192xf32, #tpu.memory_space<hbm>> -> memref<4x8192xf32, #tpu.memory_space<hbm>>
    tpu.enqueue_dma source(%arg12 : memref<4x8192xf32, #tpu.memory_space<vmem>>) target(%dma_start3A_2359 : memref<4x8192xf32, #tpu.memory_space<hbm>>) target_semaphore(%arg15 : memref<!tpu.dma_semaphore, #tpu.memory_space<semaphore_mem>>)
    %dma_wait3A_2360 = arith.constant 0 : i32
    %dma_wait3A_2361 = tpu.memref_slice %arg6[%add3A_2300, %dma_wait3A_2360] : memref<2048x8192xf32, #tpu.memory_space<hbm>> -> memref<4x8192xf32, #tpu.memory_space<hbm>>
    %dma_wait3A_2362 = arith.constant 0 : i32
    %dma_wait3A_2363 = tpu.memref_slice %arg6[%add3A_2300, %dma_wait3A_2362] : memref<2048x8192xf32, #tpu.memory_space<hbm>> -> memref<4x8192xf32, #tpu.memory_space<hbm>>
    tpu.wait_dma2 semaphore(%arg16 : memref<!tpu.dma_semaphore, #tpu.memory_space<semaphore_mem>>) src(%arg13 : memref<4x8192xf32, #tpu.memory_space<vmem>>) dst(%dma_wait3A_2363 : memref<4x8192xf32, #tpu.memory_space<hbm>>)
    %get3A_2364 = arith.constant 320 : index
    %get3A_2365 = tpu.vector_load %arg10[%get3A_2364] {strides = array<i32>} : memref<1024xf32, #tpu.memory_space<vmem>>, vector<16xf32>,
    %broadcast_in_dim3A_2366 = arith.constant 0 : i32
    %broadcast_in_dim3A_2367 = vector.broadcast %broadcast_in_dim3A_2366 : i32 to vector<16xi32>
    tpu.vector_store_idx %arg13[%broadcast_in_dim3A_2367, %get3A_2233], %get3A_2365 : memref<4x8192xf32, #tpu.memory_space<vmem>>[vector<16xi32>, vector<16xi32>], vector<16xf32>,
    %get3A_2368 = arith.constant 336 : index
    %get3A_2369 = tpu.vector_load %arg10[%get3A_2368] {strides = array<i32>} : memref<1024xf32, #tpu.memory_space<vmem>>, vector<16xf32>,
    %broadcast_in_dim3A_2370 = arith.constant 1 : i32
    %broadcast_in_dim3A_2371 = vector.broadcast %broadcast_in_dim3A_2370 : i32 to vector<16xi32>
    tpu.vector_store_idx %arg13[%broadcast_in_dim3A_2371, %get3A_2233], %get3A_2369 : memref<4x8192xf32, #tpu.memory_space<vmem>>[vector<16xi32>, vector<16xi32>], vector<16xf32>,
    %get3A_2372 = arith.constant 352 : index
    %get3A_2373 = tpu.vector_load %arg10[%get3A_2372] {strides = array<i32>} : memref<1024xf32, #tpu.memory_space<vmem>>, vector<16xf32>,
    %broadcast_in_dim3A_2374 = arith.constant 2 : i32
    %broadcast_in_dim3A_2375 = vector.broadcast %broadcast_in_dim3A_2374 : i32 to vector<16xi32>
    tpu.vector_store_idx %arg13[%broadcast_in_dim3A_2375, %get3A_2233], %get3A_2373 : memref<4x8192xf32, #tpu.memory_space<vmem>>[vector<16xi32>, vector<16xi32>], vector<16xf32>,
    %get3A_2376 = arith.constant 368 : index
    %get3A_2377 = tpu.vector_load %arg10[%get3A_2376] {strides = array<i32>} : memref<1024xf32, #tpu.memory_space<vmem>>, vector<16xf32>,
    %broadcast_in_dim3A_2378 = arith.constant 3 : i32
    %broadcast_in_dim3A_2379 = vector.broadcast %broadcast_in_dim3A_2378 : i32 to vector<16xi32>
    tpu.vector_store_idx %arg13[%broadcast_in_dim3A_2379, %get3A_2233], %get3A_2377 : memref<4x8192xf32, #tpu.memory_space<vmem>>[vector<16xi32>, vector<16xi32>], vector<16xf32>,
    %mul3A_2380 = arith.constant 64 : i32
    %mul3A_2381 = arith.muli %add3A, %mul3A_2380 : i32
    %add3A_2382 = arith.constant 20 : i32
    %add3A_2383 = arith.addi %mul3A_2381, %add3A_2382 : i32
    %dma_start3A_2384 = arith.constant 0 : i32
    %dma_start3A_2385 = tpu.memref_slice %arg6[%add3A_2383, %dma_start3A_2384] : memref<2048x8192xf32, #tpu.memory_space<hbm>> -> memref<4x8192xf32, #tpu.memory_space<hbm>>
    %dma_start3A_2386 = arith.constant 0 : i32
    %dma_start3A_2387 = tpu.memref_slice %arg6[%add3A_2383, %dma_start3A_2386] : memref<2048x8192xf32, #tpu.memory_space<hbm>> -> memref<4x8192xf32, #tpu.memory_space<hbm>>
    tpu.enqueue_dma source(%arg13 : memref<4x8192xf32, #tpu.memory_space<vmem>>) target(%dma_start3A_2387 : memref<4x8192xf32, #tpu.memory_space<hbm>>) target_semaphore(%arg16 : memref<!tpu.dma_semaphore, #tpu.memory_space<semaphore_mem>>)
    %dma_wait3A_2388 = arith.constant 0 : i32
    %dma_wait3A_2389 = tpu.memref_slice %arg6[%add3A_2327, %dma_wait3A_2388] : memref<2048x8192xf32, #tpu.memory_space<hbm>> -> memref<4x8192xf32, #tpu.memory_space<hbm>>
    %dma_wait3A_2390 = arith.constant 0 : i32
    %dma_wait3A_2391 = tpu.memref_slice %arg6[%add3A_2327, %dma_wait3A_2390] : memref<2048x8192xf32, #tpu.memory_space<hbm>> -> memref<4x8192xf32, #tpu.memory_space<hbm>>
    tpu.wait_dma2 semaphore(%arg14 : memref<!tpu.dma_semaphore, #tpu.memory_space<semaphore_mem>>) src(%arg11 : memref<4x8192xf32, #tpu.memory_space<vmem>>) dst(%dma_wait3A_2391 : memref<4x8192xf32, #tpu.memory_space<hbm>>)
    %get3A_2392 = arith.constant 384 : index
    %get3A_2393 = tpu.vector_load %arg10[%get3A_2392] {strides = array<i32>} : memref<1024xf32, #tpu.memory_space<vmem>>, vector<16xf32>,
    %broadcast_in_dim3A_2394 = arith.constant 0 : i32
    %broadcast_in_dim3A_2395 = vector.broadcast %broadcast_in_dim3A_2394 : i32 to vector<16xi32>
    tpu.vector_store_idx %arg11[%broadcast_in_dim3A_2395, %get3A_2233], %get3A_2393 : memref<4x8192xf32, #tpu.memory_space<vmem>>[vector<16xi32>, vector<16xi32>], vector<16xf32>,
    %get3A_2396 = arith.constant 400 : index
    %get3A_2397 = tpu.vector_load %arg10[%get3A_2396] {strides = array<i32>} : memref<1024xf32, #tpu.memory_space<vmem>>, vector<16xf32>,
    %broadcast_in_dim3A_2398 = arith.constant 1 : i32
    %broadcast_in_dim3A_2399 = vector.broadcast %broadcast_in_dim3A_2398 : i32 to vector<16xi32>
    tpu.vector_store_idx %arg11[%broadcast_in_dim3A_2399, %get3A_2233], %get3A_2397 : memref<4x8192xf32, #tpu.memory_space<vmem>>[vector<16xi32>, vector<16xi32>], vector<16xf32>,
    %get3A_2400 = arith.constant 416 : index
    %get3A_2401 = tpu.vector_load %arg10[%get3A_2400] {strides = array<i32>} : memref<1024xf32, #tpu.memory_space<vmem>>, vector<16xf32>,
    %broadcast_in_dim3A_2402 = arith.constant 2 : i32
    %broadcast_in_dim3A_2403 = vector.broadcast %broadcast_in_dim3A_2402 : i32 to vector<16xi32>
    tpu.vector_store_idx %arg11[%broadcast_in_dim3A_2403, %get3A_2233], %get3A_2401 : memref<4x8192xf32, #tpu.memory_space<vmem>>[vector<16xi32>, vector<16xi32>], vector<16xf32>,
    %get3A_2404 = arith.constant 432 : index
    %get3A_2405 = tpu.vector_load %arg10[%get3A_2404] {strides = array<i32>} : memref<1024xf32, #tpu.memory_space<vmem>>, vector<16xf32>,
    %broadcast_in_dim3A_2406 = arith.constant 3 : i32
    %broadcast_in_dim3A_2407 = vector.broadcast %broadcast_in_dim3A_2406 : i32 to vector<16xi32>
    tpu.vector_store_idx %arg11[%broadcast_in_dim3A_2407, %get3A_2233], %get3A_2405 : memref<4x8192xf32, #tpu.memory_space<vmem>>[vector<16xi32>, vector<16xi32>], vector<16xf32>,
    %mul3A_2408 = arith.constant 64 : i32
    %mul3A_2409 = arith.muli %add3A, %mul3A_2408 : i32
    %add3A_2410 = arith.constant 24 : i32
    %add3A_2411 = arith.addi %mul3A_2409, %add3A_2410 : i32
    %dma_start3A_2412 = arith.constant 0 : i32
    %dma_start3A_2413 = tpu.memref_slice %arg6[%add3A_2411, %dma_start3A_2412] : memref<2048x8192xf32, #tpu.memory_space<hbm>> -> memref<4x8192xf32, #tpu.memory_space<hbm>>
    %dma_start3A_2414 = arith.constant 0 : i32
    %dma_start3A_2415 = tpu.memref_slice %arg6[%add3A_2411, %dma_start3A_2414] : memref<2048x8192xf32, #tpu.memory_space<hbm>> -> memref<4x8192xf32, #tpu.memory_space<hbm>>
    tpu.enqueue_dma source(%arg11 : memref<4x8192xf32, #tpu.memory_space<vmem>>) target(%dma_start3A_2415 : memref<4x8192xf32, #tpu.memory_space<hbm>>) target_semaphore(%arg14 : memref<!tpu.dma_semaphore, #tpu.memory_space<semaphore_mem>>)
    %dma_wait3A_2416 = arith.constant 0 : i32
    %dma_wait3A_2417 = tpu.memref_slice %arg6[%add3A_2355, %dma_wait3A_2416] : memref<2048x8192xf32, #tpu.memory_space<hbm>> -> memref<4x8192xf32, #tpu.memory_space<hbm>>
    %dma_wait3A_2418 = arith.constant 0 : i32
    %dma_wait3A_2419 = tpu.memref_slice %arg6[%add3A_2355, %dma_wait3A_2418] : memref<2048x8192xf32, #tpu.memory_space<hbm>> -> memref<4x8192xf32, #tpu.memory_space<hbm>>
    tpu.wait_dma2 semaphore(%arg15 : memref<!tpu.dma_semaphore, #tpu.memory_space<semaphore_mem>>) src(%arg12 : memref<4x8192xf32, #tpu.memory_space<vmem>>) dst(%dma_wait3A_2419 : memref<4x8192xf32, #tpu.memory_space<hbm>>)
    %get3A_2420 = arith.constant 448 : index
    %get3A_2421 = tpu.vector_load %arg10[%get3A_2420] {strides = array<i32>} : memref<1024xf32, #tpu.memory_space<vmem>>, vector<16xf32>,
    %broadcast_in_dim3A_2422 = arith.constant 0 : i32
    %broadcast_in_dim3A_2423 = vector.broadcast %broadcast_in_dim3A_2422 : i32 to vector<16xi32>
    tpu.vector_store_idx %arg12[%broadcast_in_dim3A_2423, %get3A_2233], %get3A_2421 : memref<4x8192xf32, #tpu.memory_space<vmem>>[vector<16xi32>, vector<16xi32>], vector<16xf32>,
    %get3A_2424 = arith.constant 464 : index
    %get3A_2425 = tpu.vector_load %arg10[%get3A_2424] {strides = array<i32>} : memref<1024xf32, #tpu.memory_space<vmem>>, vector<16xf32>,
    %broadcast_in_dim3A_2426 = arith.constant 1 : i32
    %broadcast_in_dim3A_2427 = vector.broadcast %broadcast_in_dim3A_2426 : i32 to vector<16xi32>
    tpu.vector_store_idx %arg12[%broadcast_in_dim3A_2427, %get3A_2233], %get3A_2425 : memref<4x8192xf32, #tpu.memory_space<vmem>>[vector<16xi32>, vector<16xi32>], vector<16xf32>,
    %get3A_2428 = arith.constant 480 : index
    %get3A_2429 = tpu.vector_load %arg10[%get3A_2428] {strides = array<i32>} : memref<1024xf32, #tpu.memory_space<vmem>>, vector<16xf32>,
    %broadcast_in_dim3A_2430 = arith.constant 2 : i32
    %broadcast_in_dim3A_2431 = vector.broadcast %broadcast_in_dim3A_2430 : i32 to vector<16xi32>
    tpu.vector_store_idx %arg12[%broadcast_in_dim3A_2431, %get3A_2233], %get3A_2429 : memref<4x8192xf32, #tpu.memory_space<vmem>>[vector<16xi32>, vector<16xi32>], vector<16xf32>,
    %get3A_2432 = arith.constant 496 : index
    %get3A_2433 = tpu.vector_load %arg10[%get3A_2432] {strides = array<i32>} : memref<1024xf32, #tpu.memory_space<vmem>>, vector<16xf32>,
    %broadcast_in_dim3A_2434 = arith.constant 3 : i32
    %broadcast_in_dim3A_2435 = vector.broadcast %broadcast_in_dim3A_2434 : i32 to vector<16xi32>
    tpu.vector_store_idx %arg12[%broadcast_in_dim3A_2435, %get3A_2233], %get3A_2433 : memref<4x8192xf32, #tpu.memory_space<vmem>>[vector<16xi32>, vector<16xi32>], vector<16xf32>,
    %mul3A_2436 = arith.constant 64 : i32
    %mul3A_2437 = arith.muli %add3A, %mul3A_2436 : i32
    %add3A_2438 = arith.constant 28 : i32
    %add3A_2439 = arith.addi %mul3A_2437, %add3A_2438 : i32
    %dma_start3A_2440 = arith.constant 0 : i32
    %dma_start3A_2441 = tpu.memref_slice %arg6[%add3A_2439, %dma_start3A_2440] : memref<2048x8192xf32, #tpu.memory_space<hbm>> -> memref<4x8192xf32, #tpu.memory_space<hbm>>
    %dma_start3A_2442 = arith.constant 0 : i32
    %dma_start3A_2443 = tpu.memref_slice %arg6[%add3A_2439, %dma_start3A_2442] : memref<2048x8192xf32, #tpu.memory_space<hbm>> -> memref<4x8192xf32, #tpu.memory_space<hbm>>
    tpu.enqueue_dma source(%arg12 : memref<4x8192xf32, #tpu.memory_space<vmem>>) target(%dma_start3A_2443 : memref<4x8192xf32, #tpu.memory_space<hbm>>) target_semaphore(%arg15 : memref<!tpu.dma_semaphore, #tpu.memory_space<semaphore_mem>>)
    %dma_wait3A_2444 = arith.constant 0 : i32
    %dma_wait3A_2445 = tpu.memref_slice %arg6[%add3A_2383, %dma_wait3A_2444] : memref<2048x8192xf32, #tpu.memory_space<hbm>> -> memref<4x8192xf32, #tpu.memory_space<hbm>>
    %dma_wait3A_2446 = arith.constant 0 : i32
    %dma_wait3A_2447 = tpu.memref_slice %arg6[%add3A_2383, %dma_wait3A_2446] : memref<2048x8192xf32, #tpu.memory_space<hbm>> -> memref<4x8192xf32, #tpu.memory_space<hbm>>
    tpu.wait_dma2 semaphore(%arg16 : memref<!tpu.dma_semaphore, #tpu.memory_space<semaphore_mem>>) src(%arg13 : memref<4x8192xf32, #tpu.memory_space<vmem>>) dst(%dma_wait3A_2447 : memref<4x8192xf32, #tpu.memory_space<hbm>>)
    %get3A_2448 = arith.constant 512 : index
    %get3A_2449 = tpu.vector_load %arg10[%get3A_2448] {strides = array<i32>} : memref<1024xf32, #tpu.memory_space<vmem>>, vector<16xf32>,
    %broadcast_in_dim3A_2450 = arith.constant 0 : i32
    %broadcast_in_dim3A_2451 = vector.broadcast %broadcast_in_dim3A_2450 : i32 to vector<16xi32>
    tpu.vector_store_idx %arg13[%broadcast_in_dim3A_2451, %get3A_2233], %get3A_2449 : memref<4x8192xf32, #tpu.memory_space<vmem>>[vector<16xi32>, vector<16xi32>], vector<16xf32>,
    %get3A_2452 = arith.constant 528 : index
    %get3A_2453 = tpu.vector_load %arg10[%get3A_2452] {strides = array<i32>} : memref<1024xf32, #tpu.memory_space<vmem>>, vector<16xf32>,
    %broadcast_in_dim3A_2454 = arith.constant 1 : i32
    %broadcast_in_dim3A_2455 = vector.broadcast %broadcast_in_dim3A_2454 : i32 to vector<16xi32>
    tpu.vector_store_idx %arg13[%broadcast_in_dim3A_2455, %get3A_2233], %get3A_2453 : memref<4x8192xf32, #tpu.memory_space<vmem>>[vector<16xi32>, vector<16xi32>], vector<16xf32>,
    %get3A_2456 = arith.constant 544 : index
    %get3A_2457 = tpu.vector_load %arg10[%get3A_2456] {strides = array<i32>} : memref<1024xf32, #tpu.memory_space<vmem>>, vector<16xf32>,
    %broadcast_in_dim3A_2458 = arith.constant 2 : i32
    %broadcast_in_dim3A_2459 = vector.broadcast %broadcast_in_dim3A_2458 : i32 to vector<16xi32>
    tpu.vector_store_idx %arg13[%broadcast_in_dim3A_2459, %get3A_2233], %get3A_2457 : memref<4x8192xf32, #tpu.memory_space<vmem>>[vector<16xi32>, vector<16xi32>], vector<16xf32>,
    %get3A_2460 = arith.constant 560 : index
    %get3A_2461 = tpu.vector_load %arg10[%get3A_2460] {strides = array<i32>} : memref<1024xf32, #tpu.memory_space<vmem>>, vector<16xf32>,
    %broadcast_in_dim3A_2462 = arith.constant 3 : i32
    %broadcast_in_dim3A_2463 = vector.broadcast %broadcast_in_dim3A_2462 : i32 to vector<16xi32>
    tpu.vector_store_idx %arg13[%broadcast_in_dim3A_2463, %get3A_2233], %get3A_2461 : memref<4x8192xf32, #tpu.memory_space<vmem>>[vector<16xi32>, vector<16xi32>], vector<16xf32>,
    %mul3A_2464 = arith.constant 64 : i32
    %mul3A_2465 = arith.muli %add3A, %mul3A_2464 : i32
    %add3A_2466 = arith.constant 32 : i32
    %add3A_2467 = arith.addi %mul3A_2465, %add3A_2466 : i32
    %dma_start3A_2468 = arith.constant 0 : i32
    %dma_start3A_2469 = tpu.memref_slice %arg6[%add3A_2467, %dma_start3A_2468] : memref<2048x8192xf32, #tpu.memory_space<hbm>> -> memref<4x8192xf32, #tpu.memory_space<hbm>>
    %dma_start3A_2470 = arith.constant 0 : i32
    %dma_start3A_2471 = tpu.memref_slice %arg6[%add3A_2467, %dma_start3A_2470] : memref<2048x8192xf32, #tpu.memory_space<hbm>> -> memref<4x8192xf32, #tpu.memory_space<hbm>>
    tpu.enqueue_dma source(%arg13 : memref<4x8192xf32, #tpu.memory_space<vmem>>) target(%dma_start3A_2471 : memref<4x8192xf32, #tpu.memory_space<hbm>>) target_semaphore(%arg16 : memref<!tpu.dma_semaphore, #tpu.memory_space<semaphore_mem>>)
    %dma_wait3A_2472 = arith.constant 0 : i32
    %dma_wait3A_2473 = tpu.memref_slice %arg6[%add3A_2411, %dma_wait3A_2472] : memref<2048x8192xf32, #tpu.memory_space<hbm>> -> memref<4x8192xf32, #tpu.memory_space<hbm>>
    %dma_wait3A_2474 = arith.constant 0 : i32
    %dma_wait3A_2475 = tpu.memref_slice %arg6[%add3A_2411, %dma_wait3A_2474] : memref<2048x8192xf32, #tpu.memory_space<hbm>> -> memref<4x8192xf32, #tpu.memory_space<hbm>>
    tpu.wait_dma2 semaphore(%arg14 : memref<!tpu.dma_semaphore, #tpu.memory_space<semaphore_mem>>) src(%arg11 : memref<4x8192xf32, #tpu.memory_space<vmem>>) dst(%dma_wait3A_2475 : memref<4x8192xf32, #tpu.memory_space<hbm>>)
    %get3A_2476 = arith.constant 576 : index
    %get3A_2477 = tpu.vector_load %arg10[%get3A_2476] {strides = array<i32>} : memref<1024xf32, #tpu.memory_space<vmem>>, vector<16xf32>,
    %broadcast_in_dim3A_2478 = arith.constant 0 : i32
    %broadcast_in_dim3A_2479 = vector.broadcast %broadcast_in_dim3A_2478 : i32 to vector<16xi32>
    tpu.vector_store_idx %arg11[%broadcast_in_dim3A_2479, %get3A_2233], %get3A_2477 : memref<4x8192xf32, #tpu.memory_space<vmem>>[vector<16xi32>, vector<16xi32>], vector<16xf32>,
    %get3A_2480 = arith.constant 592 : index
    %get3A_2481 = tpu.vector_load %arg10[%get3A_2480] {strides = array<i32>} : memref<1024xf32, #tpu.memory_space<vmem>>, vector<16xf32>,
    %broadcast_in_dim3A_2482 = arith.constant 1 : i32
    %broadcast_in_dim3A_2483 = vector.broadcast %broadcast_in_dim3A_2482 : i32 to vector<16xi32>
    tpu.vector_store_idx %arg11[%broadcast_in_dim3A_2483, %get3A_2233], %get3A_2481 : memref<4x8192xf32, #tpu.memory_space<vmem>>[vector<16xi32>, vector<16xi32>], vector<16xf32>,
    %get3A_2484 = arith.constant 608 : index
    %get3A_2485 = tpu.vector_load %arg10[%get3A_2484] {strides = array<i32>} : memref<1024xf32, #tpu.memory_space<vmem>>, vector<16xf32>,
    %broadcast_in_dim3A_2486 = arith.constant 2 : i32
    %broadcast_in_dim3A_2487 = vector.broadcast %broadcast_in_dim3A_2486 : i32 to vector<16xi32>
    tpu.vector_store_idx %arg11[%broadcast_in_dim3A_2487, %get3A_2233], %get3A_2485 : memref<4x8192xf32, #tpu.memory_space<vmem>>[vector<16xi32>, vector<16xi32>], vector<16xf32>,
    %get3A_2488 = arith.constant 624 : index
    %get3A_2489 = tpu.vector_load %arg10[%get3A_2488] {strides = array<i32>} : memref<1024xf32, #tpu.memory_space<vmem>>, vector<16xf32>,
    %broadcast_in_dim3A_2490 = arith.constant 3 : i32
    %broadcast_in_dim3A_2491 = vector.broadcast %broadcast_in_dim3A_2490 : i32 to vector<16xi32>
    tpu.vector_store_idx %arg11[%broadcast_in_dim3A_2491, %get3A_2233], %get3A_2489 : memref<4x8192xf32, #tpu.memory_space<vmem>>[vector<16xi32>, vector<16xi32>], vector<16xf32>,
    %mul3A_2492 = arith.constant 64 : i32
    %mul3A_2493 = arith.muli %add3A, %mul3A_2492 : i32
    %add3A_2494 = arith.constant 36 : i32
    %add3A_2495 = arith.addi %mul3A_2493, %add3A_2494 : i32
    %dma_start3A_2496 = arith.constant 0 : i32
    %dma_start3A_2497 = tpu.memref_slice %arg6[%add3A_2495, %dma_start3A_2496] : memref<2048x8192xf32, #tpu.memory_space<hbm>> -> memref<4x8192xf32, #tpu.memory_space<hbm>>
    %dma_start3A_2498 = arith.constant 0 : i32
    %dma_start3A_2499 = tpu.memref_slice %arg6[%add3A_2495, %dma_start3A_2498] : memref<2048x8192xf32, #tpu.memory_space<hbm>> -> memref<4x8192xf32, #tpu.memory_space<hbm>>
    tpu.enqueue_dma source(%arg11 : memref<4x8192xf32, #tpu.memory_space<vmem>>) target(%dma_start3A_2499 : memref<4x8192xf32, #tpu.memory_space<hbm>>) target_semaphore(%arg14 : memref<!tpu.dma_semaphore, #tpu.memory_space<semaphore_mem>>)
    %dma_wait3A_2500 = arith.constant 0 : i32
    %dma_wait3A_2501 = tpu.memref_slice %arg6[%add3A_2439, %dma_wait3A_2500] : memref<2048x8192xf32, #tpu.memory_space<hbm>> -> memref<4x8192xf32, #tpu.memory_space<hbm>>
    %dma_wait3A_2502 = arith.constant 0 : i32
    %dma_wait3A_2503 = tpu.memref_slice %arg6[%add3A_2439, %dma_wait3A_2502] : memref<2048x8192xf32, #tpu.memory_space<hbm>> -> memref<4x8192xf32, #tpu.memory_space<hbm>>
    tpu.wait_dma2 semaphore(%arg15 : memref<!tpu.dma_semaphore, #tpu.memory_space<semaphore_mem>>) src(%arg12 : memref<4x8192xf32, #tpu.memory_space<vmem>>) dst(%dma_wait3A_2503 : memref<4x8192xf32, #tpu.memory_space<hbm>>)
    %get3A_2504 = arith.constant 640 : index
    %get3A_2505 = tpu.vector_load %arg10[%get3A_2504] {strides = array<i32>} : memref<1024xf32, #tpu.memory_space<vmem>>, vector<16xf32>,
    %broadcast_in_dim3A_2506 = arith.constant 0 : i32
    %broadcast_in_dim3A_2507 = vector.broadcast %broadcast_in_dim3A_2506 : i32 to vector<16xi32>
    tpu.vector_store_idx %arg12[%broadcast_in_dim3A_2507, %get3A_2233], %get3A_2505 : memref<4x8192xf32, #tpu.memory_space<vmem>>[vector<16xi32>, vector<16xi32>], vector<16xf32>,
    %get3A_2508 = arith.constant 656 : index
    %get3A_2509 = tpu.vector_load %arg10[%get3A_2508] {strides = array<i32>} : memref<1024xf32, #tpu.memory_space<vmem>>, vector<16xf32>,
    %broadcast_in_dim3A_2510 = arith.constant 1 : i32
    %broadcast_in_dim3A_2511 = vector.broadcast %broadcast_in_dim3A_2510 : i32 to vector<16xi32>
    tpu.vector_store_idx %arg12[%broadcast_in_dim3A_2511, %get3A_2233], %get3A_2509 : memref<4x8192xf32, #tpu.memory_space<vmem>>[vector<16xi32>, vector<16xi32>], vector<16xf32>,
    %get3A_2512 = arith.constant 672 : index
    %get3A_2513 = tpu.vector_load %arg10[%get3A_2512] {strides = array<i32>} : memref<1024xf32, #tpu.memory_space<vmem>>, vector<16xf32>,
    %broadcast_in_dim3A_2514 = arith.constant 2 : i32
    %broadcast_in_dim3A_2515 = vector.broadcast %broadcast_in_dim3A_2514 : i32 to vector<16xi32>
    tpu.vector_store_idx %arg12[%broadcast_in_dim3A_2515, %get3A_2233], %get3A_2513 : memref<4x8192xf32, #tpu.memory_space<vmem>>[vector<16xi32>, vector<16xi32>], vector<16xf32>,
    %get3A_2516 = arith.constant 688 : index
    %get3A_2517 = tpu.vector_load %arg10[%get3A_2516] {strides = array<i32>} : memref<1024xf32, #tpu.memory_space<vmem>>, vector<16xf32>,
    %broadcast_in_dim3A_2518 = arith.constant 3 : i32
    %broadcast_in_dim3A_2519 = vector.broadcast %broadcast_in_dim3A_2518 : i32 to vector<16xi32>
    tpu.vector_store_idx %arg12[%broadcast_in_dim3A_2519, %get3A_2233], %get3A_2517 : memref<4x8192xf32, #tpu.memory_space<vmem>>[vector<16xi32>, vector<16xi32>], vector<16xf32>,
    %mul3A_2520 = arith.constant 64 : i32
    %mul3A_2521 = arith.muli %add3A, %mul3A_2520 : i32
    %add3A_2522 = arith.constant 40 : i32
    %add3A_2523 = arith.addi %mul3A_2521, %add3A_2522 : i32
    %dma_start3A_2524 = arith.constant 0 : i32
    %dma_start3A_2525 = tpu.memref_slice %arg6[%add3A_2523, %dma_start3A_2524] : memref<2048x8192xf32, #tpu.memory_space<hbm>> -> memref<4x8192xf32, #tpu.memory_space<hbm>>
    %dma_start3A_2526 = arith.constant 0 : i32
    %dma_start3A_2527 = tpu.memref_slice %arg6[%add3A_2523, %dma_start3A_2526] : memref<2048x8192xf32, #tpu.memory_space<hbm>> -> memref<4x8192xf32, #tpu.memory_space<hbm>>
    tpu.enqueue_dma source(%arg12 : memref<4x8192xf32, #tpu.memory_space<vmem>>) target(%dma_start3A_2527 : memref<4x8192xf32, #tpu.memory_space<hbm>>) target_semaphore(%arg15 : memref<!tpu.dma_semaphore, #tpu.memory_space<semaphore_mem>>)
    %dma_wait3A_2528 = arith.constant 0 : i32
    %dma_wait3A_2529 = tpu.memref_slice %arg6[%add3A_2467, %dma_wait3A_2528] : memref<2048x8192xf32, #tpu.memory_space<hbm>> -> memref<4x8192xf32, #tpu.memory_space<hbm>>
    %dma_wait3A_2530 = arith.constant 0 : i32
    %dma_wait3A_2531 = tpu.memref_slice %arg6[%add3A_2467, %dma_wait3A_2530] : memref<2048x8192xf32, #tpu.memory_space<hbm>> -> memref<4x8192xf32, #tpu.memory_space<hbm>>
    tpu.wait_dma2 semaphore(%arg16 : memref<!tpu.dma_semaphore, #tpu.memory_space<semaphore_mem>>) src(%arg13 : memref<4x8192xf32, #tpu.memory_space<vmem>>) dst(%dma_wait3A_2531 : memref<4x8192xf32, #tpu.memory_space<hbm>>)
    %get3A_2532 = arith.constant 704 : index
    %get3A_2533 = tpu.vector_load %arg10[%get3A_2532] {strides = array<i32>} : memref<1024xf32, #tpu.memory_space<vmem>>, vector<16xf32>,
    %broadcast_in_dim3A_2534 = arith.constant 0 : i32
    %broadcast_in_dim3A_2535 = vector.broadcast %broadcast_in_dim3A_2534 : i32 to vector<16xi32>
    tpu.vector_store_idx %arg13[%broadcast_in_dim3A_2535, %get3A_2233], %get3A_2533 : memref<4x8192xf32, #tpu.memory_space<vmem>>[vector<16xi32>, vector<16xi32>], vector<16xf32>,
    %get3A_2536 = arith.constant 720 : index
    %get3A_2537 = tpu.vector_load %arg10[%get3A_2536] {strides = array<i32>} : memref<1024xf32, #tpu.memory_space<vmem>>, vector<16xf32>,
    %broadcast_in_dim3A_2538 = arith.constant 1 : i32
    %broadcast_in_dim3A_2539 = vector.broadcast %broadcast_in_dim3A_2538 : i32 to vector<16xi32>
    tpu.vector_store_idx %arg13[%broadcast_in_dim3A_2539, %get3A_2233], %get3A_2537 : memref<4x8192xf32, #tpu.memory_space<vmem>>[vector<16xi32>, vector<16xi32>], vector<16xf32>,
    %get3A_2540 = arith.constant 736 : index
    %get3A_2541 = tpu.vector_load %arg10[%get3A_2540] {strides = array<i32>} : memref<1024xf32, #tpu.memory_space<vmem>>, vector<16xf32>,
    %broadcast_in_dim3A_2542 = arith.constant 2 : i32
    %broadcast_in_dim3A_2543 = vector.broadcast %broadcast_in_dim3A_2542 : i32 to vector<16xi32>
    tpu.vector_store_idx %arg13[%broadcast_in_dim3A_2543, %get3A_2233], %get3A_2541 : memref<4x8192xf32, #tpu.memory_space<vmem>>[vector<16xi32>, vector<16xi32>], vector<16xf32>,
    %get3A_2544 = arith.constant 752 : index
    %get3A_2545 = tpu.vector_load %arg10[%get3A_2544] {strides = array<i32>} : memref<1024xf32, #tpu.memory_space<vmem>>, vector<16xf32>,
    %broadcast_in_dim3A_2546 = arith.constant 3 : i32
    %broadcast_in_dim3A_2547 = vector.broadcast %broadcast_in_dim3A_2546 : i32 to vector<16xi32>
    tpu.vector_store_idx %arg13[%broadcast_in_dim3A_2547, %get3A_2233], %get3A_2545 : memref<4x8192xf32, #tpu.memory_space<vmem>>[vector<16xi32>, vector<16xi32>], vector<16xf32>,
    %mul3A_2548 = arith.constant 64 : i32
    %mul3A_2549 = arith.muli %add3A, %mul3A_2548 : i32
    %add3A_2550 = arith.constant 44 : i32
    %add3A_2551 = arith.addi %mul3A_2549, %add3A_2550 : i32
    %dma_start3A_2552 = arith.constant 0 : i32
    %dma_start3A_2553 = tpu.memref_slice %arg6[%add3A_2551, %dma_start3A_2552] : memref<2048x8192xf32, #tpu.memory_space<hbm>> -> memref<4x8192xf32, #tpu.memory_space<hbm>>
    %dma_start3A_2554 = arith.constant 0 : i32
    %dma_start3A_2555 = tpu.memref_slice %arg6[%add3A_2551, %dma_start3A_2554] : memref<2048x8192xf32, #tpu.memory_space<hbm>> -> memref<4x8192xf32, #tpu.memory_space<hbm>>
    tpu.enqueue_dma source(%arg13 : memref<4x8192xf32, #tpu.memory_space<vmem>>) target(%dma_start3A_2555 : memref<4x8192xf32, #tpu.memory_space<hbm>>) target_semaphore(%arg16 : memref<!tpu.dma_semaphore, #tpu.memory_space<semaphore_mem>>)
    %dma_wait3A_2556 = arith.constant 0 : i32
    %dma_wait3A_2557 = tpu.memref_slice %arg6[%add3A_2495, %dma_wait3A_2556] : memref<2048x8192xf32, #tpu.memory_space<hbm>> -> memref<4x8192xf32, #tpu.memory_space<hbm>>
    %dma_wait3A_2558 = arith.constant 0 : i32
    %dma_wait3A_2559 = tpu.memref_slice %arg6[%add3A_2495, %dma_wait3A_2558] : memref<2048x8192xf32, #tpu.memory_space<hbm>> -> memref<4x8192xf32, #tpu.memory_space<hbm>>
    tpu.wait_dma2 semaphore(%arg14 : memref<!tpu.dma_semaphore, #tpu.memory_space<semaphore_mem>>) src(%arg11 : memref<4x8192xf32, #tpu.memory_space<vmem>>) dst(%dma_wait3A_2559 : memref<4x8192xf32, #tpu.memory_space<hbm>>)
    %get3A_2560 = arith.constant 768 : index
    %get3A_2561 = tpu.vector_load %arg10[%get3A_2560] {strides = array<i32>} : memref<1024xf32, #tpu.memory_space<vmem>>, vector<16xf32>,
    %broadcast_in_dim3A_2562 = arith.constant 0 : i32
    %broadcast_in_dim3A_2563 = vector.broadcast %broadcast_in_dim3A_2562 : i32 to vector<16xi32>
    tpu.vector_store_idx %arg11[%broadcast_in_dim3A_2563, %get3A_2233], %get3A_2561 : memref<4x8192xf32, #tpu.memory_space<vmem>>[vector<16xi32>, vector<16xi32>], vector<16xf32>,
    %get3A_2564 = arith.constant 784 : index
    %get3A_2565 = tpu.vector_load %arg10[%get3A_2564] {strides = array<i32>} : memref<1024xf32, #tpu.memory_space<vmem>>, vector<16xf32>,
    %broadcast_in_dim3A_2566 = arith.constant 1 : i32
    %broadcast_in_dim3A_2567 = vector.broadcast %broadcast_in_dim3A_2566 : i32 to vector<16xi32>
    tpu.vector_store_idx %arg11[%broadcast_in_dim3A_2567, %get3A_2233], %get3A_2565 : memref<4x8192xf32, #tpu.memory_space<vmem>>[vector<16xi32>, vector<16xi32>], vector<16xf32>,
    %get3A_2568 = arith.constant 800 : index
    %get3A_2569 = tpu.vector_load %arg10[%get3A_2568] {strides = array<i32>} : memref<1024xf32, #tpu.memory_space<vmem>>, vector<16xf32>,
    %broadcast_in_dim3A_2570 = arith.constant 2 : i32
    %broadcast_in_dim3A_2571 = vector.broadcast %broadcast_in_dim3A_2570 : i32 to vector<16xi32>
    tpu.vector_store_idx %arg11[%broadcast_in_dim3A_2571, %get3A_2233], %get3A_2569 : memref<4x8192xf32, #tpu.memory_space<vmem>>[vector<16xi32>, vector<16xi32>], vector<16xf32>,
    %get3A_2572 = arith.constant 816 : index
    %get3A_2573 = tpu.vector_load %arg10[%get3A_2572] {strides = array<i32>} : memref<1024xf32, #tpu.memory_space<vmem>>, vector<16xf32>,
    %broadcast_in_dim3A_2574 = arith.constant 3 : i32
    %broadcast_in_dim3A_2575 = vector.broadcast %broadcast_in_dim3A_2574 : i32 to vector<16xi32>
    tpu.vector_store_idx %arg11[%broadcast_in_dim3A_2575, %get3A_2233], %get3A_2573 : memref<4x8192xf32, #tpu.memory_space<vmem>>[vector<16xi32>, vector<16xi32>], vector<16xf32>,
    %mul3A_2576 = arith.constant 64 : i32
    %mul3A_2577 = arith.muli %add3A, %mul3A_2576 : i32
    %add3A_2578 = arith.constant 48 : i32
    %add3A_2579 = arith.addi %mul3A_2577, %add3A_2578 : i32
    %dma_start3A_2580 = arith.constant 0 : i32
    %dma_start3A_2581 = tpu.memref_slice %arg6[%add3A_2579, %dma_start3A_2580] : memref<2048x8192xf32, #tpu.memory_space<hbm>> -> memref<4x8192xf32, #tpu.memory_space<hbm>>
    %dma_start3A_2582 = arith.constant 0 : i32
    %dma_start3A_2583 = tpu.memref_slice %arg6[%add3A_2579, %dma_start3A_2582] : memref<2048x8192xf32, #tpu.memory_space<hbm>> -> memref<4x8192xf32, #tpu.memory_space<hbm>>
    tpu.enqueue_dma source(%arg11 : memref<4x8192xf32, #tpu.memory_space<vmem>>) target(%dma_start3A_2583 : memref<4x8192xf32, #tpu.memory_space<hbm>>) target_semaphore(%arg14 : memref<!tpu.dma_semaphore, #tpu.memory_space<semaphore_mem>>)
    %dma_wait3A_2584 = arith.constant 0 : i32
    %dma_wait3A_2585 = tpu.memref_slice %arg6[%add3A_2523, %dma_wait3A_2584] : memref<2048x8192xf32, #tpu.memory_space<hbm>> -> memref<4x8192xf32, #tpu.memory_space<hbm>>
    %dma_wait3A_2586 = arith.constant 0 : i32
    %dma_wait3A_2587 = tpu.memref_slice %arg6[%add3A_2523, %dma_wait3A_2586] : memref<2048x8192xf32, #tpu.memory_space<hbm>> -> memref<4x8192xf32, #tpu.memory_space<hbm>>
    tpu.wait_dma2 semaphore(%arg15 : memref<!tpu.dma_semaphore, #tpu.memory_space<semaphore_mem>>) src(%arg12 : memref<4x8192xf32, #tpu.memory_space<vmem>>) dst(%dma_wait3A_2587 : memref<4x8192xf32, #tpu.memory_space<hbm>>)
    %get3A_2588 = arith.constant 832 : index
    %get3A_2589 = tpu.vector_load %arg10[%get3A_2588] {strides = array<i32>} : memref<1024xf32, #tpu.memory_space<vmem>>, vector<16xf32>,
    %broadcast_in_dim3A_2590 = arith.constant 0 : i32
    %broadcast_in_dim3A_2591 = vector.broadcast %broadcast_in_dim3A_2590 : i32 to vector<16xi32>
    tpu.vector_store_idx %arg12[%broadcast_in_dim3A_2591, %get3A_2233], %get3A_2589 : memref<4x8192xf32, #tpu.memory_space<vmem>>[vector<16xi32>, vector<16xi32>], vector<16xf32>,
    %get3A_2592 = arith.constant 848 : index
    %get3A_2593 = tpu.vector_load %arg10[%get3A_2592] {strides = array<i32>} : memref<1024xf32, #tpu.memory_space<vmem>>, vector<16xf32>,
    %broadcast_in_dim3A_2594 = arith.constant 1 : i32
    %broadcast_in_dim3A_2595 = vector.broadcast %broadcast_in_dim3A_2594 : i32 to vector<16xi32>
    tpu.vector_store_idx %arg12[%broadcast_in_dim3A_2595, %get3A_2233], %get3A_2593 : memref<4x8192xf32, #tpu.memory_space<vmem>>[vector<16xi32>, vector<16xi32>], vector<16xf32>,
    %get3A_2596 = arith.constant 864 : index
    %get3A_2597 = tpu.vector_load %arg10[%get3A_2596] {strides = array<i32>} : memref<1024xf32, #tpu.memory_space<vmem>>, vector<16xf32>,
    %broadcast_in_dim3A_2598 = arith.constant 2 : i32
    %broadcast_in_dim3A_2599 = vector.broadcast %broadcast_in_dim3A_2598 : i32 to vector<16xi32>
    tpu.vector_store_idx %arg12[%broadcast_in_dim3A_2599, %get3A_2233], %get3A_2597 : memref<4x8192xf32, #tpu.memory_space<vmem>>[vector<16xi32>, vector<16xi32>], vector<16xf32>,
    %get3A_2600 = arith.constant 880 : index
    %get3A_2601 = tpu.vector_load %arg10[%get3A_2600] {strides = array<i32>} : memref<1024xf32, #tpu.memory_space<vmem>>, vector<16xf32>,
    %broadcast_in_dim3A_2602 = arith.constant 3 : i32
    %broadcast_in_dim3A_2603 = vector.broadcast %broadcast_in_dim3A_2602 : i32 to vector<16xi32>
    tpu.vector_store_idx %arg12[%broadcast_in_dim3A_2603, %get3A_2233], %get3A_2601 : memref<4x8192xf32, #tpu.memory_space<vmem>>[vector<16xi32>, vector<16xi32>], vector<16xf32>,
    %mul3A_2604 = arith.constant 64 : i32
    %mul3A_2605 = arith.muli %add3A, %mul3A_2604 : i32
    %add3A_2606 = arith.constant 52 : i32
    %add3A_2607 = arith.addi %mul3A_2605, %add3A_2606 : i32
    %dma_start3A_2608 = arith.constant 0 : i32
    %dma_start3A_2609 = tpu.memref_slice %arg6[%add3A_2607, %dma_start3A_2608] : memref<2048x8192xf32, #tpu.memory_space<hbm>> -> memref<4x8192xf32, #tpu.memory_space<hbm>>
    %dma_start3A_2610 = arith.constant 0 : i32
    %dma_start3A_2611 = tpu.memref_slice %arg6[%add3A_2607, %dma_start3A_2610] : memref<2048x8192xf32, #tpu.memory_space<hbm>> -> memref<4x8192xf32, #tpu.memory_space<hbm>>
    tpu.enqueue_dma source(%arg12 : memref<4x8192xf32, #tpu.memory_space<vmem>>) target(%dma_start3A_2611 : memref<4x8192xf32, #tpu.memory_space<hbm>>) target_semaphore(%arg15 : memref<!tpu.dma_semaphore, #tpu.memory_space<semaphore_mem>>)
    %dma_wait3A_2612 = arith.constant 0 : i32
    %dma_wait3A_2613 = tpu.memref_slice %arg6[%add3A_2551, %dma_wait3A_2612] : memref<2048x8192xf32, #tpu.memory_space<hbm>> -> memref<4x8192xf32, #tpu.memory_space<hbm>>
    %dma_wait3A_2614 = arith.constant 0 : i32
    %dma_wait3A_2615 = tpu.memref_slice %arg6[%add3A_2551, %dma_wait3A_2614] : memref<2048x8192xf32, #tpu.memory_space<hbm>> -> memref<4x8192xf32, #tpu.memory_space<hbm>>
    tpu.wait_dma2 semaphore(%arg16 : memref<!tpu.dma_semaphore, #tpu.memory_space<semaphore_mem>>) src(%arg13 : memref<4x8192xf32, #tpu.memory_space<vmem>>) dst(%dma_wait3A_2615 : memref<4x8192xf32, #tpu.memory_space<hbm>>)
    %get3A_2616 = arith.constant 896 : index
    %get3A_2617 = tpu.vector_load %arg10[%get3A_2616] {strides = array<i32>} : memref<1024xf32, #tpu.memory_space<vmem>>, vector<16xf32>,
    %broadcast_in_dim3A_2618 = arith.constant 0 : i32
    %broadcast_in_dim3A_2619 = vector.broadcast %broadcast_in_dim3A_2618 : i32 to vector<16xi32>
    tpu.vector_store_idx %arg13[%broadcast_in_dim3A_2619, %get3A_2233], %get3A_2617 : memref<4x8192xf32, #tpu.memory_space<vmem>>[vector<16xi32>, vector<16xi32>], vector<16xf32>,
    %get3A_2620 = arith.constant 912 : index
    %get3A_2621 = tpu.vector_load %arg10[%get3A_2620] {strides = array<i32>} : memref<1024xf32, #tpu.memory_space<vmem>>, vector<16xf32>,
    %broadcast_in_dim3A_2622 = arith.constant 1 : i32
    %broadcast_in_dim3A_2623 = vector.broadcast %broadcast_in_dim3A_2622 : i32 to vector<16xi32>
    tpu.vector_store_idx %arg13[%broadcast_in_dim3A_2623, %get3A_2233], %get3A_2621 : memref<4x8192xf32, #tpu.memory_space<vmem>>[vector<16xi32>, vector<16xi32>], vector<16xf32>,
    %get3A_2624 = arith.constant 928 : index
    %get3A_2625 = tpu.vector_load %arg10[%get3A_2624] {strides = array<i32>} : memref<1024xf32, #tpu.memory_space<vmem>>, vector<16xf32>,
    %broadcast_in_dim3A_2626 = arith.constant 2 : i32
    %broadcast_in_dim3A_2627 = vector.broadcast %broadcast_in_dim3A_2626 : i32 to vector<16xi32>
    tpu.vector_store_idx %arg13[%broadcast_in_dim3A_2627, %get3A_2233], %get3A_2625 : memref<4x8192xf32, #tpu.memory_space<vmem>>[vector<16xi32>, vector<16xi32>], vector<16xf32>,
    %get3A_2628 = arith.constant 944 : index
    %get3A_2629 = tpu.vector_load %arg10[%get3A_2628] {strides = array<i32>} : memref<1024xf32, #tpu.memory_space<vmem>>, vector<16xf32>,
    %broadcast_in_dim3A_2630 = arith.constant 3 : i32
    %broadcast_in_dim3A_2631 = vector.broadcast %broadcast_in_dim3A_2630 : i32 to vector<16xi32>
    tpu.vector_store_idx %arg13[%broadcast_in_dim3A_2631, %get3A_2233], %get3A_2629 : memref<4x8192xf32, #tpu.memory_space<vmem>>[vector<16xi32>, vector<16xi32>], vector<16xf32>,
    %mul3A_2632 = arith.constant 64 : i32
    %mul3A_2633 = arith.muli %add3A, %mul3A_2632 : i32
    %add3A_2634 = arith.constant 56 : i32
    %add3A_2635 = arith.addi %mul3A_2633, %add3A_2634 : i32
    %dma_start3A_2636 = arith.constant 0 : i32
    %dma_start3A_2637 = tpu.memref_slice %arg6[%add3A_2635, %dma_start3A_2636] : memref<2048x8192xf32, #tpu.memory_space<hbm>> -> memref<4x8192xf32, #tpu.memory_space<hbm>>
    %dma_start3A_2638 = arith.constant 0 : i32
    %dma_start3A_2639 = tpu.memref_slice %arg6[%add3A_2635, %dma_start3A_2638] : memref<2048x8192xf32, #tpu.memory_space<hbm>> -> memref<4x8192xf32, #tpu.memory_space<hbm>>
    tpu.enqueue_dma source(%arg13 : memref<4x8192xf32, #tpu.memory_space<vmem>>) target(%dma_start3A_2639 : memref<4x8192xf32, #tpu.memory_space<hbm>>) target_semaphore(%arg16 : memref<!tpu.dma_semaphore, #tpu.memory_space<semaphore_mem>>)
    %dma_wait3A_2640 = arith.constant 0 : i32
    %dma_wait3A_2641 = tpu.memref_slice %arg6[%add3A_2579, %dma_wait3A_2640] : memref<2048x8192xf32, #tpu.memory_space<hbm>> -> memref<4x8192xf32, #tpu.memory_space<hbm>>
    %dma_wait3A_2642 = arith.constant 0 : i32
    %dma_wait3A_2643 = tpu.memref_slice %arg6[%add3A_2579, %dma_wait3A_2642] : memref<2048x8192xf32, #tpu.memory_space<hbm>> -> memref<4x8192xf32, #tpu.memory_space<hbm>>
    tpu.wait_dma2 semaphore(%arg14 : memref<!tpu.dma_semaphore, #tpu.memory_space<semaphore_mem>>) src(%arg11 : memref<4x8192xf32, #tpu.memory_space<vmem>>) dst(%dma_wait3A_2643 : memref<4x8192xf32, #tpu.memory_space<hbm>>)
    %get3A_2644 = arith.constant 960 : index
    %get3A_2645 = tpu.vector_load %arg10[%get3A_2644] {strides = array<i32>} : memref<1024xf32, #tpu.memory_space<vmem>>, vector<16xf32>,
    %broadcast_in_dim3A_2646 = arith.constant 0 : i32
    %broadcast_in_dim3A_2647 = vector.broadcast %broadcast_in_dim3A_2646 : i32 to vector<16xi32>
    tpu.vector_store_idx %arg11[%broadcast_in_dim3A_2647, %get3A_2233], %get3A_2645 : memref<4x8192xf32, #tpu.memory_space<vmem>>[vector<16xi32>, vector<16xi32>], vector<16xf32>,
    %get3A_2648 = arith.constant 976 : index
    %get3A_2649 = tpu.vector_load %arg10[%get3A_2648] {strides = array<i32>} : memref<1024xf32, #tpu.memory_space<vmem>>, vector<16xf32>,
    %broadcast_in_dim3A_2650 = arith.constant 1 : i32
    %broadcast_in_dim3A_2651 = vector.broadcast %broadcast_in_dim3A_2650 : i32 to vector<16xi32>
    tpu.vector_store_idx %arg11[%broadcast_in_dim3A_2651, %get3A_2233], %get3A_2649 : memref<4x8192xf32, #tpu.memory_space<vmem>>[vector<16xi32>, vector<16xi32>], vector<16xf32>,
    %get3A_2652 = arith.constant 992 : index
    %get3A_2653 = tpu.vector_load %arg10[%get3A_2652] {strides = array<i32>} : memref<1024xf32, #tpu.memory_space<vmem>>, vector<16xf32>,
    %broadcast_in_dim3A_2654 = arith.constant 2 : i32
    %broadcast_in_dim3A_2655 = vector.broadcast %broadcast_in_dim3A_2654 : i32 to vector<16xi32>
    tpu.vector_store_idx %arg11[%broadcast_in_dim3A_2655, %get3A_2233], %get3A_2653 : memref<4x8192xf32, #tpu.memory_space<vmem>>[vector<16xi32>, vector<16xi32>], vector<16xf32>,
    %get3A_2656 = arith.constant 1008 : index
    %get3A_2657 = tpu.vector_load %arg10[%get3A_2656] {strides = array<i32>} : memref<1024xf32, #tpu.memory_space<vmem>>, vector<16xf32>,
    %broadcast_in_dim3A_2658 = arith.constant 3 : i32
    %broadcast_in_dim3A_2659 = vector.broadcast %broadcast_in_dim3A_2658 : i32 to vector<16xi32>
    tpu.vector_store_idx %arg11[%broadcast_in_dim3A_2659, %get3A_2233], %get3A_2657 : memref<4x8192xf32, #tpu.memory_space<vmem>>[vector<16xi32>, vector<16xi32>], vector<16xf32>,
    %mul3A_2660 = arith.constant 64 : i32
    %mul3A_2661 = arith.muli %add3A, %mul3A_2660 : i32
    %add3A_2662 = arith.constant 60 : i32
    %add3A_2663 = arith.addi %mul3A_2661, %add3A_2662 : i32
    %dma_start3A_2664 = arith.constant 0 : i32
    %dma_start3A_2665 = tpu.memref_slice %arg6[%add3A_2663, %dma_start3A_2664] : memref<2048x8192xf32, #tpu.memory_space<hbm>> -> memref<4x8192xf32, #tpu.memory_space<hbm>>
    %dma_start3A_2666 = arith.constant 0 : i32
    %dma_start3A_2667 = tpu.memref_slice %arg6[%add3A_2663, %dma_start3A_2666] : memref<2048x8192xf32, #tpu.memory_space<hbm>> -> memref<4x8192xf32, #tpu.memory_space<hbm>>
    tpu.enqueue_dma source(%arg11 : memref<4x8192xf32, #tpu.memory_space<vmem>>) target(%dma_start3A_2667 : memref<4x8192xf32, #tpu.memory_space<hbm>>) target_semaphore(%arg14 : memref<!tpu.dma_semaphore, #tpu.memory_space<semaphore_mem>>)
    %dma_wait3A_2668 = arith.constant 0 : i32
    %dma_wait3A_2669 = tpu.memref_slice %arg6[%add3A_2607, %dma_wait3A_2668] : memref<2048x8192xf32, #tpu.memory_space<hbm>> -> memref<4x8192xf32, #tpu.memory_space<hbm>>
    %dma_wait3A_2670 = arith.constant 0 : i32
    %dma_wait3A_2671 = tpu.memref_slice %arg6[%add3A_2607, %dma_wait3A_2670] : memref<2048x8192xf32, #tpu.memory_space<hbm>> -> memref<4x8192xf32, #tpu.memory_space<hbm>>
    tpu.wait_dma2 semaphore(%arg15 : memref<!tpu.dma_semaphore, #tpu.memory_space<semaphore_mem>>) src(%arg12 : memref<4x8192xf32, #tpu.memory_space<vmem>>) dst(%dma_wait3A_2671 : memref<4x8192xf32, #tpu.memory_space<hbm>>)
    %dma_wait3A_2672 = arith.constant 0 : i32
    %dma_wait3A_2673 = tpu.memref_slice %arg6[%add3A_2635, %dma_wait3A_2672] : memref<2048x8192xf32, #tpu.memory_space<hbm>> -> memref<4x8192xf32, #tpu.memory_space<hbm>>
    %dma_wait3A_2674 = arith.constant 0 : i32
    %dma_wait3A_2675 = tpu.memref_slice %arg6[%add3A_2635, %dma_wait3A_2674] : memref<2048x8192xf32, #tpu.memory_space<hbm>> -> memref<4x8192xf32, #tpu.memory_space<hbm>>
    tpu.wait_dma2 semaphore(%arg16 : memref<!tpu.dma_semaphore, #tpu.memory_space<semaphore_mem>>) src(%arg13 : memref<4x8192xf32, #tpu.memory_space<vmem>>) dst(%dma_wait3A_2675 : memref<4x8192xf32, #tpu.memory_space<hbm>>)
    %dma_wait3A_2676 = arith.constant 0 : i32
    %dma_wait3A_2677 = tpu.memref_slice %arg6[%add3A_2663, %dma_wait3A_2676] : memref<2048x8192xf32, #tpu.memory_space<hbm>> -> memref<4x8192xf32, #tpu.memory_space<hbm>>
    %dma_wait3A_2678 = arith.constant 0 : i32
    %dma_wait3A_2679 = tpu.memref_slice %arg6[%add3A_2663, %dma_wait3A_2678] : memref<2048x8192xf32, #tpu.memory_space<hbm>> -> memref<4x8192xf32, #tpu.memory_space<hbm>>
    tpu.wait_dma2 semaphore(%arg14 : memref<!tpu.dma_semaphore, #tpu.memory_space<semaphore_mem>>) src(%arg11 : memref<4x8192xf32, #tpu.memory_space<vmem>>) dst(%dma_wait3A_2679 : memref<4x8192xf32, #tpu.memory_space<hbm>>)
    return
  }
}

</mosaic_0001>

<sc_bundles>
// kernel: kernel.3.cloned.1.call-start
scs
__scs_entry_jumppad:
0x0: {  	(pc) =	sbr.rel $0x88, $3  }
0x1: {  	(tag) =	ssettag $0x0;
	lr =	simm.s32 $0x1  }
0x2: {  	[smem:$0x3F9F] =	sst lr;
	_ =	strace $0xD0000000  }
0x3: {  	_ = 	snop  }
0x4: {  	_ = 	snop  }
0x5: {  	_ = 	snop  }
0x6: {  	_ = 	snop  }
0x7: {  	_ = 	snop  }
__scs_overlays_trampoline_lowered:
0x8: {  	[smem:$0x3FAE] =	sst s0  }
0x9: {  	[smem:$0x3FAF] =	sst s1  }
0xa: {  	[smem:$0x3FB0] =	sst s2  }
0xb: {  	[smem:$0x3FB1] =	sst s3  }
0xc: {  	[smem:$0x3FB2] =	sst s4  }
0xd: {  	[smem:$0x3FB3] =	sst s5  }
0xe: {  	[smem:$0x3FB4] =	sst s6  }
0xf: {  	[smem:$0x3FB5] =	sst s7  }
0x10: {  	[smem:$0x3FB6] =	sst s8  }
0x11: {  	[smem:$0x3FB7] =	sst s9;
	s0 =	simm.s32 @!p0 $0x0  }
0x12: {  	s1 =	sld [smem:$0x3F9D];
	s0 =	simm.s32 @p0 $0x1  }
0x13: {  	[smem:$0x3FB8] =	sst s0;
	s0 =	simm.s32 @!p1 $0x0  }
0x14: {  	s2 =	sld [smem:$0x3F9C];
	s0 =	simm.s32 @p1 $0x1  }
0x15: {  	[smem:$0x3FB9] =	sst s0;
	s0 =	simm.s32 @!p2 $0x0  }
0x16: {  	s3 =	sld [smem:$0x3FDB];
	s0 =	simm.s32 @p2 $0x1  }
0x17: {  	s4 =	simm.s32 $0x1BF5;
	[smem:$0x3FBB] =	sst s0  }
0x18: {  	s0 =	sld [smem:$0x3F9E];
	_ =	swait.ge [sflag:s4], $0x0  }
0x19: {  	s7 =	sld [smem:$0x3F9F]  }
0x1a: {  	s8 =	sadd.s32 $0xFFFFE003, lr  }
0x1b: {  	s9 =	sadd.s32 $0xFFFFFEF7, lr;
	s5 =	simm.s32 $0xFFFFFFFF;
	p2 =	slt.u32 s8, $0xFFFFF086  }
0x1c: {  	p1 =	slt.u32 s9, $0xF7A;
	s5 =	simm.s32 @!p2 $0x0  }
0x1d: {  	s5 =	simm.s32 @p1 $0x1;
	p0 =	seq.s32 s7, s2  }
0x1e: {  	s7 =	smul.u32 @!p0 $0xF7A, s2;
	p2 =	seq.s32 @!p0 s5, $0x0  }
0x1f: {  	s9 =	smul.u32 $0xF7A, s1;
	s8 =	simm.s32 @!p0 $0x1BF5;
	p2 =	por !p2, p0  }
0x20: {  	[sflag:s8] =	ssyncset.s32 @!p0 $0xFFFFF086;
	s6 =	sadd.s32 @!p0 s3, s7;
	s7 =	simm.s32 @!p0 $0x108  }
0x21: {  	s3 =	sadd.s32 s3, s9;
	s6 =	sadd.s32 @!p0 $0x88, s6;
	s7 =	simm.s32 @p2 $0x1082  }
0x22: {  	[simem:s7], [sflag:s8] =	dma.local @!p0 [hbm:s6], $0xF7A  }
0x23: {  	s9 =	sor.u32 $0xD0000000, s2;
	s6 =	simm.s32 $0x108;
	_ =	swait.ge @!p0 [sflag:s8], $0x0  }
0x24: {  	s3 =	sadd.s32 $0x88, s3;
	s6 =	simm.s32 @!p1 $0x1082;
	[sflag:s4] =	ssyncset.s32 $0xFFFFF086  }
0x25: {  	[simem:s6], [sflag:s4] =	dma.local [hbm:s3], $0xF7A  }
0x26: {  	[smem:$0x3F9F] =	sst s1;
	(tag) =	ssettag s2;
	_ =	strace s9  }
0x27: {  	s1 =	sld [smem:$0x3FAF]  }
0x28: {  	s2 =	sld [smem:$0x3FB0]  }
0x29: {  	s4 =	sld [smem:$0x3FB2]  }
0x2a: {  	p0 =	seq.s32 s5, $0x0;
	s5 =	sld [smem:$0x3FB3]  }
0x2b: {  	s6 =	sld [smem:$0x3FB4]  }
0x2c: {  	s7 =	sld [smem:$0x3FB5]  }
0x2d: {  	s3 =	simm.s32 $0x108;
	s8 =	sld [smem:$0x3FB6]  }
0x2e: {  	s3 =	simm.s32 @!p0 $0x1082;
	s9 =	sld [smem:$0x3FB7]  }
0x2f: {  	lr =	sadd.s32 s0, s3;
	s0 =	sld [smem:$0x3FAE]  }
0x30: {  	s3 =	sld [smem:$0x3FB1]  }
0x31: {  	[smem:$0x3FBA] =	sst s10  }
0x32: {  	s10 =	sld [smem:$0x3FB8];
	_ =	sdelay $0x3  }
0x33: {  	p0 =	seq.s32 s10, $0x1;
	s10 =	sld [smem:$0x3FBA];
	_ =	sdelay $0x3  }
0x34: {  	[smem:$0x3FBA] =	sst s10  }
0x35: {  	s10 =	sld [smem:$0x3FB9];
	_ =	sdelay $0x3  }
0x36: {  	p1 =	seq.s32 s10, $0x1;
	s10 =	sld [smem:$0x3FBA];
	_ =	sdelay $0x3  }
0x37: {  	[smem:$0x3FBA] =	sst s10  }
0x38: {  	s10 =	sld [smem:$0x3FBB]  }
0x39: {  	_ = 	snop;
	(pc) =	sbr.ind lr, $3  }
0x3a: {  	_ = 	snop  }
0x3b: {  	_ = 	snop  }
0x3c: {  	p2 =	seq.s32 s10, $0x1;
	s10 =	sld [smem:$0x3FBA]  }
0x3d: {  	_ =	shalt  }
0x3e: {  	_ =	shalt  }
0x3f: {  	_ =	shalt  }
0x40: {  	_ =	shalt  }
0x41: {  	_ =	shalt  }
0x42: {  	_ =	shalt  }
0x43: {  	_ =	shalt  }
0x44: {  	_ =	shalt  }
0x45: {  	_ =	shalt  }
0x46: {  	_ =	shalt  }
0x47: {  	_ =	shalt  }
0x48: {  	_ =	shalt  }
0x49: {  	_ =	shalt  }
0x4a: {  	_ =	shalt  }
0x4b: {  	_ =	shalt  }
0x4c: {  	_ =	shalt  }
0x4d: {  	_ =	shalt  }
0x4e: {  	_ =	shalt  }
0x4f: {  	_ =	shalt  }
0x50: {  	_ =	shalt  }
0x51: {  	_ =	shalt  }
0x52: {  	_ =	shalt  }
0x53: {  	_ =	shalt  }
0x54: {  	_ =	shalt  }
0x55: {  	_ =	shalt  }
0x56: {  	_ =	shalt  }
0x57: {  	_ =	shalt  }
0x58: {  	_ =	shalt  }
0x59: {  	_ =	shalt  }
0x5a: {  	_ =	shalt  }
0x5b: {  	_ =	shalt  }
0x5c: {  	_ =	shalt  }
0x5d: {  	_ =	shalt  }
0x5e: {  	_ =	shalt  }
0x5f: {  	_ =	shalt  }
0x60: {  	_ =	shalt  }
0x61: {  	_ =	shalt  }
0x62: {  	_ =	shalt  }
0x63: {  	_ =	shalt  }
0x64: {  	_ =	shalt  }
0x65: {  	_ =	shalt  }
0x66: {  	_ =	shalt  }
0x67: {  	_ =	shalt  }
0x68: {  	_ =	shalt  }
0x69: {  	_ =	shalt  }
0x6a: {  	_ =	shalt  }
0x6b: {  	_ =	shalt  }
0x6c: {  	_ =	shalt  }
0x6d: {  	_ =	shalt  }
0x6e: {  	_ =	shalt  }
0x6f: {  	_ =	shalt  }
0x70: {  	_ =	shalt  }
0x71: {  	_ =	shalt  }
0x72: {  	_ =	shalt  }
0x73: {  	_ =	shalt  }
0x74: {  	_ =	shalt  }
0x75: {  	_ =	shalt  }
0x76: {  	_ =	shalt  }
0x77: {  	_ =	shalt  }
0x78: {  	_ =	shalt  }
0x79: {  	_ =	shalt  }
0x7a: {  	_ =	shalt  }
0x7b: {  	_ =	shalt  }
0x7c: {  	_ =	shalt  }
0x7d: {  	_ =	shalt  }
0x7e: {  	_ =	shalt  }
0x7f: {  	_ =	shalt  }
0x80: {  	_ =	shalt  }
0x81: {  	_ =	shalt  }
0x82: {  	_ =	shalt  }
0x83: {  	_ =	shalt  }
0x84: {  	_ =	shalt  }
0x85: {  	_ =	shalt  }
0x86: {  	_ =	shalt  }
0x87: {  	_ =	shalt  }
.Lfunc_end0:
.L_simem_size_0:
called_computation_lowered:
.L_overlay_start_0:
0x88: {  	s2 =	sld [smem:$0x3FD9]  }
0x89: {  	s3 =	sld [smem:$0x3FFE];
	_ =	sdelay $0x1  }
0x8a: {  	s1 =	srdreg.scid  }
0x8b: {  	s0 =	sand.u32 $0x1, s1  }
0x8c: {  	s17 =	sshll.u32 s0, $0xA;
	s2 =	sadd.s32 s3, s2  }
0x8d: {  	s2 =	sadd.s32 s2, s17  }
0x8e: {  	[smem:$0x3FC6] =	sst s2  }
0x8f: {  	_ = 	snop  }
0x90: {  	s2 =	sld [smem:$0x3FD0];
	(tm) =	ssettm $0x1  }
0x91: {  	s18 =	sld [smem:$0x3FFB];
	_ =	sdelay $0x3  }
0x92: {  	_ =	strace s18  }
0x93: {  	s3 =	sld [smem:$0x3FFC];
	_ =	sdelay $0x3  }
0x94: {  	_ =	strace s3  }
0x95: {  	s3 =	sld [smem:$0x3FFD];
	_ =	sdelay $0x3  }
0x96: {  	_ =	strace s3  }
0x97: {  	_ =	strace $0x8FFFFFFF  }
0x98: {  	s19 =	sld [smem:$0x3FDB];
	_ =	sdelay $0x1  }
0x99: {  	s4 =	simm.s32 $_scs_section_size  }
0x9a: {  	s5 =	simm.s32 $_size__tile_overlayer_lowered;
	s6 =	simm.s32 $_tile_overlayer_lowered  }
0x9b: {  	s22 =	simm.s32 $0x1BFF;
	s21 =	sshll.u32 s6, $0x1;
	s3 =	sadd.s32 s4, s19  }
0x9c: {  	s7 =	simm.s32 $0x0;
	s20 =	sshll.u32 s5, $0x1;
	s5 =	sadd.s32 s21, s3  }
0x9d: {  	[timem:s7], [sflag:s22] =	dma.local [hbm:s5], s20  }
0x9e: {  	_ =	swait.ge [sflag:s22], s20  }
0x9f: {  	s4 =	ssub.s32 $0x0, s20;
	[sflag:s22] =	ssyncset.done $0x0  }
0xa0: {  	[sflag:s22] =	ssyncadd.s32 s4;
	_ =	sdelay $0x1  }
0xa1: {  	s23 =	simm.s32 $0x1B8B  }
0xa2: {  	_ =	swait.ge [sflag:s23], $0x1  }
0xa3: {  	[sflag:s23] =	ssyncset.done $0x0  }
0xa4: {  	s25 =	simm.s32 $0x1B8E;
	s24 =	sld [smem:$0x3FFE];
	[sflag:s23] =	ssyncadd.s32 $0xFFFFFFFF  }
0xa5: {  	s26 =	simm.s32 $execute0_lowered;
	[smem:$0x3FD2] =	sst s25  }
0xa6: {  	s5 =	sshll.u32 s26, $0x1;
	_ =	strace $0x80000046;
	[dreg:$0x1] =	wrdreg $0xFFFFFFFF  }
0xa7: {  	s28 =	simm.s32 $_size_execute0_lowered;
	s3 =	sadd.s32 s3, s5;
	[dreg:$0x0] =	wrdreg $0x0  }
0xa8: {  	s5 =	sshll.u32 s28, $0x1;
	[dreg:$0x2] =	wrdreg s3  }
0xa9: {  	[dreg:$0x3] =	wrdreg s5  }
0xaa: {  	[dreg:$0x4] =	wrdreg $0xC0  }
0xab: {  	_ =	task [dreg:s7], $0x5FFFF  }
0xac: {  	[dreg:$0x1] =	wrdreg $0xFFFFFFFF  }
0xad: {  	[dreg:$0x0] =	wrdreg $0x60  }
0xae: {  	[dreg:$0x2] =	wrdreg s24  }
0xaf: {  	[dreg:$0x3] =	wrdreg s2  }
0xb0: {  	[dreg:$0x4] =	wrdreg $0x9  }
0xb1: {  	_ =	task.clear_ibuf [dreg:s7], $0x5FFFF;
	_ =	strace $0x90000046  }
0xb2: {  	s29 =	simm.s32 $0x9;
	_ =	strace $0x80000048  }
0xb3: {  	_ =	swait.ge [sflag:s29], $0x1  }
0xb4: {  	[sflag:s29] =	ssyncadd.s32 $0xFFFFFFFF  }
0xb5: {  	_ =	strace $0x90000048  }
0xb6: {  	_ =	sfence  }
0xb7: {  	s30 =	sld [smem:$0x0];
	_ =	sdelay $0x2  }
0xb8: {  	s31 =	sshll.u32 s1, $0xD;
	s1 =	sshrl.u32 s1, $0x2  }
0xb9: {  	s3 =	sand.u32 $0x4000, s31;
	s1 =	sadd.s32 s1, s30  }
0xba: {  	s0 =	sor.u32 s3, s0;
	s1 =	sshll.u32 s1, $0x11  }
0xbb: {  	s0 =	sor.u32 s1, s0  }
0xbc: {  	s0 =	sadd.s32 $0x8F2B, s0  }
0xbd: {  	[sflag:s0] =	ssyncadd.remote.s32 $0x1  }
0xbe: {  	_ =	sfence.sel $0xFFFF  }
0xbf: {  	[dreg:$0x0] =	wrdreg $0xFFFFFFFF;
	(pc) =	sbr.abs _section_cstart, $3  }
0xc0: {  	[dreg:$0x1] =	wrdreg $0xFFFFFFFF  }
0xc1: {  	_ =	task.clear_ibuf [dreg:s7], $0x2FFFF;
	_ =	strace $0x9FFFFFFF  }
0xc2: {  	(tm) =	ssettm $0x7FFFFFFF  }
0xc3: {  	_ =	shalt  }
tec
execute0_lowered:
.L_overlay_start_1:
0x0: {  	(tag) =	ssettag $0x1  }
0x1: {  	v0 =	vlaneseq.u32  }
0x2: {  	v0 =	vmul.u32 $0x10, v0;
	_ =	sdelay $0x1  }
0x3: {  	s0 =	rddreg [dreg:$0x0];
	v1 =	vimm.f32 $0.0e+00;
	v2 =	vor.u32 $0x1, v0;
	v10 =	vor.u32 $0x3, v0  }
0x4: {  	s3 =	rddreg [dreg:$0x1];
	v11 =	vor.u32 $0x102, v0;
	v12 =	vor.u32 $0x103, v0;
	v13 =	vor.u32 $0x202, v0  }
0x5: {  	s2 =	simm.s32 $0x0;
	s1 =	stileid.u32;
	s4 =	srdreg.scid;
	v14 =	vor.u32 $0x203, v0;
	v15 =	vor.u32 $0x302, v0;
	v16 =	vor.u32 $0x303, v0  }
0x6: {  	s19 =	simm.s32 $0x1180;
	s28 =	simm.s32 $0xD80;
	s29 =	simm.s32 $0x1;
	v17 =	vor.u32 $0x4, v0;
	v18 =	vor.u32 $0x5, v0;
	v19 =	vor.u32 $0x104, v0  }
0x7: {  	s30 =	simm.s32 $0x200;
	s31 =	simm.s32 $0x2;
	[smem:$0x7FF] =	sst s2;
	v20 =	vor.u32 $0x105, v0;
	v21 =	vor.u32 $0x204, v0;
	v22 =	vor.u32 $0x205, v0  }
0x8: {  	s4 =	sand.u32 $0x1, s4;
	s5 =	sshll.u32 s1, $0x1;
	s6 =	sshll.u32 s1, $0x9;
	v23 =	vor.u32 $0x304, v0;
	v24 =	vor.u32 $0x305, v0;
	v25 =	vor.u32 $0x6, v0  }
0x9: {  	s7 =	sadd.s32 $0xE00, s0;
	s21 =	sadd.s32 $0x4000, s0;
	s5 =	sor.u32 s4, s5;
	v27 =	vor.u32 $0x106, v0;
	v28 =	vor.u32 $0x107, v0;
	v29 =	vor.u32 $0x206, v0  }
0xa: {  	s6 =	sand.u32 $0x1800, s6;
	s22 =	ssub.s32 $0x2, s4;
	s4 =	sadd.s32 $0x3000, s0;
	v30 =	vor.u32 $0x207, v0;
	v31 =	vor.u32 $0x306, v0;
	[tilespmem:$0x1FF80] =	vst v2;
	v2 =	vor.u32 $0x100, v0  }
0xb: {  	s8 =	sshll.u32 s5, $0x4;
	s6 =	sadd.s32 s6, s0;
	s5 =	sshll.u32 s5, $0x10;
	v32 =	vor.u32 $0x307, v0;
	v34 =	vor.u32 $0x9, v0;
	[tilespmem:$0x1FF90] =	vst v2;
	v2 =	vor.u32 $0x101, v0  }
0xc: {  	s24 =	sshrl.u32 s22, $0x1;
	v35 =	vor.u32 $0x108, v0;
	v36 =	vor.u32 $0x109, v0;
	s0 =	simm.s32 $0x3;
	s20 =	sand.u32 $0x70, s8;
	[tilespmem:$0x1FFA0] =	vst v2;
	v2 =	vor.u32 $0x200, v0  }
0xd: {  	v37 =	vor.u32 $0x208, v0;
	v38 =	vor.u32 $0x209, v0;
	s3 =	sadd.s32 s3, s5;
	s26 =	ssub.s32 s22, s24;
	s22 =	simm.s32 $0x80;
	[tilespmem:$0x1FFB0] =	vst v2;
	v2 =	vor.u32 $0x201, v0  }
0xe: {  	v39 =	vor.u32 $0x308, v0;
	v40 =	vor.u32 $0x309, v0;
	s24 =	simm.s32 $0x4;
	s6 =	sadd.s32 s20, s6;
	s23 =	sadd.s32 $0x40, s3;
	[tilespmem:$0x1FFC0] =	vst v2;
	v2 =	vor.u32 $0x300, v0  }
0xf: {  	v26 =	vor.u32 $0x7, v0;
	v41 =	vor.u32 $0xA, v0;
	s25 =	sadd.s32 $0x2000, s3;
	s5 =	sadd.s32 $0x2040, s3;
	s8 =	sadd.s32 $0x6000, s3;
	[tilespmem:$0x1FFD0] =	vst v2;
	v2 =	vor.u32 $0x301, v0  }
0x10: {  	v42 =	vor.u32 $0xB, v0;
	v43 =	vor.u32 $0x10A, v0;
	s9 =	sadd.s32 $0x6040, s3;
	s10 =	sadd.s32 $0x8000, s3;
	s11 =	sadd.s32 $0x8040, s3;
	[tilespmem:$0x1FFE0] =	vst v2;
	v2 =	vor.u32 $0x2, v0  }
0x11: {  	v33 =	vor.u32 $0x8, v0;
	v44 =	vor.u32 $0x10B, v0;
	v45 =	vor.u32 $0x20A, v0;
	s12 =	sadd.s32 $0xA000, s3;
	s13 =	sadd.s32 $0xA040, s3;
	s14 =	sadd.s32 $0xC000, s3;
	[tilespmem:$0x1FFF0] =	vst v2  }
0x12: {  	v46 =	vor.u32 $0x20B, v0;
	v47 =	vor.u32 $0x30A, v0;
	v48 =	vor.u32 $0x30B, v0;
	s15 =	sadd.s32 $0xC040, s3;
	_ =	strace $0x80000047;
	[dreg:$0x3] =	wrdreg s7  }
0x13: {  	v49 =	vor.u32 $0xC, v0;
	v50 =	vor.u32 $0xD, v0;
	v51 =	vor.u32 $0x10C, v0;
	s16 =	sadd.s32 $0xE000, s3;
	s6 =	sadd.s32 $0x1000, s6;
	[dreg:$0x4] =	wrdreg s21  }
0x14: {  	v52 =	vor.u32 $0x10D, v0;
	v53 =	vor.u32 $0x20C, v0;
	v54 =	vor.u32 $0x20D, v0;
	s17 =	sadd.s32 $0xE040, s3;
	s18 =	smax.u32 s26, $0x1;
	[dreg:$0x5] =	wrdreg s6  }
0x15: {  	v55 =	vor.u32 $0x30C, v0;
	v56 =	vor.u32 $0x30D, v0;
	v57 =	vor.u32 $0xE, v0;
	s20 =	simm.s32 $0x9180;
	s26 =	simm.s32 $0xD00;
	[dreg:$0x6] =	wrdreg s23  }
0x16: {  	v58 =	vor.u32 $0xF, v0;
	v59 =	vor.u32 $0x10E, v0;
	v60 =	vor.u32 $0x10F, v0;
	[dreg:$0x7] =	wrdreg s25;
	s6 =	sadd.s32 $0x4000, s3;
	s7 =	sadd.s32 $0x4040, s3  }
0x17: {  	v61 =	vor.u32 $0x20E, v0;
	v62 =	vor.u32 $0x20F, v0;
	v63 =	vor.u32 $0x30E, v0;
	s21 =	simm.s32 $0x11180;
	s23 =	simm.s32 $0x400;
	s25 =	simm.s32 $0x800  }
.LBB2_1:
0x18: {  	[tilespmem:s19], [sflag:$0x1] =	stream.linear.gather [hbm4b:s4+s2], $0x8000, $0x38;
	[tilespmem:$0x19180] =	vst v63  }
0x19: {  	_ = 	snop  }
0x1a: {  	[tilespmem:s20], [sflag:$0x2] =	stream.linear.gather [hbm4b:s4+s2], $0x8000, $0x38;
	[tilespmem:$0x19180] =	vst v63  }
0x1b: {  	_ = 	snop  }
0x1c: {  	[tilespmem:s21], [sflag:$0x3] =	stream.linear.gather [hbm4b:s4+s2], $0x8000, $0x38;
	[tilespmem:$0x19180] =	vst v63  }
0x1d: {  	s1 =	rddreg [dreg:$0x5]  }
0x1e: {  	[tilespmem:s2], [sflag:$0x4] =	stream.strided.gather [hbm4b:s1+s22], $0x800, s23, s22, $0x38;
	[tilespmem:$0x19180] =	vst v63  }
0x1f: {  	_ =	swait.ge [sflag:s24], $0x800  }
0x20: {  	[sflag:s24] =	ssyncset.done $0x0  }
0x21: {  	s1 =	rddreg [dreg:$0x3];
	[sflag:s24] =	ssyncadd.s32 $0xFFFFF800  }
0x22: {  	[tilespmem:s25], [sflag:$0x4] =	stream.linear.gather [hbm4b:s1+s2], $0x500, $0x38;
	[tilespmem:$0x19180] =	vst v63  }
0x23: {  	_ =	swait.ge [sflag:s24], $0x500  }
0x24: {  	[sflag:s24] =	ssyncset.done $0x0  }
0x25: {  	s1 =	rddreg [dreg:$0x4];
	[sflag:s24] =	ssyncadd.s32 $0xFFFFFB00  }
0x26: {  	[tilespmem:s26], [sflag:$0x4] =	stream.linear.gather [hbm4b:s1+s2], $0x80, $0x38;
	[tilespmem:$0x19180] =	vst v63  }
0x27: {  	_ =	swait.ge [sflag:s24], $0x80  }
0x28: {  	[sflag:s24] =	ssyncset.done $0x0  }
0x29: {  	[sflag:s24] =	ssyncadd.s32 $0xFFFFFF80  }
0x2a: {  	v2 =	vld [tilespmem:$0xC00]  }
0x2b: {  	v3 =	vld [tilespmem:$0xC80]  }
0x2c: {  	v4 =	vld [tilespmem:$0x800]  }
0x2d: {  	v5 =	vld [tilespmem:$0xA00]  }
0x2e: {  	v6 =	vld [tilespmem:$0x40]  }
0x2f: {  	v7 =	vld [tilespmem:$0xC0]  }
0x30: {  	v8 =	vld [tilespmem:$0x80]  }
0x31: {  	v9 =	vld [tilespmem:$0x0]  }
0x32: {  	v5 =	vmul.f32 v5, v3  }
0x33: {  	v4 =	vmul.f32 v4, v2  }
0x34: {  	v6 =	vadd.f32 v6, v5;
	v5 =	vadd.f32 v7, v5  }
0x35: {  	v7 =	vadd.f32 v8, v4  }
0x36: {  	v4 =	vadd.f32 v5, v4;
	v5 =	vmax.f32 v9, v6  }
0x37: {  	vm0 =	vgt.f32 v7, v5;
	v5 =	vmax.f32 v5, v7  }
0x38: {  	vm3 =	vgt.f32 v4, v5  }
0x39: {  	vm2 =	vmneg vm0;
	vm0 =	vmor vm3, vm0  }
0x3a: {  	v4 =	vsel vm0, $0x3F800000, v1  }
0x3b: {  	[tilespmem:v0+s28+$0x0] =	vst.idx.msk $0xffff, v4;
	v4 =	vld [tilespmem:$0x1FF80];
	_ =	sdelay $0x3  }
0x3c: {  	vm1 =	vgt.f32 v6, v9  }
0x3d: {  	vm1 =	vmand vm2, vm1  }
0x3e: {  	vm1 =	vmor vm3, vm1  }
0x3f: {  	v5 =	vsel vm1, $0x3F800000, v1  }
0x40: {  	[tilespmem:v4+s28+$0x0] =	vst.idx.msk $0xffff, v5  }
0x41: {  	v4 =	vld [tilespmem:$0x810]  }
0x42: {  	v5 =	vld [tilespmem:$0xA10]  }
0x43: {  	v6 =	vld [tilespmem:$0x50]  }
0x44: {  	v7 =	vld [tilespmem:$0xD0]  }
0x45: {  	v8 =	vld [tilespmem:$0x90]  }
0x46: {  	v9 =	vld [tilespmem:$0x10]  }
0x47: {  	v5 =	vmul.f32 v5, v3  }
0x48: {  	v4 =	vmul.f32 v4, v2  }
0x49: {  	v6 =	vadd.f32 v6, v5;
	v5 =	vadd.f32 v7, v5  }
0x4a: {  	v7 =	vadd.f32 v8, v4  }
0x4b: {  	v4 =	vadd.f32 v5, v4;
	v5 =	vmax.f32 v9, v6;
	vm13 =	vgt.f32 v6, v9;
	v6 =	vld [tilespmem:$0x1FF90];
	_ =	sdelay $0x3  }
0x4c: {  	vm12 =	vgt.f32 v7, v5;
	v5 =	vmax.f32 v5, v7  }
0x4d: {  	vm15 =	vgt.f32 v4, v5  }
0x4e: {  	vm0 =	vmor vm15, vm12  }
0x4f: {  	v4 =	vsel vm0, $0x3F800000, v1  }
0x50: {  	[tilespmem:v6+s28+$0x0] =	vst.idx.msk $0xffff, v4;
	v4 =	vld [tilespmem:$0x1FFA0];
	_ =	sdelay $0x3  }
0x51: {  	vm14 =	vmneg vm12  }
0x52: {  	vm1 =	vmand vm14, vm13  }
0x53: {  	vm1 =	vmor vm15, vm1  }
0x54: {  	v5 =	vsel vm1, $0x3F800000, v1  }
0x55: {  	[tilespmem:v4+s28+$0x0] =	vst.idx.msk $0xffff, v5  }
0x56: {  	v4 =	vld [tilespmem:$0x820]  }
0x57: {  	v5 =	vld [tilespmem:$0xA20]  }
0x58: {  	v6 =	vld [tilespmem:$0x60]  }
0x59: {  	v7 =	vld [tilespmem:$0xE0]  }
0x5a: {  	v8 =	vld [tilespmem:$0xA0]  }
0x5b: {  	v9 =	vld [tilespmem:$0x20]  }
0x5c: {  	v5 =	vmul.f32 v5, v3  }
0x5d: {  	v4 =	vmul.f32 v4, v2  }
0x5e: {  	v6 =	vadd.f32 v6, v5;
	v5 =	vadd.f32 v7, v5  }
0x5f: {  	v7 =	vadd.f32 v8, v4  }
0x60: {  	v4 =	vadd.f32 v5, v4;
	v5 =	vmax.f32 v9, v6;
	vm7 =	vgt.f32 v6, v9;
	v6 =	vld [tilespmem:$0x1FFB0];
	_ =	sdelay $0x3  }
0x61: {  	vm6 =	vgt.f32 v7, v5;
	v5 =	vmax.f32 v5, v7  }
0x62: {  	vm9 =	vgt.f32 v4, v5  }
0x63: {  	vm0 =	vmor vm9, vm6  }
0x64: {  	v4 =	vsel vm0, $0x3F800000, v1  }
0x65: {  	[tilespmem:v6+s28+$0x0] =	vst.idx.msk $0xffff, v4;
	v4 =	vld [tilespmem:$0x1FFC0];
	_ =	sdelay $0x3  }
0x66: {  	vm8 =	vmneg vm6  }
0x67: {  	vm1 =	vmand vm8, vm7  }
0x68: {  	vm1 =	vmor vm9, vm1  }
0x69: {  	v5 =	vsel vm1, $0x3F800000, v1  }
0x6a: {  	[tilespmem:v4+s28+$0x0] =	vst.idx.msk $0xffff, v5  }
0x6b: {  	v4 =	vld [tilespmem:$0x830]  }
0x6c: {  	v5 =	vld [tilespmem:$0xA30]  }
0x6d: {  	v6 =	vld [tilespmem:$0x70]  }
0x6e: {  	v7 =	vld [tilespmem:$0xF0]  }
0x6f: {  	v8 =	vld [tilespmem:$0xB0]  }
0x70: {  	v9 =	vld [tilespmem:$0x30]  }
0x71: {  	v3 =	vmul.f32 v5, v3  }
0x72: {  	v2 =	vmul.f32 v4, v2  }
0x73: {  	v4 =	vadd.f32 v6, v3;
	v3 =	vadd.f32 v7, v3  }
0x74: {  	v5 =	vadd.f32 v8, v2  }
0x75: {  	v2 =	vadd.f32 v3, v2;
	v3 =	vmax.f32 v9, v4;
	vm11 =	vgt.f32 v4, v9;
	v4 =	vld [tilespmem:$0x1FFD0];
	_ =	sdelay $0x3  }
0x76: {  	vm10 =	vgt.f32 v5, v3;
	v3 =	vmax.f32 v3, v5  }
0x77: {  	vm13 =	vgt.f32 v2, v3  }
0x78: {  	vm0 =	vmor vm13, vm10  }
0x79: {  	v2 =	vsel vm0, $0x3F800000, v1  }
0x7a: {  	[tilespmem:v4+s28+$0x0] =	vst.idx.msk $0xffff, v2;
	v2 =	vld [tilespmem:$0x1FFE0];
	_ =	sdelay $0x3  }
0x7b: {  	vm12 =	vmneg vm10  }
0x7c: {  	vm1 =	vmand vm12, vm11  }
0x7d: {  	vm1 =	vmor vm13, vm1  }
0x7e: {  	v3 =	vsel vm1, $0x3F800000, v1  }
0x7f: {  	[tilespmem:v2+s28+$0x0] =	vst.idx.msk $0xffff, v3  }
0x80: {  	v2 =	vld [tilespmem:$0xC10]  }
0x81: {  	v3 =	vld [tilespmem:$0xC90]  }
0x82: {  	v4 =	vld [tilespmem:$0x840]  }
0x83: {  	v5 =	vld [tilespmem:$0xA40]  }
0x84: {  	v6 =	vld [tilespmem:$0x140]  }
0x85: {  	v7 =	vld [tilespmem:$0x1C0]  }
0x86: {  	v8 =	vld [tilespmem:$0x180]  }
0x87: {  	v9 =	vld [tilespmem:$0x100]  }
0x88: {  	v5 =	vmul.f32 v5, v3  }
0x89: {  	v4 =	vmul.f32 v4, v2  }
0x8a: {  	v6 =	vadd.f32 v6, v5;
	v5 =	vadd.f32 v7, v5  }
0x8b: {  	v7 =	vadd.f32 v8, v4  }
0x8c: {  	v4 =	vadd.f32 v5, v4;
	v5 =	vmax.f32 v9, v6;
	vm15 =	vgt.f32 v6, v9;
	v6 =	vld [tilespmem:$0x1FFF0];
	_ =	sdelay $0x3  }
0x8d: {  	vm14 =	vgt.f32 v7, v5;
	v5 =	vmax.f32 v5, v7  }
0x8e: {  	vm6 =	vmneg vm14;
	vm7 =	vgt.f32 v4, v5  }
0x8f: {  	vm1 =	vmand vm6, vm15;
	vm0 =	vmor vm7, vm14  }
0x90: {  	vm1 =	vmor vm7, vm1;
	v4 =	vsel vm0, $0x3F800000, v1  }
0x91: {  	v5 =	vsel vm1, $0x3F800000, v1;
	[tilespmem:v6+s28+$0x0] =	vst.idx.msk $0xffff, v4  }
0x92: {  	[tilespmem:v10+s28+$0x0] =	vst.idx.msk $0xffff, v5  }
0x93: {  	v4 =	vld [tilespmem:$0x850]  }
0x94: {  	v5 =	vld [tilespmem:$0xA50]  }
0x95: {  	v6 =	vld [tilespmem:$0x150]  }
0x96: {  	v7 =	vld [tilespmem:$0x1D0]  }
0x97: {  	v8 =	vld [tilespmem:$0x190]  }
0x98: {  	v9 =	vld [tilespmem:$0x110]  }
0x99: {  	v5 =	vmul.f32 v5, v3  }
0x9a: {  	v4 =	vmul.f32 v4, v2  }
0x9b: {  	v6 =	vadd.f32 v6, v5;
	v5 =	vadd.f32 v7, v5  }
0x9c: {  	v7 =	vadd.f32 v8, v4  }
0x9d: {  	v4 =	vadd.f32 v5, v4;
	v5 =	vmax.f32 v9, v6  }
0x9e: {  	vm8 =	vgt.f32 v7, v5;
	v5 =	vmax.f32 v5, v7  }
0x9f: {  	vm9 =	vgt.f32 v6, v9;
	vm10 =	vmneg vm8;
	vm11 =	vgt.f32 v4, v5  }
0xa0: {  	vm1 =	vmand vm10, vm9;
	vm0 =	vmor vm11, vm8  }
0xa1: {  	vm1 =	vmor vm11, vm1;
	v4 =	vsel vm0, $0x3F800000, v1  }
0xa2: {  	v5 =	vsel vm1, $0x3F800000, v1;
	[tilespmem:v11+s28+$0x0] =	vst.idx.msk $0xffff, v4  }
0xa3: {  	[tilespmem:v12+s28+$0x0] =	vst.idx.msk $0xffff, v5  }
0xa4: {  	v4 =	vld [tilespmem:$0x860]  }
0xa5: {  	v5 =	vld [tilespmem:$0xA60]  }
0xa6: {  	v6 =	vld [tilespmem:$0x160]  }
0xa7: {  	v7 =	vld [tilespmem:$0x1E0]  }
0xa8: {  	v8 =	vld [tilespmem:$0x1A0]  }
0xa9: {  	v9 =	vld [tilespmem:$0x120]  }
0xaa: {  	v5 =	vmul.f32 v5, v3  }
0xab: {  	v4 =	vmul.f32 v4, v2  }
0xac: {  	v6 =	vadd.f32 v6, v5;
	v5 =	vadd.f32 v7, v5  }
0xad: {  	v7 =	vadd.f32 v8, v4  }
0xae: {  	v4 =	vadd.f32 v5, v4;
	v5 =	vmax.f32 v9, v6  }
0xaf: {  	vm12 =	vgt.f32 v7, v5;
	v5 =	vmax.f32 v5, v7  }
0xb0: {  	vm13 =	vgt.f32 v6, v9;
	vm14 =	vmneg vm12;
	vm15 =	vgt.f32 v4, v5  }
0xb1: {  	vm1 =	vmand vm14, vm13;
	vm0 =	vmor vm15, vm12  }
0xb2: {  	vm1 =	vmor vm15, vm1;
	v4 =	vsel vm0, $0x3F800000, v1  }
0xb3: {  	v5 =	vsel vm1, $0x3F800000, v1;
	[tilespmem:v13+s28+$0x0] =	vst.idx.msk $0xffff, v4  }
0xb4: {  	[tilespmem:v14+s28+$0x0] =	vst.idx.msk $0xffff, v5  }
0xb5: {  	v4 =	vld [tilespmem:$0x870]  }
0xb6: {  	v5 =	vld [tilespmem:$0xA70]  }
0xb7: {  	v6 =	vld [tilespmem:$0x170]  }
0xb8: {  	v7 =	vld [tilespmem:$0x1F0]  }
0xb9: {  	v8 =	vld [tilespmem:$0x1B0]  }
0xba: {  	v9 =	vld [tilespmem:$0x130]  }
0xbb: {  	v3 =	vmul.f32 v5, v3  }
0xbc: {  	v2 =	vmul.f32 v4, v2  }
0xbd: {  	v4 =	vadd.f32 v6, v3;
	v3 =	vadd.f32 v7, v3  }
0xbe: {  	v5 =	vadd.f32 v8, v2  }
0xbf: {  	v2 =	vadd.f32 v3, v2;
	v3 =	vmax.f32 v9, v4  }
0xc0: {  	vm6 =	vgt.f32 v5, v3;
	v3 =	vmax.f32 v3, v5  }
0xc1: {  	vm7 =	vgt.f32 v4, v9;
	vm8 =	vmneg vm6;
	vm9 =	vgt.f32 v2, v3  }
0xc2: {  	vm1 =	vmand vm8, vm7;
	vm0 =	vmor vm9, vm6  }
0xc3: {  	vm1 =	vmor vm9, vm1;
	v2 =	vsel vm0, $0x3F800000, v1  }
0xc4: {  	v3 =	vsel vm1, $0x3F800000, v1;
	[tilespmem:v15+s28+$0x0] =	vst.idx.msk $0xffff, v2  }
0xc5: {  	[tilespmem:v16+s28+$0x0] =	vst.idx.msk $0xffff, v3  }
0xc6: {  	v2 =	vld [tilespmem:$0xC20]  }
0xc7: {  	v3 =	vld [tilespmem:$0xCA0]  }
0xc8: {  	v4 =	vld [tilespmem:$0x880]  }
0xc9: {  	v5 =	vld [tilespmem:$0xA80]  }
0xca: {  	v6 =	vld [tilespmem:$0x240]  }
0xcb: {  	v7 =	vld [tilespmem:$0x2C0]  }
0xcc: {  	v8 =	vld [tilespmem:$0x280]  }
0xcd: {  	v9 =	vld [tilespmem:$0x200]  }
0xce: {  	v5 =	vmul.f32 v5, v3  }
0xcf: {  	v4 =	vmul.f32 v4, v2  }
0xd0: {  	v6 =	vadd.f32 v6, v5;
	v5 =	vadd.f32 v7, v5  }
0xd1: {  	v7 =	vadd.f32 v8, v4  }
0xd2: {  	v4 =	vadd.f32 v5, v4;
	v5 =	vmax.f32 v9, v6  }
0xd3: {  	vm10 =	vgt.f32 v7, v5;
	v5 =	vmax.f32 v5, v7  }
0xd4: {  	vm11 =	vgt.f32 v6, v9;
	vm12 =	vmneg vm10;
	vm13 =	vgt.f32 v4, v5  }
0xd5: {  	vm1 =	vmand vm12, vm11;
	vm0 =	vmor vm13, vm10  }
0xd6: {  	vm1 =	vmor vm13, vm1;
	v4 =	vsel vm0, $0x3F800000, v1  }
0xd7: {  	v5 =	vsel vm1, $0x3F800000, v1;
	[tilespmem:v17+s28+$0x0] =	vst.idx.msk $0xffff, v4  }
0xd8: {  	[tilespmem:v18+s28+$0x0] =	vst.idx.msk $0xffff, v5  }
0xd9: {  	v4 =	vld [tilespmem:$0x890]  }
0xda: {  	v5 =	vld [tilespmem:$0xA90]  }
0xdb: {  	v6 =	vld [tilespmem:$0x250]  }
0xdc: {  	v7 =	vld [tilespmem:$0x2D0]  }
0xdd: {  	v8 =	vld [tilespmem:$0x290]  }
0xde: {  	v9 =	vld [tilespmem:$0x210]  }
0xdf: {  	v5 =	vmul.f32 v5, v3  }
0xe0: {  	v4 =	vmul.f32 v4, v2  }
0xe1: {  	v6 =	vadd.f32 v6, v5;
	v5 =	vadd.f32 v7, v5  }
0xe2: {  	v7 =	vadd.f32 v8, v4  }
0xe3: {  	v4 =	vadd.f32 v5, v4;
	v5 =	vmax.f32 v9, v6  }
0xe4: {  	vm14 =	vgt.f32 v7, v5;
	v5 =	vmax.f32 v5, v7  }
0xe5: {  	vm15 =	vgt.f32 v6, v9;
	vm6 =	vmneg vm14;
	vm7 =	vgt.f32 v4, v5  }
0xe6: {  	vm1 =	vmand vm6, vm15;
	vm0 =	vmor vm7, vm14  }
0xe7: {  	vm1 =	vmor vm7, vm1;
	v4 =	vsel vm0, $0x3F800000, v1  }
0xe8: {  	v5 =	vsel vm1, $0x3F800000, v1;
	[tilespmem:v19+s28+$0x0] =	vst.idx.msk $0xffff, v4  }
0xe9: {  	[tilespmem:v20+s28+$0x0] =	vst.idx.msk $0xffff, v5  }
0xea: {  	v4 =	vld [tilespmem:$0x8A0]  }
0xeb: {  	v5 =	vld [tilespmem:$0xAA0]  }
0xec: {  	v6 =	vld [tilespmem:$0x260]  }
0xed: {  	v7 =	vld [tilespmem:$0x2E0]  }
0xee: {  	v8 =	vld [tilespmem:$0x2A0]  }
0xef: {  	v9 =	vld [tilespmem:$0x220]  }
0xf0: {  	v5 =	vmul.f32 v5, v3  }
0xf1: {  	v4 =	vmul.f32 v4, v2  }
0xf2: {  	v6 =	vadd.f32 v6, v5;
	v5 =	vadd.f32 v7, v5  }
0xf3: {  	v7 =	vadd.f32 v8, v4  }
0xf4: {  	v4 =	vadd.f32 v5, v4;
	v5 =	vmax.f32 v9, v6  }
0xf5: {  	vm8 =	vgt.f32 v7, v5;
	v5 =	vmax.f32 v5, v7  }
0xf6: {  	vm9 =	vgt.f32 v6, v9;
	vm10 =	vmneg vm8;
	vm11 =	vgt.f32 v4, v5  }
0xf7: {  	vm1 =	vmand vm10, vm9;
	vm0 =	vmor vm11, vm8  }
0xf8: {  	vm1 =	vmor vm11, vm1;
	v4 =	vsel vm0, $0x3F800000, v1  }
0xf9: {  	v5 =	vsel vm1, $0x3F800000, v1;
	[tilespmem:v21+s28+$0x0] =	vst.idx.msk $0xffff, v4  }
0xfa: {  	[tilespmem:v22+s28+$0x0] =	vst.idx.msk $0xffff, v5  }
0xfb: {  	v4 =	vld [tilespmem:$0x8B0]  }
0xfc: {  	v5 =	vld [tilespmem:$0xAB0]  }
0xfd: {  	v6 =	vld [tilespmem:$0x270]  }
0xfe: {  	v7 =	vld [tilespmem:$0x2F0]  }
0xff: {  	v8 =	vld [tilespmem:$0x2B0]  }
0x100: {  	v9 =	vld [tilespmem:$0x230]  }
0x101: {  	v3 =	vmul.f32 v5, v3  }
0x102: {  	v2 =	vmul.f32 v4, v2  }
0x103: {  	v4 =	vadd.f32 v6, v3;
	v3 =	vadd.f32 v7, v3  }
0x104: {  	v5 =	vadd.f32 v8, v2  }
0x105: {  	v2 =	vadd.f32 v3, v2;
	v3 =	vmax.f32 v9, v4  }
0x106: {  	vm12 =	vgt.f32 v5, v3;
	v3 =	vmax.f32 v3, v5  }
0x107: {  	vm13 =	vgt.f32 v4, v9;
	vm14 =	vmneg vm12;
	vm15 =	vgt.f32 v2, v3  }
0x108: {  	vm1 =	vmand vm14, vm13;
	vm0 =	vmor vm15, vm12  }
0x109: {  	vm1 =	vmor vm15, vm1;
	v2 =	vsel vm0, $0x3F800000, v1  }
0x10a: {  	v3 =	vsel vm1, $0x3F800000, v1;
	[tilespmem:v23+s28+$0x0] =	vst.idx.msk $0xffff, v2  }
0x10b: {  	[tilespmem:v24+s28+$0x0] =	vst.idx.msk $0xffff, v3  }
0x10c: {  	v2 =	vld [tilespmem:$0xC30]  }
0x10d: {  	v3 =	vld [tilespmem:$0xCB0]  }
0x10e: {  	v4 =	vld [tilespmem:$0x8C0]  }
0x10f: {  	v5 =	vld [tilespmem:$0xAC0]  }
0x110: {  	v6 =	vld [tilespmem:$0x340]  }
0x111: {  	v7 =	vld [tilespmem:$0x3C0]  }
0x112: {  	v8 =	vld [tilespmem:$0x380]  }
0x113: {  	v9 =	vld [tilespmem:$0x300]  }
0x114: {  	v5 =	vmul.f32 v5, v3  }
0x115: {  	v4 =	vmul.f32 v4, v2  }
0x116: {  	v6 =	vadd.f32 v6, v5;
	v5 =	vadd.f32 v7, v5  }
0x117: {  	v7 =	vadd.f32 v8, v4  }
0x118: {  	v4 =	vadd.f32 v5, v4;
	v5 =	vmax.f32 v9, v6  }
0x119: {  	vm6 =	vgt.f32 v7, v5;
	v5 =	vmax.f32 v5, v7  }
0x11a: {  	vm7 =	vgt.f32 v6, v9;
	vm8 =	vmneg vm6;
	vm9 =	vgt.f32 v4, v5  }
0x11b: {  	vm1 =	vmand vm8, vm7;
	vm0 =	vmor vm9, vm6  }
0x11c: {  	vm1 =	vmor vm9, vm1;
	v4 =	vsel vm0, $0x3F800000, v1  }
0x11d: {  	v5 =	vsel vm1, $0x3F800000, v1;
	[tilespmem:v25+s28+$0x0] =	vst.idx.msk $0xffff, v4  }
0x11e: {  	[tilespmem:v26+s28+$0x0] =	vst.idx.msk $0xffff, v5  }
0x11f: {  	v4 =	vld [tilespmem:$0x8D0]  }
0x120: {  	v5 =	vld [tilespmem:$0xAD0]  }
0x121: {  	v6 =	vld [tilespmem:$0x350]  }
0x122: {  	v7 =	vld [tilespmem:$0x3D0]  }
0x123: {  	v8 =	vld [tilespmem:$0x390]  }
0x124: {  	v9 =	vld [tilespmem:$0x310]  }
0x125: {  	v5 =	vmul.f32 v5, v3  }
0x126: {  	v4 =	vmul.f32 v4, v2  }
0x127: {  	v6 =	vadd.f32 v6, v5;
	v5 =	vadd.f32 v7, v5  }
0x128: {  	v7 =	vadd.f32 v8, v4  }
0x129: {  	v4 =	vadd.f32 v5, v4;
	v5 =	vmax.f32 v9, v6  }
0x12a: {  	vm10 =	vgt.f32 v7, v5;
	v5 =	vmax.f32 v5, v7  }
0x12b: {  	vm11 =	vgt.f32 v6, v9;
	vm12 =	vmneg vm10;
	vm13 =	vgt.f32 v4, v5  }
0x12c: {  	vm1 =	vmand vm12, vm11;
	vm0 =	vmor vm13, vm10  }
0x12d: {  	vm1 =	vmor vm13, vm1;
	v4 =	vsel vm0, $0x3F800000, v1  }
0x12e: {  	v5 =	vsel vm1, $0x3F800000, v1;
	[tilespmem:v27+s28+$0x0] =	vst.idx.msk $0xffff, v4  }
0x12f: {  	[tilespmem:v28+s28+$0x0] =	vst.idx.msk $0xffff, v5  }
0x130: {  	v4 =	vld [tilespmem:$0x8E0]  }
0x131: {  	v5 =	vld [tilespmem:$0xAE0]  }
0x132: {  	v6 =	vld [tilespmem:$0x360]  }
0x133: {  	v7 =	vld [tilespmem:$0x3E0]  }
0x134: {  	v8 =	vld [tilespmem:$0x3A0]  }
0x135: {  	v9 =	vld [tilespmem:$0x320]  }
0x136: {  	v5 =	vmul.f32 v5, v3  }
0x137: {  	v4 =	vmul.f32 v4, v2  }
0x138: {  	v6 =	vadd.f32 v6, v5;
	v5 =	vadd.f32 v7, v5  }
0x139: {  	v7 =	vadd.f32 v8, v4  }
0x13a: {  	v4 =	vadd.f32 v5, v4;
	v5 =	vmax.f32 v9, v6  }
0x13b: {  	vm14 =	vgt.f32 v7, v5;
	v5 =	vmax.f32 v5, v7  }
0x13c: {  	vm15 =	vgt.f32 v6, v9;
	vm6 =	vmneg vm14;
	vm7 =	vgt.f32 v4, v5  }
0x13d: {  	vm1 =	vmand vm6, vm15;
	vm0 =	vmor vm7, vm14  }
0x13e: {  	vm1 =	vmor vm7, vm1;
	v4 =	vsel vm0, $0x3F800000, v1  }
0x13f: {  	v5 =	vsel vm1, $0x3F800000, v1;
	[tilespmem:v29+s28+$0x0] =	vst.idx.msk $0xffff, v4  }
0x140: {  	[tilespmem:v30+s28+$0x0] =	vst.idx.msk $0xffff, v5  }
0x141: {  	v4 =	vld [tilespmem:$0x8F0]  }
0x142: {  	v5 =	vld [tilespmem:$0xAF0]  }
0x143: {  	v6 =	vld [tilespmem:$0x370]  }
0x144: {  	v7 =	vld [tilespmem:$0x3F0]  }
0x145: {  	v8 =	vld [tilespmem:$0x3B0]  }
0x146: {  	v9 =	vld [tilespmem:$0x330]  }
0x147: {  	v3 =	vmul.f32 v5, v3  }
0x148: {  	v2 =	vmul.f32 v4, v2  }
0x149: {  	v4 =	vadd.f32 v6, v3;
	v3 =	vadd.f32 v7, v3  }
0x14a: {  	v5 =	vadd.f32 v8, v2  }
0x14b: {  	v2 =	vadd.f32 v3, v2;
	v3 =	vmax.f32 v9, v4  }
0x14c: {  	vm8 =	vgt.f32 v5, v3;
	v3 =	vmax.f32 v3, v5  }
0x14d: {  	vm9 =	vgt.f32 v4, v9;
	vm10 =	vmneg vm8;
	vm11 =	vgt.f32 v2, v3  }
0x14e: {  	vm1 =	vmand vm10, vm9;
	vm0 =	vmor vm11, vm8  }
0x14f: {  	vm1 =	vmor vm11, vm1;
	v2 =	vsel vm0, $0x3F800000, v1  }
0x150: {  	v3 =	vsel vm1, $0x3F800000, v1;
	[tilespmem:v31+s28+$0x0] =	vst.idx.msk $0xffff, v2  }
0x151: {  	[tilespmem:v32+s28+$0x0] =	vst.idx.msk $0xffff, v3  }
0x152: {  	v2 =	vld [tilespmem:$0xC40]  }
0x153: {  	v3 =	vld [tilespmem:$0xCC0]  }
0x154: {  	v4 =	vld [tilespmem:$0x900]  }
0x155: {  	v5 =	vld [tilespmem:$0xB00]  }
0x156: {  	v6 =	vld [tilespmem:$0x440]  }
0x157: {  	v7 =	vld [tilespmem:$0x4C0]  }
0x158: {  	v8 =	vld [tilespmem:$0x480]  }
0x159: {  	v9 =	vld [tilespmem:$0x400]  }
0x15a: {  	v5 =	vmul.f32 v5, v3  }
0x15b: {  	v4 =	vmul.f32 v4, v2  }
0x15c: {  	v6 =	vadd.f32 v6, v5;
	v5 =	vadd.f32 v7, v5  }
0x15d: {  	v7 =	vadd.f32 v8, v4  }
0x15e: {  	v4 =	vadd.f32 v5, v4;
	v5 =	vmax.f32 v9, v6  }
0x15f: {  	vm12 =	vgt.f32 v7, v5;
	v5 =	vmax.f32 v5, v7  }
0x160: {  	vm13 =	vgt.f32 v6, v9;
	vm14 =	vmneg vm12;
	vm15 =	vgt.f32 v4, v5  }
0x161: {  	vm1 =	vmand vm14, vm13;
	vm0 =	vmor vm15, vm12  }
0x162: {  	vm1 =	vmor vm15, vm1;
	v4 =	vsel vm0, $0x3F800000, v1  }
0x163: {  	v5 =	vsel vm1, $0x3F800000, v1;
	[tilespmem:v33+s28+$0x0] =	vst.idx.msk $0xffff, v4  }
0x164: {  	[tilespmem:v34+s28+$0x0] =	vst.idx.msk $0xffff, v5  }
0x165: {  	v4 =	vld [tilespmem:$0x910]  }
0x166: {  	v5 =	vld [tilespmem:$0xB10]  }
0x167: {  	v6 =	vld [tilespmem:$0x450]  }
0x168: {  	v7 =	vld [tilespmem:$0x4D0]  }
0x169: {  	v8 =	vld [tilespmem:$0x490]  }
0x16a: {  	v9 =	vld [tilespmem:$0x410]  }
0x16b: {  	v5 =	vmul.f32 v5, v3  }
0x16c: {  	v4 =	vmul.f32 v4, v2  }
0x16d: {  	v6 =	vadd.f32 v6, v5;
	v5 =	vadd.f32 v7, v5  }
0x16e: {  	v7 =	vadd.f32 v8, v4  }
0x16f: {  	v4 =	vadd.f32 v5, v4;
	v5 =	vmax.f32 v9, v6  }
0x170: {  	vm6 =	vgt.f32 v7, v5;
	v5 =	vmax.f32 v5, v7  }
0x171: {  	vm7 =	vgt.f32 v6, v9;
	vm8 =	vmneg vm6;
	vm9 =	vgt.f32 v4, v5  }
0x172: {  	vm1 =	vmand vm8, vm7;
	vm0 =	vmor vm9, vm6  }
0x173: {  	vm1 =	vmor vm9, vm1;
	v4 =	vsel vm0, $0x3F800000, v1  }
0x174: {  	v5 =	vsel vm1, $0x3F800000, v1;
	[tilespmem:v35+s28+$0x0] =	vst.idx.msk $0xffff, v4  }
0x175: {  	[tilespmem:v36+s28+$0x0] =	vst.idx.msk $0xffff, v5  }
0x176: {  	v4 =	vld [tilespmem:$0x920]  }
0x177: {  	v5 =	vld [tilespmem:$0xB20]  }
0x178: {  	v6 =	vld [tilespmem:$0x460]  }
0x179: {  	v7 =	vld [tilespmem:$0x4E0]  }
0x17a: {  	v8 =	vld [tilespmem:$0x4A0]  }
0x17b: {  	v9 =	vld [tilespmem:$0x420]  }
0x17c: {  	v5 =	vmul.f32 v5, v3  }
0x17d: {  	v4 =	vmul.f32 v4, v2  }
0x17e: {  	v6 =	vadd.f32 v6, v5;
	v5 =	vadd.f32 v7, v5  }
0x17f: {  	v7 =	vadd.f32 v8, v4  }
0x180: {  	v4 =	vadd.f32 v5, v4;
	v5 =	vmax.f32 v9, v6  }
0x181: {  	vm10 =	vgt.f32 v7, v5;
	v5 =	vmax.f32 v5, v7  }
0x182: {  	vm11 =	vgt.f32 v6, v9;
	vm12 =	vmneg vm10;
	vm13 =	vgt.f32 v4, v5  }
0x183: {  	vm1 =	vmand vm12, vm11;
	vm0 =	vmor vm13, vm10  }
0x184: {  	vm1 =	vmor vm13, vm1;
	v4 =	vsel vm0, $0x3F800000, v1  }
0x185: {  	v5 =	vsel vm1, $0x3F800000, v1;
	[tilespmem:v37+s28+$0x0] =	vst.idx.msk $0xffff, v4  }
0x186: {  	[tilespmem:v38+s28+$0x0] =	vst.idx.msk $0xffff, v5  }
0x187: {  	v4 =	vld [tilespmem:$0x930]  }
0x188: {  	v5 =	vld [tilespmem:$0xB30]  }
0x189: {  	v6 =	vld [tilespmem:$0x470]  }
0x18a: {  	v7 =	vld [tilespmem:$0x4F0]  }
0x18b: {  	v8 =	vld [tilespmem:$0x4B0]  }
0x18c: {  	v9 =	vld [tilespmem:$0x430]  }
0x18d: {  	v3 =	vmul.f32 v5, v3  }
0x18e: {  	v2 =	vmul.f32 v4, v2  }
0x18f: {  	v4 =	vadd.f32 v6, v3;
	v3 =	vadd.f32 v7, v3  }
0x190: {  	v5 =	vadd.f32 v8, v2  }
0x191: {  	v2 =	vadd.f32 v3, v2;
	v3 =	vmax.f32 v9, v4  }
0x192: {  	vm14 =	vgt.f32 v5, v3;
	v3 =	vmax.f32 v3, v5  }
0x193: {  	vm15 =	vgt.f32 v4, v9;
	vm6 =	vmneg vm14;
	vm7 =	vgt.f32 v2, v3  }
0x194: {  	vm1 =	vmand vm6, vm15;
	vm0 =	vmor vm7, vm14  }
0x195: {  	vm1 =	vmor vm7, vm1;
	v2 =	vsel vm0, $0x3F800000, v1  }
0x196: {  	v3 =	vsel vm1, $0x3F800000, v1;
	[tilespmem:v39+s28+$0x0] =	vst.idx.msk $0xffff, v2  }
0x197: {  	[tilespmem:v40+s28+$0x0] =	vst.idx.msk $0xffff, v3  }
0x198: {  	v2 =	vld [tilespmem:$0xC50]  }
0x199: {  	v3 =	vld [tilespmem:$0xCD0]  }
0x19a: {  	v4 =	vld [tilespmem:$0x940]  }
0x19b: {  	v5 =	vld [tilespmem:$0xB40]  }
0x19c: {  	v6 =	vld [tilespmem:$0x540]  }
0x19d: {  	v7 =	vld [tilespmem:$0x5C0]  }
0x19e: {  	v8 =	vld [tilespmem:$0x580]  }
0x19f: {  	v9 =	vld [tilespmem:$0x500]  }
0x1a0: {  	v5 =	vmul.f32 v5, v3  }
0x1a1: {  	v4 =	vmul.f32 v4, v2  }
0x1a2: {  	v6 =	vadd.f32 v6, v5;
	v5 =	vadd.f32 v7, v5  }
0x1a3: {  	v7 =	vadd.f32 v8, v4  }
0x1a4: {  	v4 =	vadd.f32 v5, v4;
	v5 =	vmax.f32 v9, v6  }
0x1a5: {  	vm8 =	vgt.f32 v7, v5;
	v5 =	vmax.f32 v5, v7  }
0x1a6: {  	vm9 =	vgt.f32 v6, v9;
	vm10 =	vmneg vm8;
	vm11 =	vgt.f32 v4, v5  }
0x1a7: {  	vm1 =	vmand vm10, vm9;
	vm0 =	vmor vm11, vm8  }
0x1a8: {  	vm1 =	vmor vm11, vm1;
	v4 =	vsel vm0, $0x3F800000, v1  }
0x1a9: {  	v5 =	vsel vm1, $0x3F800000, v1;
	[tilespmem:v41+s28+$0x0] =	vst.idx.msk $0xffff, v4  }
0x1aa: {  	[tilespmem:v42+s28+$0x0] =	vst.idx.msk $0xffff, v5  }
0x1ab: {  	v4 =	vld [tilespmem:$0x950]  }
0x1ac: {  	v5 =	vld [tilespmem:$0xB50]  }
0x1ad: {  	v6 =	vld [tilespmem:$0x550]  }
0x1ae: {  	v7 =	vld [tilespmem:$0x5D0]  }
0x1af: {  	v8 =	vld [tilespmem:$0x590]  }
0x1b0: {  	v9 =	vld [tilespmem:$0x510]  }
0x1b1: {  	v5 =	vmul.f32 v5, v3  }
0x1b2: {  	v4 =	vmul.f32 v4, v2  }
0x1b3: {  	v6 =	vadd.f32 v6, v5;
	v5 =	vadd.f32 v7, v5  }
0x1b4: {  	v7 =	vadd.f32 v8, v4  }
0x1b5: {  	v4 =	vadd.f32 v5, v4;
	v5 =	vmax.f32 v9, v6  }
0x1b6: {  	vm12 =	vgt.f32 v7, v5;
	v5 =	vmax.f32 v5, v7  }
0x1b7: {  	vm13 =	vgt.f32 v6, v9;
	vm14 =	vmneg vm12;
	vm15 =	vgt.f32 v4, v5  }
0x1b8: {  	vm1 =	vmand vm14, vm13;
	vm0 =	vmor vm15, vm12  }
0x1b9: {  	vm1 =	vmor vm15, vm1;
	v4 =	vsel vm0, $0x3F800000, v1  }
0x1ba: {  	v5 =	vsel vm1, $0x3F800000, v1;
	[tilespmem:v43+s28+$0x0] =	vst.idx.msk $0xffff, v4  }
0x1bb: {  	[tilespmem:v44+s28+$0x0] =	vst.idx.msk $0xffff, v5  }
0x1bc: {  	v4 =	vld [tilespmem:$0x960]  }
0x1bd: {  	v5 =	vld [tilespmem:$0xB60]  }
0x1be: {  	v6 =	vld [tilespmem:$0x560]  }
0x1bf: {  	v7 =	vld [tilespmem:$0x5E0]  }
0x1c0: {  	v8 =	vld [tilespmem:$0x5A0]  }
0x1c1: {  	v9 =	vld [tilespmem:$0x520]  }
0x1c2: {  	v5 =	vmul.f32 v5, v3  }
0x1c3: {  	v4 =	vmul.f32 v4, v2  }
0x1c4: {  	v6 =	vadd.f32 v6, v5;
	v5 =	vadd.f32 v7, v5  }
0x1c5: {  	v7 =	vadd.f32 v8, v4  }
0x1c6: {  	v4 =	vadd.f32 v5, v4;
	v5 =	vmax.f32 v9, v6  }
0x1c7: {  	vm6 =	vgt.f32 v7, v5;
	v5 =	vmax.f32 v5, v7  }
0x1c8: {  	vm7 =	vgt.f32 v6, v9;
	vm8 =	vmneg vm6;
	vm9 =	vgt.f32 v4, v5  }
0x1c9: {  	vm1 =	vmand vm8, vm7;
	vm0 =	vmor vm9, vm6  }
0x1ca: {  	vm1 =	vmor vm9, vm1;
	v4 =	vsel vm0, $0x3F800000, v1  }
0x1cb: {  	v5 =	vsel vm1, $0x3F800000, v1;
	[tilespmem:v45+s28+$0x0] =	vst.idx.msk $0xffff, v4  }
0x1cc: {  	[tilespmem:v46+s28+$0x0] =	vst.idx.msk $0xffff, v5  }
0x1cd: {  	v4 =	vld [tilespmem:$0x970]  }
0x1ce: {  	v5 =	vld [tilespmem:$0xB70]  }
0x1cf: {  	v6 =	vld [tilespmem:$0x570]  }
0x1d0: {  	v7 =	vld [tilespmem:$0x5F0]  }
0x1d1: {  	v8 =	vld [tilespmem:$0x5B0]  }
0x1d2: {  	v9 =	vld [tilespmem:$0x530]  }
0x1d3: {  	v3 =	vmul.f32 v5, v3  }
0x1d4: {  	v2 =	vmul.f32 v4, v2  }
0x1d5: {  	v4 =	vadd.f32 v6, v3;
	v3 =	vadd.f32 v7, v3  }
0x1d6: {  	v5 =	vadd.f32 v8, v2  }
0x1d7: {  	v2 =	vadd.f32 v3, v2;
	v3 =	vmax.f32 v9, v4  }
0x1d8: {  	vm10 =	vgt.f32 v5, v3;
	v3 =	vmax.f32 v3, v5  }
0x1d9: {  	vm11 =	vgt.f32 v4, v9;
	vm12 =	vmneg vm10;
	vm13 =	vgt.f32 v2, v3  }
0x1da: {  	vm1 =	vmand vm12, vm11;
	vm0 =	vmor vm13, vm10  }
0x1db: {  	vm1 =	vmor vm13, vm1;
	v2 =	vsel vm0, $0x3F800000, v1  }
0x1dc: {  	v3 =	vsel vm1, $0x3F800000, v1;
	[tilespmem:v47+s28+$0x0] =	vst.idx.msk $0xffff, v2  }
0x1dd: {  	[tilespmem:v48+s28+$0x0] =	vst.idx.msk $0xffff, v3  }
0x1de: {  	v2 =	vld [tilespmem:$0xC60]  }
0x1df: {  	v3 =	vld [tilespmem:$0xCE0]  }
0x1e0: {  	v4 =	vld [tilespmem:$0x980]  }
0x1e1: {  	v5 =	vld [tilespmem:$0xB80]  }
0x1e2: {  	v6 =	vld [tilespmem:$0x640]  }
0x1e3: {  	v7 =	vld [tilespmem:$0x6C0]  }
0x1e4: {  	v8 =	vld [tilespmem:$0x680]  }
0x1e5: {  	v9 =	vld [tilespmem:$0x600]  }
0x1e6: {  	v5 =	vmul.f32 v5, v3  }
0x1e7: {  	v4 =	vmul.f32 v4, v2  }
0x1e8: {  	v6 =	vadd.f32 v6, v5;
	v5 =	vadd.f32 v7, v5  }
0x1e9: {  	v7 =	vadd.f32 v8, v4  }
0x1ea: {  	v4 =	vadd.f32 v5, v4;
	v5 =	vmax.f32 v9, v6  }
0x1eb: {  	vm14 =	vgt.f32 v7, v5;
	v5 =	vmax.f32 v5, v7  }
0x1ec: {  	vm15 =	vgt.f32 v6, v9;
	vm6 =	vmneg vm14;
	vm7 =	vgt.f32 v4, v5  }
0x1ed: {  	vm1 =	vmand vm6, vm15;
	vm0 =	vmor vm7, vm14  }
0x1ee: {  	vm1 =	vmor vm7, vm1;
	v4 =	vsel vm0, $0x3F800000, v1  }
0x1ef: {  	v5 =	vsel vm1, $0x3F800000, v1;
	[tilespmem:v49+s28+$0x0] =	vst.idx.msk $0xffff, v4  }
0x1f0: {  	[tilespmem:v50+s28+$0x0] =	vst.idx.msk $0xffff, v5  }
0x1f1: {  	v4 =	vld [tilespmem:$0x990]  }
0x1f2: {  	v5 =	vld [tilespmem:$0xB90]  }
0x1f3: {  	v6 =	vld [tilespmem:$0x650]  }
0x1f4: {  	v7 =	vld [tilespmem:$0x6D0]  }
0x1f5: {  	v8 =	vld [tilespmem:$0x690]  }
0x1f6: {  	v9 =	vld [tilespmem:$0x610]  }
0x1f7: {  	v5 =	vmul.f32 v5, v3  }
0x1f8: {  	v4 =	vmul.f32 v4, v2  }
0x1f9: {  	v6 =	vadd.f32 v6, v5;
	v5 =	vadd.f32 v7, v5  }
0x1fa: {  	v7 =	vadd.f32 v8, v4  }
0x1fb: {  	v4 =	vadd.f32 v5, v4;
	v5 =	vmax.f32 v9, v6  }
0x1fc: {  	vm8 =	vgt.f32 v7, v5;
	v5 =	vmax.f32 v5, v7  }
0x1fd: {  	vm9 =	vgt.f32 v6, v9;
	vm10 =	vmneg vm8;
	vm11 =	vgt.f32 v4, v5  }
0x1fe: {  	vm1 =	vmand vm10, vm9;
	vm0 =	vmor vm11, vm8  }
0x1ff: {  	vm1 =	vmor vm11, vm1;
	v4 =	vsel vm0, $0x3F800000, v1  }
0x200: {  	v5 =	vsel vm1, $0x3F800000, v1;
	[tilespmem:v51+s28+$0x0] =	vst.idx.msk $0xffff, v4  }
0x201: {  	[tilespmem:v52+s28+$0x0] =	vst.idx.msk $0xffff, v5  }
0x202: {  	v4 =	vld [tilespmem:$0x9A0]  }
0x203: {  	v5 =	vld [tilespmem:$0xBA0]  }
0x204: {  	v6 =	vld [tilespmem:$0x660]  }
0x205: {  	v7 =	vld [tilespmem:$0x6E0]  }
0x206: {  	v8 =	vld [tilespmem:$0x6A0]  }
0x207: {  	v9 =	vld [tilespmem:$0x620]  }
0x208: {  	v5 =	vmul.f32 v5, v3  }
0x209: {  	v4 =	vmul.f32 v4, v2  }
0x20a: {  	v6 =	vadd.f32 v6, v5;
	v5 =	vadd.f32 v7, v5  }
0x20b: {  	v7 =	vadd.f32 v8, v4  }
0x20c: {  	v4 =	vadd.f32 v5, v4;
	v5 =	vmax.f32 v9, v6  }
0x20d: {  	vm12 =	vgt.f32 v7, v5;
	v5 =	vmax.f32 v5, v7  }
0x20e: {  	vm13 =	vgt.f32 v6, v9;
	vm14 =	vmneg vm12;
	vm15 =	vgt.f32 v4, v5  }
0x20f: {  	vm1 =	vmand vm14, vm13;
	vm0 =	vmor vm15, vm12  }
0x210: {  	vm1 =	vmor vm15, vm1;
	v4 =	vsel vm0, $0x3F800000, v1  }
0x211: {  	v5 =	vsel vm1, $0x3F800000, v1;
	[tilespmem:v53+s28+$0x0] =	vst.idx.msk $0xffff, v4  }
0x212: {  	[tilespmem:v54+s28+$0x0] =	vst.idx.msk $0xffff, v5  }
0x213: {  	v4 =	vld [tilespmem:$0x9B0]  }
0x214: {  	v5 =	vld [tilespmem:$0xBB0]  }
0x215: {  	v6 =	vld [tilespmem:$0x670]  }
0x216: {  	v7 =	vld [tilespmem:$0x6F0]  }
0x217: {  	v8 =	vld [tilespmem:$0x6B0]  }
0x218: {  	v9 =	vld [tilespmem:$0x630]  }
0x219: {  	v3 =	vmul.f32 v5, v3  }
0x21a: {  	v2 =	vmul.f32 v4, v2  }
0x21b: {  	v4 =	vadd.f32 v6, v3;
	v3 =	vadd.f32 v7, v3  }
0x21c: {  	v5 =	vadd.f32 v8, v2  }
0x21d: {  	v2 =	vadd.f32 v3, v2;
	v3 =	vmax.f32 v9, v4  }
0x21e: {  	vm6 =	vgt.f32 v5, v3;
	v3 =	vmax.f32 v3, v5  }
0x21f: {  	vm7 =	vgt.f32 v4, v9;
	vm8 =	vmneg vm6;
	vm9 =	vgt.f32 v2, v3  }
0x220: {  	vm1 =	vmand vm8, vm7;
	vm0 =	vmor vm9, vm6  }
0x221: {  	vm1 =	vmor vm9, vm1;
	v2 =	vsel vm0, $0x3F800000, v1  }
0x222: {  	v3 =	vsel vm1, $0x3F800000, v1;
	[tilespmem:v55+s28+$0x0] =	vst.idx.msk $0xffff, v2  }
0x223: {  	[tilespmem:v56+s28+$0x0] =	vst.idx.msk $0xffff, v3  }
0x224: {  	v2 =	vld [tilespmem:$0xC70]  }
0x225: {  	v3 =	vld [tilespmem:$0xCF0]  }
0x226: {  	v4 =	vld [tilespmem:$0x9C0]  }
0x227: {  	v5 =	vld [tilespmem:$0xBC0]  }
0x228: {  	v6 =	vld [tilespmem:$0x740]  }
0x229: {  	v7 =	vld [tilespmem:$0x7C0]  }
0x22a: {  	v8 =	vld [tilespmem:$0x780]  }
0x22b: {  	v9 =	vld [tilespmem:$0x700]  }
0x22c: {  	v5 =	vmul.f32 v5, v3  }
0x22d: {  	v4 =	vmul.f32 v4, v2  }
0x22e: {  	v6 =	vadd.f32 v6, v5;
	v5 =	vadd.f32 v7, v5  }
0x22f: {  	v7 =	vadd.f32 v8, v4  }
0x230: {  	v4 =	vadd.f32 v5, v4;
	v5 =	vmax.f32 v9, v6  }
0x231: {  	vm10 =	vgt.f32 v7, v5;
	v5 =	vmax.f32 v5, v7  }
0x232: {  	vm11 =	vgt.f32 v6, v9;
	vm12 =	vmneg vm10;
	vm13 =	vgt.f32 v4, v5  }
0x233: {  	vm1 =	vmand vm12, vm11;
	vm0 =	vmor vm13, vm10  }
0x234: {  	vm1 =	vmor vm13, vm1;
	v4 =	vsel vm0, $0x3F800000, v1  }
0x235: {  	v5 =	vsel vm1, $0x3F800000, v1;
	[tilespmem:v57+s28+$0x0] =	vst.idx.msk $0xffff, v4  }
0x236: {  	[tilespmem:v58+s28+$0x0] =	vst.idx.msk $0xffff, v5  }
0x237: {  	v4 =	vld [tilespmem:$0x9D0]  }
0x238: {  	v5 =	vld [tilespmem:$0xBD0]  }
0x239: {  	v6 =	vld [tilespmem:$0x750]  }
0x23a: {  	v7 =	vld [tilespmem:$0x7D0]  }
0x23b: {  	v8 =	vld [tilespmem:$0x790]  }
0x23c: {  	v9 =	vld [tilespmem:$0x710]  }
0x23d: {  	v5 =	vmul.f32 v5, v3  }
0x23e: {  	v4 =	vmul.f32 v4, v2  }
0x23f: {  	v6 =	vadd.f32 v6, v5;
	v5 =	vadd.f32 v7, v5  }
0x240: {  	v7 =	vadd.f32 v8, v4  }
0x241: {  	v4 =	vadd.f32 v5, v4;
	v5 =	vmax.f32 v9, v6  }
0x242: {  	vm14 =	vgt.f32 v7, v5;
	v5 =	vmax.f32 v5, v7  }
0x243: {  	vm15 =	vgt.f32 v6, v9;
	vm6 =	vmneg vm14;
	vm7 =	vgt.f32 v4, v5  }
0x244: {  	vm1 =	vmand vm6, vm15;
	vm0 =	vmor vm7, vm14  }
0x245: {  	vm1 =	vmor vm7, vm1;
	v4 =	vsel vm0, $0x3F800000, v1  }
0x246: {  	v5 =	vsel vm1, $0x3F800000, v1;
	[tilespmem:v59+s28+$0x0] =	vst.idx.msk $0xffff, v4  }
0x247: {  	[tilespmem:v60+s28+$0x0] =	vst.idx.msk $0xffff, v5  }
0x248: {  	v4 =	vld [tilespmem:$0x9E0]  }
0x249: {  	v5 =	vld [tilespmem:$0xBE0]  }
0x24a: {  	v6 =	vld [tilespmem:$0x760]  }
0x24b: {  	v7 =	vld [tilespmem:$0x7E0]  }
0x24c: {  	v8 =	vld [tilespmem:$0x7A0]  }
0x24d: {  	v9 =	vld [tilespmem:$0x720]  }
0x24e: {  	v5 =	vmul.f32 v5, v3  }
0x24f: {  	v4 =	vmul.f32 v4, v2  }
0x250: {  	v6 =	vadd.f32 v6, v5;
	v5 =	vadd.f32 v7, v5  }
0x251: {  	v7 =	vadd.f32 v8, v4  }
0x252: {  	v4 =	vadd.f32 v5, v4;
	v5 =	vmax.f32 v9, v6  }
0x253: {  	vm8 =	vgt.f32 v7, v5;
	v5 =	vmax.f32 v5, v7  }
0x254: {  	vm9 =	vgt.f32 v6, v9;
	vm10 =	vmneg vm8;
	vm11 =	vgt.f32 v4, v5  }
0x255: {  	vm1 =	vmand vm10, vm9;
	vm0 =	vmor vm11, vm8  }
0x256: {  	vm1 =	vmor vm11, vm1;
	v4 =	vsel vm0, $0x3F800000, v1  }
0x257: {  	v5 =	vsel vm1, $0x3F800000, v1;
	[tilespmem:v61+s28+$0x0] =	vst.idx.msk $0xffff, v4  }
0x258: {  	[tilespmem:v62+s28+$0x0] =	vst.idx.msk $0xffff, v5  }
0x259: {  	v4 =	vld [tilespmem:$0x9F0]  }
0x25a: {  	v5 =	vld [tilespmem:$0xBF0]  }
0x25b: {  	v6 =	vld [tilespmem:$0x770]  }
0x25c: {  	v7 =	vld [tilespmem:$0x7F0]  }
0x25d: {  	v8 =	vld [tilespmem:$0x7B0]  }
0x25e: {  	v9 =	vld [tilespmem:$0x730]  }
0x25f: {  	v3 =	vmul.f32 v5, v3  }
0x260: {  	v2 =	vmul.f32 v4, v2  }
0x261: {  	v4 =	vadd.f32 v6, v3;
	v3 =	vadd.f32 v7, v3  }
0x262: {  	v5 =	vadd.f32 v8, v2  }
0x263: {  	v2 =	vadd.f32 v3, v2;
	v3 =	vmax.f32 v9, v4  }
0x264: {  	vm12 =	vgt.f32 v5, v3;
	v3 =	vmax.f32 v3, v5;
	v5 =	vor.u32 $0x30F, v0  }
0x265: {  	vm13 =	vgt.f32 v4, v9;
	vm14 =	vmneg vm12;
	vm15 =	vgt.f32 v2, v3  }
0x266: {  	vm1 =	vmand vm14, vm13;
	vm0 =	vmor vm15, vm12  }
0x267: {  	vm1 =	vmor vm15, vm1;
	v2 =	vsel vm0, $0x3F800000, v1  }
0x268: {  	v3 =	vsel vm1, $0x3F800000, v1;
	[tilespmem:v63+s28+$0x0] =	vst.idx.msk $0xffff, v2  }
0x269: {  	[tilespmem:v5+s28+$0x0] =	vst.idx.msk $0xffff, v3  }
0x26a: {  	v2 =	vld [tilespmem:$0xD00];
	_ =	sdelay $0x3  }
0x26b: {  	_ =	swait.ge [sflag:s29], $0x8000  }
0x26c: {  	[sflag:s29] =	ssyncset.done $0x0;
	v3 =	vshll.u32 v2, $0x2  }
0x26d: {  	[sflag:s29] =	ssyncadd.s32 $0xFFFF8000;
	v2 =	vand.u32 $0x7F, v2;
	v3 =	vand.u32 $0xFFFFFE00, v3  }
0x26e: {  	v4 =	vld [tilespmem:$0xD80];
	v2 =	vor.u32 v2, v3;
	_ =	sdelay $0x4  }
0x26f: {  	[tilespmem:v2+s19+$0x0] =	vst.idx.msk $0xffff, v4  }
0x270: {  	v3 =	vor.u32 $0x80, v2;
	v4 =	vld [tilespmem:$0xD90];
	_ =	sdelay $0x4  }
0x271: {  	[tilespmem:v3+s19+$0x0] =	vst.idx.msk $0xffff, v4  }
0x272: {  	v4 =	vor.u32 $0x100, v2;
	v5 =	vld [tilespmem:$0xDA0];
	_ =	sdelay $0x4  }
0x273: {  	[tilespmem:v4+s19+$0x0] =	vst.idx.msk $0xffff, v5  }
0x274: {  	v5 =	vor.u32 $0x180, v2;
	v6 =	vld [tilespmem:$0xDB0];
	_ =	sdelay $0x4  }
0x275: {  	[tilespmem:v5+s19+$0x0] =	vst.idx.msk $0xffff, v6  }
0x276: {  	[hbm4b:s3+s30] =	stream.strided.scatter [tilespmem:s19], [sflag:$0x1], $0x8000, s23, s30, $0x38;
	[tilespmem:$0x19180] =	vst v63  }
0x277: {  	_ =	swait.ge [sflag:s31], $0x8000  }
0x278: {  	[sflag:s31] =	ssyncset.done $0x0  }
0x279: {  	[sflag:s31] =	ssyncadd.s32 $0xFFFF8000  }
0x27a: {  	v6 =	vld [tilespmem:$0xDC0];
	_ =	sdelay $0x4  }
0x27b: {  	[tilespmem:v2+s20+$0x0] =	vst.idx.msk $0xffff, v6  }
0x27c: {  	v6 =	vld [tilespmem:$0xDD0];
	_ =	sdelay $0x4  }
0x27d: {  	[tilespmem:v3+s20+$0x0] =	vst.idx.msk $0xffff, v6  }
0x27e: {  	v6 =	vld [tilespmem:$0xDE0];
	_ =	sdelay $0x4  }
0x27f: {  	[tilespmem:v4+s20+$0x0] =	vst.idx.msk $0xffff, v6  }
0x280: {  	v6 =	vld [tilespmem:$0xDF0];
	_ =	sdelay $0x4  }
0x281: {  	s1 =	rddreg [dreg:$0x6];
	[tilespmem:v5+s20+$0x0] =	vst.idx.msk $0xffff, v6  }
0x282: {  	[hbm4b:s1+s30] =	stream.strided.scatter [tilespmem:s20], [sflag:$0x2], $0x8000, s23, s30, $0x38;
	[tilespmem:$0x19180] =	vst v63  }
0x283: {  	_ =	swait.ge [sflag:s0], $0x8000  }
0x284: {  	[sflag:s0] =	ssyncset.done $0x0  }
0x285: {  	[sflag:s0] =	ssyncadd.s32 $0xFFFF8000  }
0x286: {  	v6 =	vld [tilespmem:$0xE00];
	_ =	sdelay $0x4  }
0x287: {  	[tilespmem:v2+s21+$0x0] =	vst.idx.msk $0xffff, v6  }
0x288: {  	v6 =	vld [tilespmem:$0xE10];
	_ =	sdelay $0x4  }
0x289: {  	[tilespmem:v3+s21+$0x0] =	vst.idx.msk $0xffff, v6  }
0x28a: {  	v6 =	vld [tilespmem:$0xE20];
	_ =	sdelay $0x4  }
0x28b: {  	[tilespmem:v4+s21+$0x0] =	vst.idx.msk $0xffff, v6  }
0x28c: {  	v6 =	vld [tilespmem:$0xE30];
	_ =	sdelay $0x4  }
0x28d: {  	s1 =	rddreg [dreg:$0x7];
	[tilespmem:v5+s21+$0x0] =	vst.idx.msk $0xffff, v6  }
0x28e: {  	[hbm4b:s1+s30] =	stream.strided.scatter [tilespmem:s21], [sflag:$0x3], $0x8000, s23, s30, $0x38;
	[tilespmem:$0x19180] =	vst v63  }
0x28f: {  	_ =	swait.ge [sflag:s29], $0x8000  }
0x290: {  	[sflag:s29] =	ssyncset.done $0x0  }
0x291: {  	[sflag:s29] =	ssyncadd.s32 $0xFFFF8000  }
0x292: {  	v6 =	vld [tilespmem:$0xE40];
	_ =	sdelay $0x4  }
0x293: {  	[tilespmem:v2+s19+$0x0] =	vst.idx.msk $0xffff, v6  }
0x294: {  	v6 =	vld [tilespmem:$0xE50];
	_ =	sdelay $0x4  }
0x295: {  	[tilespmem:v3+s19+$0x0] =	vst.idx.msk $0xffff, v6  }
0x296: {  	v6 =	vld [tilespmem:$0xE60];
	_ =	sdelay $0x4  }
0x297: {  	[tilespmem:v4+s19+$0x0] =	vst.idx.msk $0xffff, v6  }
0x298: {  	v6 =	vld [tilespmem:$0xE70];
	_ =	sdelay $0x4  }
0x299: {  	[tilespmem:v5+s19+$0x0] =	vst.idx.msk $0xffff, v6  }
0x29a: {  	[hbm4b:s5+s30] =	stream.strided.scatter [tilespmem:s19], [sflag:$0x1], $0x8000, s23, s30, $0x38;
	[tilespmem:$0x19180] =	vst v63  }
0x29b: {  	_ =	swait.ge [sflag:s31], $0x8000  }
0x29c: {  	[sflag:s31] =	ssyncset.done $0x0  }
0x29d: {  	[sflag:s31] =	ssyncadd.s32 $0xFFFF8000  }
0x29e: {  	v6 =	vld [tilespmem:$0xE80];
	_ =	sdelay $0x4  }
0x29f: {  	[tilespmem:v2+s20+$0x0] =	vst.idx.msk $0xffff, v6  }
0x2a0: {  	v6 =	vld [tilespmem:$0xE90];
	_ =	sdelay $0x4  }
0x2a1: {  	[tilespmem:v3+s20+$0x0] =	vst.idx.msk $0xffff, v6  }
0x2a2: {  	v6 =	vld [tilespmem:$0xEA0];
	_ =	sdelay $0x4  }
0x2a3: {  	[tilespmem:v4+s20+$0x0] =	vst.idx.msk $0xffff, v6  }
0x2a4: {  	v6 =	vld [tilespmem:$0xEB0];
	_ =	sdelay $0x4  }
0x2a5: {  	[tilespmem:v5+s20+$0x0] =	vst.idx.msk $0xffff, v6  }
0x2a6: {  	[hbm4b:s6+s30] =	stream.strided.scatter [tilespmem:s20], [sflag:$0x2], $0x8000, s23, s30, $0x38;
	[tilespmem:$0x19180] =	vst v63  }
0x2a7: {  	_ =	swait.ge [sflag:s0], $0x8000  }
0x2a8: {  	[sflag:s0] =	ssyncset.done $0x0  }
0x2a9: {  	[sflag:s0] =	ssyncadd.s32 $0xFFFF8000  }
0x2aa: {  	v6 =	vld [tilespmem:$0xEC0];
	_ =	sdelay $0x4  }
0x2ab: {  	[tilespmem:v2+s21+$0x0] =	vst.idx.msk $0xffff, v6  }
0x2ac: {  	v6 =	vld [tilespmem:$0xED0];
	_ =	sdelay $0x4  }
0x2ad: {  	[tilespmem:v3+s21+$0x0] =	vst.idx.msk $0xffff, v6  }
0x2ae: {  	v6 =	vld [tilespmem:$0xEE0];
	_ =	sdelay $0x4  }
0x2af: {  	[tilespmem:v4+s21+$0x0] =	vst.idx.msk $0xffff, v6  }
0x2b0: {  	v6 =	vld [tilespmem:$0xEF0];
	_ =	sdelay $0x4  }
0x2b1: {  	[tilespmem:v5+s21+$0x0] =	vst.idx.msk $0xffff, v6  }
0x2b2: {  	[hbm4b:s7+s30] =	stream.strided.scatter [tilespmem:s21], [sflag:$0x3], $0x8000, s23, s30, $0x38;
	[tilespmem:$0x19180] =	vst v63  }
0x2b3: {  	_ =	swait.ge [sflag:s29], $0x8000  }
0x2b4: {  	[sflag:s29] =	ssyncset.done $0x0  }
0x2b5: {  	[sflag:s29] =	ssyncadd.s32 $0xFFFF8000  }
0x2b6: {  	v6 =	vld [tilespmem:$0xF00];
	_ =	sdelay $0x4  }
0x2b7: {  	[tilespmem:v2+s19+$0x0] =	vst.idx.msk $0xffff, v6  }
0x2b8: {  	v6 =	vld [tilespmem:$0xF10];
	_ =	sdelay $0x4  }
0x2b9: {  	[tilespmem:v3+s19+$0x0] =	vst.idx.msk $0xffff, v6  }
0x2ba: {  	v6 =	vld [tilespmem:$0xF20];
	_ =	sdelay $0x4  }
0x2bb: {  	[tilespmem:v4+s19+$0x0] =	vst.idx.msk $0xffff, v6  }
0x2bc: {  	v6 =	vld [tilespmem:$0xF30];
	_ =	sdelay $0x4  }
0x2bd: {  	[tilespmem:v5+s19+$0x0] =	vst.idx.msk $0xffff, v6  }
0x2be: {  	[hbm4b:s8+s30] =	stream.strided.scatter [tilespmem:s19], [sflag:$0x1], $0x8000, s23, s30, $0x38;
	[tilespmem:$0x19180] =	vst v63  }
0x2bf: {  	_ =	swait.ge [sflag:s31], $0x8000  }
0x2c0: {  	[sflag:s31] =	ssyncset.done $0x0  }
0x2c1: {  	[sflag:s31] =	ssyncadd.s32 $0xFFFF8000  }
0x2c2: {  	v6 =	vld [tilespmem:$0xF40];
	_ =	sdelay $0x4  }
0x2c3: {  	[tilespmem:v2+s20+$0x0] =	vst.idx.msk $0xffff, v6  }
0x2c4: {  	v6 =	vld [tilespmem:$0xF50];
	_ =	sdelay $0x4  }
0x2c5: {  	[tilespmem:v3+s20+$0x0] =	vst.idx.msk $0xffff, v6  }
0x2c6: {  	v6 =	vld [tilespmem:$0xF60];
	_ =	sdelay $0x4  }
0x2c7: {  	[tilespmem:v4+s20+$0x0] =	vst.idx.msk $0xffff, v6  }
0x2c8: {  	v6 =	vld [tilespmem:$0xF70];
	_ =	sdelay $0x4  }
0x2c9: {  	[tilespmem:v5+s20+$0x0] =	vst.idx.msk $0xffff, v6  }
0x2ca: {  	[hbm4b:s9+s30] =	stream.strided.scatter [tilespmem:s20], [sflag:$0x2], $0x8000, s23, s30, $0x38;
	[tilespmem:$0x19180] =	vst v63  }
0x2cb: {  	_ =	swait.ge [sflag:s0], $0x8000  }
0x2cc: {  	[sflag:s0] =	ssyncset.done $0x0  }
0x2cd: {  	[sflag:s0] =	ssyncadd.s32 $0xFFFF8000  }
0x2ce: {  	v6 =	vld [tilespmem:$0xF80];
	_ =	sdelay $0x4  }
0x2cf: {  	[tilespmem:v2+s21+$0x0] =	vst.idx.msk $0xffff, v6  }
0x2d0: {  	v6 =	vld [tilespmem:$0xF90];
	_ =	sdelay $0x4  }
0x2d1: {  	[tilespmem:v3+s21+$0x0] =	vst.idx.msk $0xffff, v6  }
0x2d2: {  	v6 =	vld [tilespmem:$0xFA0];
	_ =	sdelay $0x4  }
0x2d3: {  	[tilespmem:v4+s21+$0x0] =	vst.idx.msk $0xffff, v6  }
0x2d4: {  	v6 =	vld [tilespmem:$0xFB0];
	_ =	sdelay $0x4  }
0x2d5: {  	[tilespmem:v5+s21+$0x0] =	vst.idx.msk $0xffff, v6  }
0x2d6: {  	[hbm4b:s10+s30] =	stream.strided.scatter [tilespmem:s21], [sflag:$0x3], $0x8000, s23, s30, $0x38;
	[tilespmem:$0x19180] =	vst v63  }
0x2d7: {  	_ =	swait.ge [sflag:s29], $0x8000  }
0x2d8: {  	[sflag:s29] =	ssyncset.done $0x0  }
0x2d9: {  	[sflag:s29] =	ssyncadd.s32 $0xFFFF8000  }
0x2da: {  	v6 =	vld [tilespmem:$0xFC0];
	_ =	sdelay $0x4  }
0x2db: {  	[tilespmem:v2+s19+$0x0] =	vst.idx.msk $0xffff, v6  }
0x2dc: {  	v6 =	vld [tilespmem:$0xFD0];
	_ =	sdelay $0x4  }
0x2dd: {  	[tilespmem:v3+s19+$0x0] =	vst.idx.msk $0xffff, v6  }
0x2de: {  	v6 =	vld [tilespmem:$0xFE0];
	_ =	sdelay $0x4  }
0x2df: {  	[tilespmem:v4+s19+$0x0] =	vst.idx.msk $0xffff, v6  }
0x2e0: {  	v6 =	vld [tilespmem:$0xFF0];
	_ =	sdelay $0x4  }
0x2e1: {  	[tilespmem:v5+s19+$0x0] =	vst.idx.msk $0xffff, v6  }
0x2e2: {  	[hbm4b:s11+s30] =	stream.strided.scatter [tilespmem:s19], [sflag:$0x1], $0x8000, s23, s30, $0x38;
	[tilespmem:$0x19180] =	vst v63  }
0x2e3: {  	_ =	swait.ge [sflag:s31], $0x8000  }
0x2e4: {  	[sflag:s31] =	ssyncset.done $0x0  }
0x2e5: {  	[sflag:s31] =	ssyncadd.s32 $0xFFFF8000  }
0x2e6: {  	v6 =	vld [tilespmem:$0x1000];
	_ =	sdelay $0x4  }
0x2e7: {  	[tilespmem:v2+s20+$0x0] =	vst.idx.msk $0xffff, v6  }
0x2e8: {  	v6 =	vld [tilespmem:$0x1010];
	_ =	sdelay $0x4  }
0x2e9: {  	[tilespmem:v3+s20+$0x0] =	vst.idx.msk $0xffff, v6  }
0x2ea: {  	v6 =	vld [tilespmem:$0x1020];
	_ =	sdelay $0x4  }
0x2eb: {  	[tilespmem:v4+s20+$0x0] =	vst.idx.msk $0xffff, v6  }
0x2ec: {  	v6 =	vld [tilespmem:$0x1030];
	_ =	sdelay $0x4  }
0x2ed: {  	[tilespmem:v5+s20+$0x0] =	vst.idx.msk $0xffff, v6  }
0x2ee: {  	[hbm4b:s12+s30] =	stream.strided.scatter [tilespmem:s20], [sflag:$0x2], $0x8000, s23, s30, $0x38;
	[tilespmem:$0x19180] =	vst v63  }
0x2ef: {  	_ =	swait.ge [sflag:s0], $0x8000  }
0x2f0: {  	[sflag:s0] =	ssyncset.done $0x0  }
0x2f1: {  	[sflag:s0] =	ssyncadd.s32 $0xFFFF8000  }
0x2f2: {  	v6 =	vld [tilespmem:$0x1040];
	_ =	sdelay $0x4  }
0x2f3: {  	[tilespmem:v2+s21+$0x0] =	vst.idx.msk $0xffff, v6  }
0x2f4: {  	v6 =	vld [tilespmem:$0x1050];
	_ =	sdelay $0x4  }
0x2f5: {  	[tilespmem:v3+s21+$0x0] =	vst.idx.msk $0xffff, v6  }
0x2f6: {  	v6 =	vld [tilespmem:$0x1060];
	_ =	sdelay $0x4  }
0x2f7: {  	[tilespmem:v4+s21+$0x0] =	vst.idx.msk $0xffff, v6  }
0x2f8: {  	v6 =	vld [tilespmem:$0x1070];
	_ =	sdelay $0x4  }
0x2f9: {  	[tilespmem:v5+s21+$0x0] =	vst.idx.msk $0xffff, v6  }
0x2fa: {  	[hbm4b:s13+s30] =	stream.strided.scatter [tilespmem:s21], [sflag:$0x3], $0x8000, s23, s30, $0x38;
	[tilespmem:$0x19180] =	vst v63  }
0x2fb: {  	_ =	swait.ge [sflag:s29], $0x8000  }
0x2fc: {  	[sflag:s29] =	ssyncset.done $0x0  }
0x2fd: {  	[sflag:s29] =	ssyncadd.s32 $0xFFFF8000  }
0x2fe: {  	v6 =	vld [tilespmem:$0x1080];
	_ =	sdelay $0x4  }
0x2ff: {  	[tilespmem:v2+s19+$0x0] =	vst.idx.msk $0xffff, v6  }
0x300: {  	v6 =	vld [tilespmem:$0x1090];
	_ =	sdelay $0x4  }
0x301: {  	[tilespmem:v3+s19+$0x0] =	vst.idx.msk $0xffff, v6  }
0x302: {  	v6 =	vld [tilespmem:$0x10A0];
	_ =	sdelay $0x4  }
0x303: {  	[tilespmem:v4+s19+$0x0] =	vst.idx.msk $0xffff, v6  }
0x304: {  	v6 =	vld [tilespmem:$0x10B0];
	_ =	sdelay $0x4  }
0x305: {  	[tilespmem:v5+s19+$0x0] =	vst.idx.msk $0xffff, v6  }
0x306: {  	[hbm4b:s14+s30] =	stream.strided.scatter [tilespmem:s19], [sflag:$0x1], $0x8000, s23, s30, $0x38;
	[tilespmem:$0x19180] =	vst v63  }
0x307: {  	_ =	swait.ge [sflag:s31], $0x8000  }
0x308: {  	[sflag:s31] =	ssyncset.done $0x0  }
0x309: {  	[sflag:s31] =	ssyncadd.s32 $0xFFFF8000  }
0x30a: {  	v6 =	vld [tilespmem:$0x10C0];
	_ =	sdelay $0x4  }
0x30b: {  	[tilespmem:v2+s20+$0x0] =	vst.idx.msk $0xffff, v6  }
0x30c: {  	v6 =	vld [tilespmem:$0x10D0];
	_ =	sdelay $0x4  }
0x30d: {  	[tilespmem:v3+s20+$0x0] =	vst.idx.msk $0xffff, v6  }
0x30e: {  	v6 =	vld [tilespmem:$0x10E0];
	_ =	sdelay $0x4  }
0x30f: {  	[tilespmem:v4+s20+$0x0] =	vst.idx.msk $0xffff, v6  }
0x310: {  	v6 =	vld [tilespmem:$0x10F0];
	_ =	sdelay $0x4  }
0x311: {  	[tilespmem:v5+s20+$0x0] =	vst.idx.msk $0xffff, v6  }
0x312: {  	[hbm4b:s15+s30] =	stream.strided.scatter [tilespmem:s20], [sflag:$0x2], $0x8000, s23, s30, $0x38;
	[tilespmem:$0x19180] =	vst v63  }
0x313: {  	_ =	swait.ge [sflag:s0], $0x8000  }
0x314: {  	[sflag:s0] =	ssyncset.done $0x0  }
0x315: {  	[sflag:s0] =	ssyncadd.s32 $0xFFFF8000  }
0x316: {  	v6 =	vld [tilespmem:$0x1100];
	_ =	sdelay $0x4  }
0x317: {  	[tilespmem:v2+s21+$0x0] =	vst.idx.msk $0xffff, v6  }
0x318: {  	v6 =	vld [tilespmem:$0x1110];
	_ =	sdelay $0x4  }
0x319: {  	[tilespmem:v3+s21+$0x0] =	vst.idx.msk $0xffff, v6  }
0x31a: {  	v6 =	vld [tilespmem:$0x1120];
	_ =	sdelay $0x4  }
0x31b: {  	[tilespmem:v4+s21+$0x0] =	vst.idx.msk $0xffff, v6  }
0x31c: {  	v6 =	vld [tilespmem:$0x1130];
	_ =	sdelay $0x4  }
0x31d: {  	[tilespmem:v5+s21+$0x0] =	vst.idx.msk $0xffff, v6  }
0x31e: {  	[hbm4b:s16+s30] =	stream.strided.scatter [tilespmem:s21], [sflag:$0x3], $0x8000, s23, s30, $0x38;
	[tilespmem:$0x19180] =	vst v63  }
0x31f: {  	_ =	swait.ge [sflag:s29], $0x8000  }
0x320: {  	[sflag:s29] =	ssyncset.done $0x0  }
0x321: {  	[sflag:s29] =	ssyncadd.s32 $0xFFFF8000  }
0x322: {  	v6 =	vld [tilespmem:$0x1140];
	_ =	sdelay $0x4  }
0x323: {  	[tilespmem:v2+s19+$0x0] =	vst.idx.msk $0xffff, v6  }
0x324: {  	v2 =	vld [tilespmem:$0x1150];
	_ =	sdelay $0x4  }
0x325: {  	[tilespmem:v3+s19+$0x0] =	vst.idx.msk $0xffff, v2  }
0x326: {  	v2 =	vld [tilespmem:$0x1160];
	_ =	sdelay $0x4  }
0x327: {  	[tilespmem:v4+s19+$0x0] =	vst.idx.msk $0xffff, v2  }
0x328: {  	v2 =	vld [tilespmem:$0x1170];
	_ =	sdelay $0x4  }
0x329: {  	[tilespmem:v5+s19+$0x0] =	vst.idx.msk $0xffff, v2  }
0x32a: {  	[hbm4b:s17+s30] =	stream.strided.scatter [tilespmem:s19], [sflag:$0x1], $0x8000, s23, s30, $0x38;
	[tilespmem:$0x19180] =	vst v63  }
0x32b: {  	_ =	swait.ge [sflag:s31], $0x8000  }
0x32c: {  	[sflag:s31] =	ssyncset.done $0x0  }
0x32d: {  	[sflag:s31] =	ssyncadd.s32 $0xFFFF8000  }
0x32e: {  	p0 =	sne.s32 s18, $0x1;
	_ =	swait.ge [sflag:s0], $0x8000  }
.Ltmp0:
0x32f: {  	[sflag:s0] =	ssyncset.done $0x0;
	(pc) =	sbr.rel @p0 .LBB2_1-.Ltmp0, $4  }
0x330: {  	[sflag:s0] =	ssyncadd.s32 $0xFFFF8000  }
0x331: {  	_ =	swait.ge [sflag:s29], $0x8000  }
0x332: {  	[sflag:s29] =	ssyncset.done $0x0  }
0x333: {  	s18 =	sadd.s32 $0xFFFFFFFF, s18;
	[sflag:s29] =	ssyncadd.s32 $0xFFFF8000  }
0x334: {  	_ =	sfence.sel $0x180000  }
0x335: {  	[bflag:$0x0] =	sbarrier.arrive $0xFFFF  }
0x336: {  	_ =	strace $0x90000047  }
0x337: {  	s0 =	stileid.u32;
	[bflag:$0x2] =	sbarrier.arrive $0xFFFF  }
0x338: {  	p0 =	sne.s32 s0, $0x0;
	s0 =	rddreg [dreg:$0x2]  }
0x339: {  	s0 =	sadd.s32 @!p0 $0x100000, s0  }
0x33a: {  	[sflag:s0] =	ssyncadd.tile.s32 @!p0 $0x1;
	_ =	shalt  }
.Lfunc_end2:
_tile_overlayer_lowered:
.L_overlay_start_2:
0x33b: {  	(tag) =	ssettag $0x2  }
0x33c: {  	s0 =	rddreg [dreg:$0x0];
	s2 =	stileid.u32  }
0x33d: {  	s1 =	rddreg [dreg:$0x1];
	p0 =	sne.s32 s2, $0x0  }
0x33e: {  	s3 =	rddreg [dreg:$0x2];
	[bflag:$0x3] =	sbarrier.arrive $0xFFFF;
	s2 =	simm.s32 @!p0 $0x1C04  }
0x33f: {  	[timem:s3], [sflag:s2] =	dma.local @!p0 [hbm:s0], s1  }
0x340: {  	s0 =	simm.s32 @!p0 $0x4  }
0x341: {  	_ =	swait.ge @!p0 [sflag:s0], s1  }
0x342: {  	s1 =	ssub.s32 @!p0 $0x0, s1;
	[sflag:s0] =	ssyncset.done @!p0 $0x0  }
0x343: {  	[sflag:s0] =	ssyncadd.s32 @!p0 s1  }
0x344: {  	[bflag:$0x3] =	sbarrier.arrive $0xFFFF  }
0x345: {  	_ =	shalt  }

</sc_bundles>
